<compile_context>
chip_gen: v7x
topology: tpu7x:2x2x1
jax: 0.10.2.dev20260603
libtpu: 0.0.44.dev20260713+nightly
codegen_flags: <defaults>
</compile_context>

<pallas_src>
import dataclasses
import functools

import jax
import jax.numpy as jnp
from jax import lax
from jax.experimental import pallas as pl
from jax.experimental.pallas import tpu as pltpu
from jax.experimental.pallas import tpu_sc as plsc

N_NODES = 10000
N_EDGES = 320000
D = 128

NC = 2
NS = 16
NW = NC * NS

CH = 128
NCHUNK = 80
EPT = NCHUNK * CH
E_PAD = NW * EPT
N_ACC = 10240
RPT = N_ACC // NS

FPT = D // NW
CHE = 4096
NCHE = E_PAD // CHE
UNROLL = 8

_MESH = plsc.VectorSubcoreMesh(core_axis_name="c", subcore_axis_name="s",
                               num_cores=NC, num_subcores=NS)

_SC_PARAMS = pltpu.CompilerParams()
if "needs_layout_passes" in pltpu.CompilerParams.__dataclass_fields__:
    _SC_PARAMS = dataclasses.replace(_SC_PARAMS, needs_layout_passes=False)



@functools.partial(
    pl.kernel,
    out_type=jax.ShapeDtypeStruct((NC, N_ACC), jnp.float32),
    mesh=_MESH,
    scratch_types=[
        pltpu.VMEM((NCHUNK, CH), jnp.int32),
        pltpu.VMEM((N_ACC,), jnp.float32),
        pltpu.VMEM((NS, RPT), jnp.float32),
        pltpu.VMEM_SHARED((NS, N_ACC), jnp.float32),
        pltpu.SemaphoreType.DMA,
    ],
    compiler_params=_SC_PARAMS,
)
def _deg_kernel(dst_hbm, out_hbm, dst_v, deg_v, red_v, stage_sh, sem):
    cid = lax.axis_index("c")
    sid = lax.axis_index("s")
    wid = cid * NS + sid

    pltpu.async_copy(dst_hbm.at[wid], dst_v, sem).wait()

    zero16 = jnp.zeros((16,), jnp.float32)
    one16 = jnp.ones((16,), jnp.float32)

    @pl.loop(0, N_ACC, step=16)
    def _(i):
        deg_v[pl.ds(i, 16)] = zero16

    @pl.loop(0, NCHUNK)
    def _(j):
        for k in range(CH // 16):
            idx = dst_v[j, pl.ds(k * 16, 16)]
            plsc.addupdate_scatter(deg_v, [idx], one16)

    pltpu.sync_copy(deg_v, stage_sh.at[sid])
    plsc.subcore_barrier()
    for r in range(NS):
        pltpu.sync_copy(stage_sh.at[r, pl.ds(sid * RPT, RPT)], red_v.at[r])

    @pl.loop(0, RPT, step=16)
    def _(c):
        acc = red_v[0, pl.ds(c, 16)]
        for r in range(1, NS):
            acc = acc + red_v[r, pl.ds(c, 16)]
        deg_v[pl.ds(c, 16)] = acc

    pltpu.sync_copy(deg_v.at[pl.ds(0, RPT)], out_hbm.at[cid, pl.ds(sid * RPT, RPT)])


@functools.partial(
    pl.kernel,
    out_type=jax.ShapeDtypeStruct((D * N_ACC,), jnp.float32),
    mesh=_MESH,
    scratch_types=[
        pltpu.VMEM((FPT * N_ACC,), jnp.float32),
        pltpu.VMEM((FPT * N_ACC,), jnp.float32),
        pltpu.VMEM((2, CHE), jnp.int32),
        pltpu.VMEM((2, CHE), jnp.int32),
        pltpu.SemaphoreType.DMA,
        pltpu.SemaphoreType.DMA,
        pltpu.SemaphoreType.DMA,
    ],
    compiler_params=_SC_PARAMS,
)
def _edge_kernel(gt_hbm, idx_hbm, out_hbm, slab_v, acc_v, idx_a, idx_b,
                 sem_s, sem_a, sem_b):
    cid = lax.axis_index("c")
    sid = lax.axis_index("s")
    wid = cid * NS + sid

    pltpu.async_copy(gt_hbm.at[pl.ds(wid * FPT * N_ACC, FPT * N_ACC)],
                     slab_v, sem_s).wait()

    zero16 = jnp.zeros((16,), jnp.float32)

    @pl.loop(0, FPT * N_ACC, step=16)
    def _(i):
        acc_v[pl.ds(i, 16)] = zero16

    offs = [jnp.full((16,), r * N_ACC, jnp.int32) for r in range(1, FPT)]

    def process(idx_v):
        @pl.loop(0, CHE, step=16 * UNROLL)
        def _(e):
            for u in range(UNROLL):
                srcv = idx_v[0, pl.ds(e + u * 16, 16)]
                dstv = idx_v[1, pl.ds(e + u * 16, 16)]
                srcs = [srcv] + [srcv + o for o in offs]
                dsts = [dstv] + [dstv + o for o in offs]
                vals = [plsc.load_gather(slab_v, [s]) for s in srcs]
                for r in range(FPT):
                    plsc.addupdate_scatter(acc_v, [dsts[r]], vals[r])

    @pl.loop(0, NCHE, step=2)
    def _(j):
        da = pltpu.async_copy(idx_hbm.at[j], idx_a, sem_a)
        db = pltpu.async_copy(idx_hbm.at[j + 1], idx_b, sem_b)
        da.wait()
        process(idx_a)
        db.wait()
        process(idx_b)

    pltpu.sync_copy(acc_v, out_hbm.at[pl.ds(wid * FPT * N_ACC, FPT * N_ACC)])



_CB = 1024
_GRID = N_ACC // _CB


def _tc1_body(x_ref, w_ref, d0_ref, d1_ref, g_ref, dinv_ref):
    dinv = lax.rsqrt(d0_ref[...] + d1_ref[...] + 1.0)
    gt = lax.dot_general(w_ref[...], x_ref[...],
                         (((0,), (1,)), ((), ())),
                         preferred_element_type=jnp.float32)
    g_ref[...] = gt * dinv
    dinv_ref[...] = dinv


def _tc2_body(acc_ref, g1_ref, dinv_ref, w_ref, b_ref, g2_ref):
    dinv = dinv_ref[...]
    h = (acc_ref[...] + g1_ref[...]) * dinv + b_ref[...]
    h = jnp.where(h > 0, h, jnp.exp(jnp.minimum(h, 0.0)) - 1.0)
    gt = lax.dot_general(w_ref[...], h,
                         (((0,), (0,)), ((), ())),
                         preferred_element_type=jnp.float32)
    g2_ref[...] = gt * dinv


def _tc3_body(acc_ref, g2_ref, dinv_ref, b_ref, o_ref):
    h = (acc_ref[...] + g2_ref[...]) * dinv_ref[...] + b_ref[...]
    o_ref[...] = jax.nn.sigmoid(h)


_gt_spec = pl.BlockSpec((D, _CB), lambda i: (0, i))
_x_spec = pl.BlockSpec((_CB, D), lambda i: (i, 0))
_row_spec = pl.BlockSpec((1, _CB), lambda i: (0, i))
_w_spec = pl.BlockSpec((D, D), lambda i: (0, 0))
_b_spec = pl.BlockSpec((D, 1), lambda i: (0, 0))
_acc_spec = pl.BlockSpec((D, _CB), lambda i: (0, i))

_tc1 = pl.pallas_call(
    _tc1_body,
    grid=(_GRID,),
    in_specs=[_x_spec, _w_spec, _row_spec, _row_spec],
    out_specs=[_gt_spec, _row_spec],
    out_shape=[jax.ShapeDtypeStruct((D, N_ACC), jnp.float32),
               jax.ShapeDtypeStruct((1, N_ACC), jnp.float32)],
)

_tc2 = pl.pallas_call(
    _tc2_body,
    grid=(_GRID,),
    in_specs=[_acc_spec, _gt_spec, _row_spec, _w_spec, _b_spec],
    out_specs=_gt_spec,
    out_shape=jax.ShapeDtypeStruct((D, N_ACC), jnp.float32),
)

_tc3 = pl.pallas_call(
    _tc3_body,
    grid=(_GRID,),
    in_specs=[_acc_spec, _gt_spec, _row_spec, _b_spec],
    out_specs=_gt_spec,
    out_shape=jax.ShapeDtypeStruct((D, N_ACC), jnp.float32),
)



@jax.jit
def kernel(x, edge_index, edge_attr, W1, b1, W2, b2):
    del edge_attr
    src = edge_index[0].astype(jnp.int32)
    dst = edge_index[1].astype(jnp.int32)
    pad = E_PAD - N_EDGES
    src_p = jnp.pad(src, (0, pad))
    dst_p = jnp.pad(dst, (0, pad), constant_values=N_NODES)
    dst3 = dst_p.reshape(NW, NCHUNK, CH)
    idx_pairs = jnp.stack([src_p.reshape(NCHE, CHE),
                           dst_p.reshape(NCHE, CHE)], axis=1)

    deg = _deg_kernel(dst3)
    d0 = deg[0].reshape(1, N_ACC)
    d1 = deg[1].reshape(1, N_ACC)

    x_p = jnp.pad(x, ((0, N_ACC - N_NODES), (0, 0)))
    g1, dinv = _tc1(x_p, W1, d0, d1)
    acc1 = _edge_kernel(g1.reshape(-1), idx_pairs).reshape(D, N_ACC)
    g2 = _tc2(acc1, g1, dinv, W2, b1.reshape(D, 1))
    acc2 = _edge_kernel(g2.reshape(-1), idx_pairs).reshape(D, N_ACC)
    out_t = _tc3(acc2, g2, dinv, b2.reshape(D, 1))
    return out_t[:, :N_NODES].T

# --- scband reference (transcript-rebuilt; emitter-appended) ---
"""Pipeline reference for scband-custom-gcn-36567351558181 (READ-ONLY COPY).

The authoritative reference and input builder live on the scoring server;
editing this copy changes nothing except your own understanding.
"""

import jax, jax.numpy as jnp
import numpy as np

N_NODES = 10000
N_EDGES = 320000
D_IN = 128
D_H = 128
D_OUT = 128


def setup_inputs(seed: int = 0) -> dict:
    key = jax.random.key(seed)
    k_x, k_ei, k_ea, k_w1, k_b1, k_w2, k_b2 = jax.random.split(key, 7)
    x = jax.random.normal(k_x, (N_NODES, D_IN), dtype=jnp.float32)
    edge_index = jax.random.randint(k_ei, (2, N_EDGES), 0, N_NODES, dtype=jnp.int64)
    edge_attr = jax.random.normal(k_ea, (N_EDGES, 4), dtype=jnp.float32)
    # GCNConv params (glorot-style scale)
    W1 = jax.random.normal(k_w1, (D_IN, D_H), dtype=jnp.float32) * (1.0 / np.sqrt(D_IN))
    b1 = jnp.zeros((D_H,), dtype=jnp.float32)
    W2 = jax.random.normal(k_w2, (D_H, D_OUT), dtype=jnp.float32) * (1.0 / np.sqrt(D_H))
    b2 = jnp.zeros((D_OUT,), dtype=jnp.float32)
    return {"x": x, "edge_index": edge_index, "edge_attr": edge_attr,
            "W1": W1, "b1": b1, "W2": W2, "b2": b2}


def _gcn_conv(x, src, dst, W, b, n_nodes):
    # PyG GCNConv: add self-loops, sym-normalize, propagate, then bias.
    self_idx = jnp.arange(n_nodes, dtype=src.dtype)
    s = jnp.concatenate([src, self_idx])
    d = jnp.concatenate([dst, self_idx])
    deg = jnp.zeros((n_nodes,), dtype=x.dtype).at[d].add(1.0)
    dinv = jnp.where(deg > 0, 1.0 / jnp.sqrt(deg), 0.0)
    norm = dinv[s] * dinv[d]
    h = x @ W
    msg = h[s] * norm[:, None]
    out = jnp.zeros((n_nodes, h.shape[1]), dtype=x.dtype).at[d].add(msg)
    return out + b


def reference(x, edge_index, edge_attr, W1, b1, W2, b2):
    # CustomGCN with num_layers=1: conv1 -> elu -> dropout(eval: identity) -> conv2 -> sigmoid
    # edge_attr is accepted by forward but unused by GCNConv.
    src = edge_index[0]
    dst = edge_index[1]
    n_nodes = x.shape[0]
    h = _gcn_conv(x, src, dst, W1, b1, n_nodes)
    h = jax.nn.elu(h)
    # F.dropout in eval mode is identity
    h = _gcn_conv(h, src, dst, W2, b2, n_nodes)
    return jax.nn.sigmoid(h)

if __name__ == "__main__":
    import jax
    _d = setup_inputs()
    print(jax.jit(kernel)(*tuple(_d.values())))

</pallas_src>

<mosaic_0001>
#map = affine_map<(d0, d1) -> (0)>
#map1 = affine_map<(d0, d1) -> (0, 0, 0)>
module attributes {stable_mosaic.version = 14 : i64} {
  func.func @_edge_kernel(%arg0: i32, %arg1: i32, %arg2: memref<1310720xf32, #tpu.memory_space<hbm>>, %arg3: memref<80x2x4096xi32, #tpu.memory_space<hbm>>, %arg4: memref<1310720xf32, #tpu.memory_space<hbm>>, %arg5: memref<40960xf32, #tpu.memory_space<vmem>>, %arg6: memref<40960xf32, #tpu.memory_space<vmem>>, %arg7: memref<2x4096xi32, #tpu.memory_space<vmem>>, %arg8: memref<2x4096xi32, #tpu.memory_space<vmem>>, %arg9: memref<!tpu.dma_semaphore, #tpu.memory_space<semaphore_mem>>, %arg10: memref<!tpu.dma_semaphore, #tpu.memory_space<semaphore_mem>>, %arg11: memref<!tpu.dma_semaphore, #tpu.memory_space<semaphore_mem>>) attributes {dimension_semantics = [#tpu.dimension_semantics<core_parallel>, #tpu.dimension_semantics<subcore_parallel>], iteration_bounds = array<i64: 2, 16>, scalar_prefetch = 0 : i64, scratch_operands = 7 : i64, tpu.core_type = #tpu.core_type<sc_vector_subcore>, window_params = [{transform_indices = #map}, {transform_indices = #map1}, {transform_indices = #map}]} {
    %mul3A = arith.constant 16 : i32
    %mul3A_0 = arith.muli %arg0, %mul3A : i32
    %add3A = arith.addi %mul3A_0, %arg1 : i32
    %mul3A_1 = arith.constant 4 : i32
    %mul3A_2 = arith.muli %add3A, %mul3A_1 : i32
    %mul3A_3 = arith.constant 10240 : i32
    %mul3A_4 = arith.muli %mul3A_2, %mul3A_3 : i32
    %dma_start3A = tpu.memref_slice %arg2[%mul3A_4] : memref<1310720xf32, #tpu.memory_space<hbm>> -> memref<40960xf32, #tpu.memory_space<hbm>>
    %dma_start3A_5 = tpu.memref_slice %arg2[%mul3A_4] : memref<1310720xf32, #tpu.memory_space<hbm>> -> memref<40960xf32, #tpu.memory_space<hbm>>
    tpu.enqueue_dma source(%dma_start3A_5 : memref<40960xf32, #tpu.memory_space<hbm>>) target(%arg5 : memref<40960xf32, #tpu.memory_space<vmem>>) target_semaphore(%arg9 : memref<!tpu.dma_semaphore, #tpu.memory_space<semaphore_mem>>)
    %dma_wait3A = tpu.memref_slice %arg2[%mul3A_4] : memref<1310720xf32, #tpu.memory_space<hbm>> -> memref<40960xf32, #tpu.memory_space<hbm>>
    %dma_wait3A_6 = tpu.memref_slice %arg2[%mul3A_4] : memref<1310720xf32, #tpu.memory_space<hbm>> -> memref<40960xf32, #tpu.memory_space<hbm>>
    tpu.wait_dma2 semaphore(%arg9 : memref<!tpu.dma_semaphore, #tpu.memory_space<semaphore_mem>>) src(%dma_wait3A_6 : memref<40960xf32, #tpu.memory_space<hbm>>) dst(%arg5 : memref<40960xf32, #tpu.memory_space<vmem>>)
    %broadcast_in_dim3A = arith.constant 0.000000e+00 : f32
    %broadcast_in_dim3A_7 = vector.broadcast %broadcast_in_dim3A : f32 to vector<16xf32>
    %scan3A = arith.constant 0 : i32
    %scan3A_8 = arith.constant 2560 : i32
    %scan3A_9 = arith.addi %scan3A, %scan3A_8 : i32
    %scan3A_10 = arith.constant 1 : i32
    scf.for %scan3A_27 = %scan3A to %scan3A_9 step %scan3A_10  : i32 {
      %mul3A_28 = arith.constant 16 : i32
      %mul3A_29 = arith.muli %scan3A_27, %mul3A_28 : i32
      %add3A_30 = arith.constant 0 : i32
      %add3A_31 = arith.addi %add3A_30, %mul3A_29 : i32
      %swap3A = arith.index_cast %add3A_31 : i32 to index
      %swap3A_32 = tpu.vector_load %arg6[%swap3A] {strides = array<i32>} : memref<40960xf32, #tpu.memory_space<vmem>>, vector<16xf32>,
      tpu.vector_store %arg6[%swap3A], %broadcast_in_dim3A_7 {strides = array<i32>} : memref<40960xf32, #tpu.memory_space<vmem>>, vector<16xf32>,
    }
    %scan3A_11 = arith.constant 2560 : i32
    %broadcast_in_dim3A_12 = arith.constant 10240 : i32
    %broadcast_in_dim3A_13 = vector.broadcast %broadcast_in_dim3A_12 : i32 to vector<16xi32>
    %broadcast_in_dim3A_14 = arith.constant 20480 : i32
    %broadcast_in_dim3A_15 = vector.broadcast %broadcast_in_dim3A_14 : i32 to vector<16xi32>
    %broadcast_in_dim3A_16 = arith.constant 30720 : i32
    %broadcast_in_dim3A_17 = vector.broadcast %broadcast_in_dim3A_16 : i32 to vector<16xi32>
    %scan3A_18 = arith.constant 0 : i32
    %scan3A_19 = arith.constant 40 : i32
    %scan3A_20 = arith.addi %scan3A_18, %scan3A_19 : i32
    %scan3A_21 = arith.constant 1 : i32
    scf.for %scan3A_27 = %scan3A_18 to %scan3A_20 step %scan3A_21  : i32 {
      %mul3A_28 = arith.constant 2 : i32
      %mul3A_29 = arith.muli %scan3A_27, %mul3A_28 : i32
      %add3A_30 = arith.constant 0 : i32
      %add3A_31 = arith.addi %add3A_30, %mul3A_29 : i32
      %dma_start3A_32 = arith.constant 0 : i32
      %dma_start3A_33 = arith.constant 0 : i32
      %dma_start3A_34 = tpu.memref_slice %arg3[%add3A_31, %dma_start3A_32, %dma_start3A_33] : memref<80x2x4096xi32, #tpu.memory_space<hbm>> -> memref<1x2x4096xi32, #tpu.memory_space<hbm>>
      %dma_start3A_35 = tpu.memref_squeeze %dma_start3A_34 : memref<1x2x4096xi32, #tpu.memory_space<hbm>> -> memref<2x4096xi32, #tpu.memory_space<hbm>>
      %dma_start3A_36 = arith.constant 0 : i32
      %dma_start3A_37 = arith.constant 0 : i32
      %dma_start3A_38 = tpu.memref_slice %arg3[%add3A_31, %dma_start3A_36, %dma_start3A_37] : memref<80x2x4096xi32, #tpu.memory_space<hbm>> -> memref<1x2x4096xi32, #tpu.memory_space<hbm>>
      %dma_start3A_39 = tpu.memref_squeeze %dma_start3A_38 : memref<1x2x4096xi32, #tpu.memory_space<hbm>> -> memref<2x4096xi32, #tpu.memory_space<hbm>>
      tpu.enqueue_dma source(%dma_start3A_39 : memref<2x4096xi32, #tpu.memory_space<hbm>>) target(%arg7 : memref<2x4096xi32, #tpu.memory_space<vmem>>) target_semaphore(%arg10 : memref<!tpu.dma_semaphore, #tpu.memory_space<semaphore_mem>>)
      %add3A_40 = arith.constant 1 : i32
      %add3A_41 = arith.addi %add3A_31, %add3A_40 : i32
      %dma_start3A_42 = arith.constant 0 : i32
      %dma_start3A_43 = arith.constant 0 : i32
      %dma_start3A_44 = tpu.memref_slice %arg3[%add3A_41, %dma_start3A_42, %dma_start3A_43] : memref<80x2x4096xi32, #tpu.memory_space<hbm>> -> memref<1x2x4096xi32, #tpu.memory_space<hbm>>
      %dma_start3A_45 = tpu.memref_squeeze %dma_start3A_44 : memref<1x2x4096xi32, #tpu.memory_space<hbm>> -> memref<2x4096xi32, #tpu.memory_space<hbm>>
      %dma_start3A_46 = arith.constant 0 : i32
      %dma_start3A_47 = arith.constant 0 : i32
      %dma_start3A_48 = tpu.memref_slice %arg3[%add3A_41, %dma_start3A_46, %dma_start3A_47] : memref<80x2x4096xi32, #tpu.memory_space<hbm>> -> memref<1x2x4096xi32, #tpu.memory_space<hbm>>
      %dma_start3A_49 = tpu.memref_squeeze %dma_start3A_48 : memref<1x2x4096xi32, #tpu.memory_space<hbm>> -> memref<2x4096xi32, #tpu.memory_space<hbm>>
      tpu.enqueue_dma source(%dma_start3A_49 : memref<2x4096xi32, #tpu.memory_space<hbm>>) target(%arg8 : memref<2x4096xi32, #tpu.memory_space<vmem>>) target_semaphore(%arg11 : memref<!tpu.dma_semaphore, #tpu.memory_space<semaphore_mem>>)
      %dma_wait3A_50 = arith.constant 0 : i32
      %dma_wait3A_51 = arith.constant 0 : i32
      %dma_wait3A_52 = tpu.memref_slice %arg3[%add3A_31, %dma_wait3A_50, %dma_wait3A_51] : memref<80x2x4096xi32, #tpu.memory_space<hbm>> -> memref<1x2x4096xi32, #tpu.memory_space<hbm>>
      %dma_wait3A_53 = tpu.memref_squeeze %dma_wait3A_52 : memref<1x2x4096xi32, #tpu.memory_space<hbm>> -> memref<2x4096xi32, #tpu.memory_space<hbm>>
      %dma_wait3A_54 = arith.constant 0 : i32
      %dma_wait3A_55 = arith.constant 0 : i32
      %dma_wait3A_56 = tpu.memref_slice %arg3[%add3A_31, %dma_wait3A_54, %dma_wait3A_55] : memref<80x2x4096xi32, #tpu.memory_space<hbm>> -> memref<1x2x4096xi32, #tpu.memory_space<hbm>>
      %dma_wait3A_57 = tpu.memref_squeeze %dma_wait3A_56 : memref<1x2x4096xi32, #tpu.memory_space<hbm>> -> memref<2x4096xi32, #tpu.memory_space<hbm>>
      tpu.wait_dma2 semaphore(%arg10 : memref<!tpu.dma_semaphore, #tpu.memory_space<semaphore_mem>>) src(%dma_wait3A_57 : memref<2x4096xi32, #tpu.memory_space<hbm>>) dst(%arg7 : memref<2x4096xi32, #tpu.memory_space<vmem>>)
      %scan3A_58 = arith.constant 0 : i32
      %scan3A_59 = arith.constant 32 : i32
      %scan3A_60 = arith.addi %scan3A_58, %scan3A_59 : i32
      %scan3A_61 = arith.constant 1 : i32
      scf.for %scan3A_76 = %scan3A_58 to %scan3A_60 step %scan3A_61  : i32 {
        %mul3A_77 = arith.constant 128 : i32
        %mul3A_78 = arith.muli %scan3A_76, %mul3A_77 : i32
        %add3A_79 = arith.constant 0 : i32
        %add3A_80 = arith.addi %add3A_79, %mul3A_78 : i32
        %add3A_81 = arith.constant 0 : i32
        %add3A_82 = arith.addi %add3A_80, %add3A_81 : i32
        %get3A = arith.constant 0 : i32
        %get3A_83 = arith.index_cast %get3A : i32 to index
        %get3A_84 = arith.index_cast %add3A_82 : i32 to index
        %get3A_85 = tpu.vector_load %arg7[%get3A_83, %get3A_84] {strides = array<i32>} : memref<2x4096xi32, #tpu.memory_space<vmem>>, vector<16xi32>,
        %add3A_86 = arith.constant 0 : i32
        %add3A_87 = arith.addi %add3A_80, %add3A_86 : i32
        %get3A_88 = arith.constant 1 : i32
        %get3A_89 = arith.index_cast %get3A_88 : i32 to index
        %get3A_90 = arith.index_cast %add3A_87 : i32 to index
        %get3A_91 = tpu.vector_load %arg7[%get3A_89, %get3A_90] {strides = array<i32>} : memref<2x4096xi32, #tpu.memory_space<vmem>>, vector<16xi32>,
        %add3A_92 = arith.addi %get3A_85, %broadcast_in_dim3A_13 : vector<16xi32>
        %add3A_93 = arith.addi %get3A_85, %broadcast_in_dim3A_15 : vector<16xi32>
        %add3A_94 = arith.addi %get3A_85, %broadcast_in_dim3A_17 : vector<16xi32>
        %add3A_95 = arith.addi %get3A_91, %broadcast_in_dim3A_13 : vector<16xi32>
        %add3A_96 = arith.addi %get3A_91, %broadcast_in_dim3A_15 : vector<16xi32>
        %add3A_97 = arith.addi %get3A_91, %broadcast_in_dim3A_17 : vector<16xi32>
        %gather3A = tpu.vector_load_idx %arg5[%get3A_85] : memref<40960xf32, #tpu.memory_space<vmem>>[vector<16xi32>], vector<16xf32>,
        %gather3A_98 = tpu.vector_load_idx %arg5[%add3A_92] : memref<40960xf32, #tpu.memory_space<vmem>>[vector<16xi32>], vector<16xf32>,
        %gather3A_99 = tpu.vector_load_idx %arg5[%add3A_93] : memref<40960xf32, #tpu.memory_space<vmem>>[vector<16xi32>], vector<16xf32>,
        %gather3A_100 = tpu.vector_load_idx %arg5[%add3A_94] : memref<40960xf32, #tpu.memory_space<vmem>>[vector<16xi32>], vector<16xf32>,
        tpu.vector_store_idx %arg6[%get3A_91], %gather3A {add = true} : memref<40960xf32, #tpu.memory_space<vmem>>[vector<16xi32>], vector<16xf32>,
        tpu.vector_store_idx %arg6[%add3A_95], %gather3A_98 {add = true} : memref<40960xf32, #tpu.memory_space<vmem>>[vector<16xi32>], vector<16xf32>,
        tpu.vector_store_idx %arg6[%add3A_96], %gather3A_99 {add = true} : memref<40960xf32, #tpu.memory_space<vmem>>[vector<16xi32>], vector<16xf32>,
        tpu.vector_store_idx %arg6[%add3A_97], %gather3A_100 {add = true} : memref<40960xf32, #tpu.memory_space<vmem>>[vector<16xi32>], vector<16xf32>,
        %add3A_101 = arith.constant 16 : i32
        %add3A_102 = arith.addi %add3A_80, %add3A_101 : i32
        %get3A_103 = arith.constant 0 : i32
        %get3A_104 = arith.index_cast %get3A_103 : i32 to index
        %get3A_105 = arith.index_cast %add3A_102 : i32 to index
        %get3A_106 = tpu.vector_load %arg7[%get3A_104, %get3A_105] {strides = array<i32>} : memref<2x4096xi32, #tpu.memory_space<vmem>>, vector<16xi32>,
        %add3A_107 = arith.constant 16 : i32
        %add3A_108 = arith.addi %add3A_80, %add3A_107 : i32
        %get3A_109 = arith.constant 1 : i32
        %get3A_110 = arith.index_cast %get3A_109 : i32 to index
        %get3A_111 = arith.index_cast %add3A_108 : i32 to index
        %get3A_112 = tpu.vector_load %arg7[%get3A_110, %get3A_111] {strides = array<i32>} : memref<2x4096xi32, #tpu.memory_space<vmem>>, vector<16xi32>,
        %add3A_113 = arith.addi %get3A_106, %broadcast_in_dim3A_13 : vector<16xi32>
        %add3A_114 = arith.addi %get3A_106, %broadcast_in_dim3A_15 : vector<16xi32>
        %add3A_115 = arith.addi %get3A_106, %broadcast_in_dim3A_17 : vector<16xi32>
        %add3A_116 = arith.addi %get3A_112, %broadcast_in_dim3A_13 : vector<16xi32>
        %add3A_117 = arith.addi %get3A_112, %broadcast_in_dim3A_15 : vector<16xi32>
        %add3A_118 = arith.addi %get3A_112, %broadcast_in_dim3A_17 : vector<16xi32>
        %gather3A_119 = tpu.vector_load_idx %arg5[%get3A_106] : memref<40960xf32, #tpu.memory_space<vmem>>[vector<16xi32>], vector<16xf32>,
        %gather3A_120 = tpu.vector_load_idx %arg5[%add3A_113] : memref<40960xf32, #tpu.memory_space<vmem>>[vector<16xi32>], vector<16xf32>,
        %gather3A_121 = tpu.vector_load_idx %arg5[%add3A_114] : memref<40960xf32, #tpu.memory_space<vmem>>[vector<16xi32>], vector<16xf32>,
        %gather3A_122 = tpu.vector_load_idx %arg5[%add3A_115] : memref<40960xf32, #tpu.memory_space<vmem>>[vector<16xi32>], vector<16xf32>,
        tpu.vector_store_idx %arg6[%get3A_112], %gather3A_119 {add = true} : memref<40960xf32, #tpu.memory_space<vmem>>[vector<16xi32>], vector<16xf32>,
        tpu.vector_store_idx %arg6[%add3A_116], %gather3A_120 {add = true} : memref<40960xf32, #tpu.memory_space<vmem>>[vector<16xi32>], vector<16xf32>,
        tpu.vector_store_idx %arg6[%add3A_117], %gather3A_121 {add = true} : memref<40960xf32, #tpu.memory_space<vmem>>[vector<16xi32>], vector<16xf32>,
        tpu.vector_store_idx %arg6[%add3A_118], %gather3A_122 {add = true} : memref<40960xf32, #tpu.memory_space<vmem>>[vector<16xi32>], vector<16xf32>,
        %add3A_123 = arith.constant 32 : i32
        %add3A_124 = arith.addi %add3A_80, %add3A_123 : i32
        %get3A_125 = arith.constant 0 : i32
        %get3A_126 = arith.index_cast %get3A_125 : i32 to index
        %get3A_127 = arith.index_cast %add3A_124 : i32 to index
        %get3A_128 = tpu.vector_load %arg7[%get3A_126, %get3A_127] {strides = array<i32>} : memref<2x4096xi32, #tpu.memory_space<vmem>>, vector<16xi32>,
        %add3A_129 = arith.constant 32 : i32
        %add3A_130 = arith.addi %add3A_80, %add3A_129 : i32
        %get3A_131 = arith.constant 1 : i32
        %get3A_132 = arith.index_cast %get3A_131 : i32 to index
        %get3A_133 = arith.index_cast %add3A_130 : i32 to index
        %get3A_134 = tpu.vector_load %arg7[%get3A_132, %get3A_133] {strides = array<i32>} : memref<2x4096xi32, #tpu.memory_space<vmem>>, vector<16xi32>,
        %add3A_135 = arith.addi %get3A_128, %broadcast_in_dim3A_13 : vector<16xi32>
        %add3A_136 = arith.addi %get3A_128, %broadcast_in_dim3A_15 : vector<16xi32>
        %add3A_137 = arith.addi %get3A_128, %broadcast_in_dim3A_17 : vector<16xi32>
        %add3A_138 = arith.addi %get3A_134, %broadcast_in_dim3A_13 : vector<16xi32>
        %add3A_139 = arith.addi %get3A_134, %broadcast_in_dim3A_15 : vector<16xi32>
        %add3A_140 = arith.addi %get3A_134, %broadcast_in_dim3A_17 : vector<16xi32>
        %gather3A_141 = tpu.vector_load_idx %arg5[%get3A_128] : memref<40960xf32, #tpu.memory_space<vmem>>[vector<16xi32>], vector<16xf32>,
        %gather3A_142 = tpu.vector_load_idx %arg5[%add3A_135] : memref<40960xf32, #tpu.memory_space<vmem>>[vector<16xi32>], vector<16xf32>,
        %gather3A_143 = tpu.vector_load_idx %arg5[%add3A_136] : memref<40960xf32, #tpu.memory_space<vmem>>[vector<16xi32>], vector<16xf32>,
        %gather3A_144 = tpu.vector_load_idx %arg5[%add3A_137] : memref<40960xf32, #tpu.memory_space<vmem>>[vector<16xi32>], vector<16xf32>,
        tpu.vector_store_idx %arg6[%get3A_134], %gather3A_141 {add = true} : memref<40960xf32, #tpu.memory_space<vmem>>[vector<16xi32>], vector<16xf32>,
        tpu.vector_store_idx %arg6[%add3A_138], %gather3A_142 {add = true} : memref<40960xf32, #tpu.memory_space<vmem>>[vector<16xi32>], vector<16xf32>,
        tpu.vector_store_idx %arg6[%add3A_139], %gather3A_143 {add = true} : memref<40960xf32, #tpu.memory_space<vmem>>[vector<16xi32>], vector<16xf32>,
        tpu.vector_store_idx %arg6[%add3A_140], %gather3A_144 {add = true} : memref<40960xf32, #tpu.memory_space<vmem>>[vector<16xi32>], vector<16xf32>,
        %add3A_145 = arith.constant 48 : i32
        %add3A_146 = arith.addi %add3A_80, %add3A_145 : i32
        %get3A_147 = arith.constant 0 : i32
        %get3A_148 = arith.index_cast %get3A_147 : i32 to index
        %get3A_149 = arith.index_cast %add3A_146 : i32 to index
        %get3A_150 = tpu.vector_load %arg7[%get3A_148, %get3A_149] {strides = array<i32>} : memref<2x4096xi32, #tpu.memory_space<vmem>>, vector<16xi32>,
        %add3A_151 = arith.constant 48 : i32
        %add3A_152 = arith.addi %add3A_80, %add3A_151 : i32
        %get3A_153 = arith.constant 1 : i32
        %get3A_154 = arith.index_cast %get3A_153 : i32 to index
        %get3A_155 = arith.index_cast %add3A_152 : i32 to index
        %get3A_156 = tpu.vector_load %arg7[%get3A_154, %get3A_155] {strides = array<i32>} : memref<2x4096xi32, #tpu.memory_space<vmem>>, vector<16xi32>,
        %add3A_157 = arith.addi %get3A_150, %broadcast_in_dim3A_13 : vector<16xi32>
        %add3A_158 = arith.addi %get3A_150, %broadcast_in_dim3A_15 : vector<16xi32>
        %add3A_159 = arith.addi %get3A_150, %broadcast_in_dim3A_17 : vector<16xi32>
        %add3A_160 = arith.addi %get3A_156, %broadcast_in_dim3A_13 : vector<16xi32>
        %add3A_161 = arith.addi %get3A_156, %broadcast_in_dim3A_15 : vector<16xi32>
        %add3A_162 = arith.addi %get3A_156, %broadcast_in_dim3A_17 : vector<16xi32>
        %gather3A_163 = tpu.vector_load_idx %arg5[%get3A_150] : memref<40960xf32, #tpu.memory_space<vmem>>[vector<16xi32>], vector<16xf32>,
        %gather3A_164 = tpu.vector_load_idx %arg5[%add3A_157] : memref<40960xf32, #tpu.memory_space<vmem>>[vector<16xi32>], vector<16xf32>,
        %gather3A_165 = tpu.vector_load_idx %arg5[%add3A_158] : memref<40960xf32, #tpu.memory_space<vmem>>[vector<16xi32>], vector<16xf32>,
        %gather3A_166 = tpu.vector_load_idx %arg5[%add3A_159] : memref<40960xf32, #tpu.memory_space<vmem>>[vector<16xi32>], vector<16xf32>,
        tpu.vector_store_idx %arg6[%get3A_156], %gather3A_163 {add = true} : memref<40960xf32, #tpu.memory_space<vmem>>[vector<16xi32>], vector<16xf32>,
        tpu.vector_store_idx %arg6[%add3A_160], %gather3A_164 {add = true} : memref<40960xf32, #tpu.memory_space<vmem>>[vector<16xi32>], vector<16xf32>,
        tpu.vector_store_idx %arg6[%add3A_161], %gather3A_165 {add = true} : memref<40960xf32, #tpu.memory_space<vmem>>[vector<16xi32>], vector<16xf32>,
        tpu.vector_store_idx %arg6[%add3A_162], %gather3A_166 {add = true} : memref<40960xf32, #tpu.memory_space<vmem>>[vector<16xi32>], vector<16xf32>,
        %add3A_167 = arith.constant 64 : i32
        %add3A_168 = arith.addi %add3A_80, %add3A_167 : i32
        %get3A_169 = arith.constant 0 : i32
        %get3A_170 = arith.index_cast %get3A_169 : i32 to index
        %get3A_171 = arith.index_cast %add3A_168 : i32 to index
        %get3A_172 = tpu.vector_load %arg7[%get3A_170, %get3A_171] {strides = array<i32>} : memref<2x4096xi32, #tpu.memory_space<vmem>>, vector<16xi32>,
        %add3A_173 = arith.constant 64 : i32
        %add3A_174 = arith.addi %add3A_80, %add3A_173 : i32
        %get3A_175 = arith.constant 1 : i32
        %get3A_176 = arith.index_cast %get3A_175 : i32 to index
        %get3A_177 = arith.index_cast %add3A_174 : i32 to index
        %get3A_178 = tpu.vector_load %arg7[%get3A_176, %get3A_177] {strides = array<i32>} : memref<2x4096xi32, #tpu.memory_space<vmem>>, vector<16xi32>,
        %add3A_179 = arith.addi %get3A_172, %broadcast_in_dim3A_13 : vector<16xi32>
        %add3A_180 = arith.addi %get3A_172, %broadcast_in_dim3A_15 : vector<16xi32>
        %add3A_181 = arith.addi %get3A_172, %broadcast_in_dim3A_17 : vector<16xi32>
        %add3A_182 = arith.addi %get3A_178, %broadcast_in_dim3A_13 : vector<16xi32>
        %add3A_183 = arith.addi %get3A_178, %broadcast_in_dim3A_15 : vector<16xi32>
        %add3A_184 = arith.addi %get3A_178, %broadcast_in_dim3A_17 : vector<16xi32>
        %gather3A_185 = tpu.vector_load_idx %arg5[%get3A_172] : memref<40960xf32, #tpu.memory_space<vmem>>[vector<16xi32>], vector<16xf32>,
        %gather3A_186 = tpu.vector_load_idx %arg5[%add3A_179] : memref<40960xf32, #tpu.memory_space<vmem>>[vector<16xi32>], vector<16xf32>,
        %gather3A_187 = tpu.vector_load_idx %arg5[%add3A_180] : memref<40960xf32, #tpu.memory_space<vmem>>[vector<16xi32>], vector<16xf32>,
        %gather3A_188 = tpu.vector_load_idx %arg5[%add3A_181] : memref<40960xf32, #tpu.memory_space<vmem>>[vector<16xi32>], vector<16xf32>,
        tpu.vector_store_idx %arg6[%get3A_178], %gather3A_185 {add = true} : memref<40960xf32, #tpu.memory_space<vmem>>[vector<16xi32>], vector<16xf32>,
        tpu.vector_store_idx %arg6[%add3A_182], %gather3A_186 {add = true} : memref<40960xf32, #tpu.memory_space<vmem>>[vector<16xi32>], vector<16xf32>,
        tpu.vector_store_idx %arg6[%add3A_183], %gather3A_187 {add = true} : memref<40960xf32, #tpu.memory_space<vmem>>[vector<16xi32>], vector<16xf32>,
        tpu.vector_store_idx %arg6[%add3A_184], %gather3A_188 {add = true} : memref<40960xf32, #tpu.memory_space<vmem>>[vector<16xi32>], vector<16xf32>,
        %add3A_189 = arith.constant 80 : i32
        %add3A_190 = arith.addi %add3A_80, %add3A_189 : i32
        %get3A_191 = arith.constant 0 : i32
        %get3A_192 = arith.index_cast %get3A_191 : i32 to index
        %get3A_193 = arith.index_cast %add3A_190 : i32 to index
        %get3A_194 = tpu.vector_load %arg7[%get3A_192, %get3A_193] {strides = array<i32>} : memref<2x4096xi32, #tpu.memory_space<vmem>>, vector<16xi32>,
        %add3A_195 = arith.constant 80 : i32
        %add3A_196 = arith.addi %add3A_80, %add3A_195 : i32
        %get3A_197 = arith.constant 1 : i32
        %get3A_198 = arith.index_cast %get3A_197 : i32 to index
        %get3A_199 = arith.index_cast %add3A_196 : i32 to index
        %get3A_200 = tpu.vector_load %arg7[%get3A_198, %get3A_199] {strides = array<i32>} : memref<2x4096xi32, #tpu.memory_space<vmem>>, vector<16xi32>,
        %add3A_201 = arith.addi %get3A_194, %broadcast_in_dim3A_13 : vector<16xi32>
        %add3A_202 = arith.addi %get3A_194, %broadcast_in_dim3A_15 : vector<16xi32>
        %add3A_203 = arith.addi %get3A_194, %broadcast_in_dim3A_17 : vector<16xi32>
        %add3A_204 = arith.addi %get3A_200, %broadcast_in_dim3A_13 : vector<16xi32>
        %add3A_205 = arith.addi %get3A_200, %broadcast_in_dim3A_15 : vector<16xi32>
        %add3A_206 = arith.addi %get3A_200, %broadcast_in_dim3A_17 : vector<16xi32>
        %gather3A_207 = tpu.vector_load_idx %arg5[%get3A_194] : memref<40960xf32, #tpu.memory_space<vmem>>[vector<16xi32>], vector<16xf32>,
        %gather3A_208 = tpu.vector_load_idx %arg5[%add3A_201] : memref<40960xf32, #tpu.memory_space<vmem>>[vector<16xi32>], vector<16xf32>,
        %gather3A_209 = tpu.vector_load_idx %arg5[%add3A_202] : memref<40960xf32, #tpu.memory_space<vmem>>[vector<16xi32>], vector<16xf32>,
        %gather3A_210 = tpu.vector_load_idx %arg5[%add3A_203] : memref<40960xf32, #tpu.memory_space<vmem>>[vector<16xi32>], vector<16xf32>,
        tpu.vector_store_idx %arg6[%get3A_200], %gather3A_207 {add = true} : memref<40960xf32, #tpu.memory_space<vmem>>[vector<16xi32>], vector<16xf32>,
        tpu.vector_store_idx %arg6[%add3A_204], %gather3A_208 {add = true} : memref<40960xf32, #tpu.memory_space<vmem>>[vector<16xi32>], vector<16xf32>,
        tpu.vector_store_idx %arg6[%add3A_205], %gather3A_209 {add = true} : memref<40960xf32, #tpu.memory_space<vmem>>[vector<16xi32>], vector<16xf32>,
        tpu.vector_store_idx %arg6[%add3A_206], %gather3A_210 {add = true} : memref<40960xf32, #tpu.memory_space<vmem>>[vector<16xi32>], vector<16xf32>,
        %add3A_211 = arith.constant 96 : i32
        %add3A_212 = arith.addi %add3A_80, %add3A_211 : i32
        %get3A_213 = arith.constant 0 : i32
        %get3A_214 = arith.index_cast %get3A_213 : i32 to index
        %get3A_215 = arith.index_cast %add3A_212 : i32 to index
        %get3A_216 = tpu.vector_load %arg7[%get3A_214, %get3A_215] {strides = array<i32>} : memref<2x4096xi32, #tpu.memory_space<vmem>>, vector<16xi32>,
        %add3A_217 = arith.constant 96 : i32
        %add3A_218 = arith.addi %add3A_80, %add3A_217 : i32
        %get3A_219 = arith.constant 1 : i32
        %get3A_220 = arith.index_cast %get3A_219 : i32 to index
        %get3A_221 = arith.index_cast %add3A_218 : i32 to index
        %get3A_222 = tpu.vector_load %arg7[%get3A_220, %get3A_221] {strides = array<i32>} : memref<2x4096xi32, #tpu.memory_space<vmem>>, vector<16xi32>,
        %add3A_223 = arith.addi %get3A_216, %broadcast_in_dim3A_13 : vector<16xi32>
        %add3A_224 = arith.addi %get3A_216, %broadcast_in_dim3A_15 : vector<16xi32>
        %add3A_225 = arith.addi %get3A_216, %broadcast_in_dim3A_17 : vector<16xi32>
        %add3A_226 = arith.addi %get3A_222, %broadcast_in_dim3A_13 : vector<16xi32>
        %add3A_227 = arith.addi %get3A_222, %broadcast_in_dim3A_15 : vector<16xi32>
        %add3A_228 = arith.addi %get3A_222, %broadcast_in_dim3A_17 : vector<16xi32>
        %gather3A_229 = tpu.vector_load_idx %arg5[%get3A_216] : memref<40960xf32, #tpu.memory_space<vmem>>[vector<16xi32>], vector<16xf32>,
        %gather3A_230 = tpu.vector_load_idx %arg5[%add3A_223] : memref<40960xf32, #tpu.memory_space<vmem>>[vector<16xi32>], vector<16xf32>,
        %gather3A_231 = tpu.vector_load_idx %arg5[%add3A_224] : memref<40960xf32, #tpu.memory_space<vmem>>[vector<16xi32>], vector<16xf32>,
        %gather3A_232 = tpu.vector_load_idx %arg5[%add3A_225] : memref<40960xf32, #tpu.memory_space<vmem>>[vector<16xi32>], vector<16xf32>,
        tpu.vector_store_idx %arg6[%get3A_222], %gather3A_229 {add = true} : memref<40960xf32, #tpu.memory_space<vmem>>[vector<16xi32>], vector<16xf32>,
        tpu.vector_store_idx %arg6[%add3A_226], %gather3A_230 {add = true} : memref<40960xf32, #tpu.memory_space<vmem>>[vector<16xi32>], vector<16xf32>,
        tpu.vector_store_idx %arg6[%add3A_227], %gather3A_231 {add = true} : memref<40960xf32, #tpu.memory_space<vmem>>[vector<16xi32>], vector<16xf32>,
        tpu.vector_store_idx %arg6[%add3A_228], %gather3A_232 {add = true} : memref<40960xf32, #tpu.memory_space<vmem>>[vector<16xi32>], vector<16xf32>,
        %add3A_233 = arith.constant 112 : i32
        %add3A_234 = arith.addi %add3A_80, %add3A_233 : i32
        %get3A_235 = arith.constant 0 : i32
        %get3A_236 = arith.index_cast %get3A_235 : i32 to index
        %get3A_237 = arith.index_cast %add3A_234 : i32 to index
        %get3A_238 = tpu.vector_load %arg7[%get3A_236, %get3A_237] {strides = array<i32>} : memref<2x4096xi32, #tpu.memory_space<vmem>>, vector<16xi32>,
        %add3A_239 = arith.constant 112 : i32
        %add3A_240 = arith.addi %add3A_80, %add3A_239 : i32
        %get3A_241 = arith.constant 1 : i32
        %get3A_242 = arith.index_cast %get3A_241 : i32 to index
        %get3A_243 = arith.index_cast %add3A_240 : i32 to index
        %get3A_244 = tpu.vector_load %arg7[%get3A_242, %get3A_243] {strides = array<i32>} : memref<2x4096xi32, #tpu.memory_space<vmem>>, vector<16xi32>,
        %add3A_245 = arith.addi %get3A_238, %broadcast_in_dim3A_13 : vector<16xi32>
        %add3A_246 = arith.addi %get3A_238, %broadcast_in_dim3A_15 : vector<16xi32>
        %add3A_247 = arith.addi %get3A_238, %broadcast_in_dim3A_17 : vector<16xi32>
        %add3A_248 = arith.addi %get3A_244, %broadcast_in_dim3A_13 : vector<16xi32>
        %add3A_249 = arith.addi %get3A_244, %broadcast_in_dim3A_15 : vector<16xi32>
        %add3A_250 = arith.addi %get3A_244, %broadcast_in_dim3A_17 : vector<16xi32>
        %gather3A_251 = tpu.vector_load_idx %arg5[%get3A_238] : memref<40960xf32, #tpu.memory_space<vmem>>[vector<16xi32>], vector<16xf32>,
        %gather3A_252 = tpu.vector_load_idx %arg5[%add3A_245] : memref<40960xf32, #tpu.memory_space<vmem>>[vector<16xi32>], vector<16xf32>,
        %gather3A_253 = tpu.vector_load_idx %arg5[%add3A_246] : memref<40960xf32, #tpu.memory_space<vmem>>[vector<16xi32>], vector<16xf32>,
        %gather3A_254 = tpu.vector_load_idx %arg5[%add3A_247] : memref<40960xf32, #tpu.memory_space<vmem>>[vector<16xi32>], vector<16xf32>,
        tpu.vector_store_idx %arg6[%get3A_244], %gather3A_251 {add = true} : memref<40960xf32, #tpu.memory_space<vmem>>[vector<16xi32>], vector<16xf32>,
        tpu.vector_store_idx %arg6[%add3A_248], %gather3A_252 {add = true} : memref<40960xf32, #tpu.memory_space<vmem>>[vector<16xi32>], vector<16xf32>,
        tpu.vector_store_idx %arg6[%add3A_249], %gather3A_253 {add = true} : memref<40960xf32, #tpu.memory_space<vmem>>[vector<16xi32>], vector<16xf32>,
        tpu.vector_store_idx %arg6[%add3A_250], %gather3A_254 {add = true} : memref<40960xf32, #tpu.memory_space<vmem>>[vector<16xi32>], vector<16xf32>,
      }
      %scan3A_62 = arith.constant 32 : i32
      %dma_wait3A_63 = arith.constant 0 : i32
      %dma_wait3A_64 = arith.constant 0 : i32
      %dma_wait3A_65 = tpu.memref_slice %arg3[%add3A_41, %dma_wait3A_63, %dma_wait3A_64] : memref<80x2x4096xi32, #tpu.memory_space<hbm>> -> memref<1x2x4096xi32, #tpu.memory_space<hbm>>
      %dma_wait3A_66 = tpu.memref_squeeze %dma_wait3A_65 : memref<1x2x4096xi32, #tpu.memory_space<hbm>> -> memref<2x4096xi32, #tpu.memory_space<hbm>>
      %dma_wait3A_67 = arith.constant 0 : i32
      %dma_wait3A_68 = arith.constant 0 : i32
      %dma_wait3A_69 = tpu.memref_slice %arg3[%add3A_41, %dma_wait3A_67, %dma_wait3A_68] : memref<80x2x4096xi32, #tpu.memory_space<hbm>> -> memref<1x2x4096xi32, #tpu.memory_space<hbm>>
      %dma_wait3A_70 = tpu.memref_squeeze %dma_wait3A_69 : memref<1x2x4096xi32, #tpu.memory_space<hbm>> -> memref<2x4096xi32, #tpu.memory_space<hbm>>
      tpu.wait_dma2 semaphore(%arg11 : memref<!tpu.dma_semaphore, #tpu.memory_space<semaphore_mem>>) src(%dma_wait3A_70 : memref<2x4096xi32, #tpu.memory_space<hbm>>) dst(%arg8 : memref<2x4096xi32, #tpu.memory_space<vmem>>)
      %scan3A_71 = arith.constant 0 : i32
      %scan3A_72 = arith.constant 32 : i32
      %scan3A_73 = arith.addi %scan3A_71, %scan3A_72 : i32
      %scan3A_74 = arith.constant 1 : i32
      scf.for %scan3A_76 = %scan3A_71 to %scan3A_73 step %scan3A_74  : i32 {
        %mul3A_77 = arith.constant 128 : i32
        %mul3A_78 = arith.muli %scan3A_76, %mul3A_77 : i32
        %add3A_79 = arith.constant 0 : i32
        %add3A_80 = arith.addi %add3A_79, %mul3A_78 : i32
        %add3A_81 = arith.constant 0 : i32
        %add3A_82 = arith.addi %add3A_80, %add3A_81 : i32
        %get3A = arith.constant 0 : i32
        %get3A_83 = arith.index_cast %get3A : i32 to index
        %get3A_84 = arith.index_cast %add3A_82 : i32 to index
        %get3A_85 = tpu.vector_load %arg8[%get3A_83, %get3A_84] {strides = array<i32>} : memref<2x4096xi32, #tpu.memory_space<vmem>>, vector<16xi32>,
        %add3A_86 = arith.constant 0 : i32
        %add3A_87 = arith.addi %add3A_80, %add3A_86 : i32
        %get3A_88 = arith.constant 1 : i32
        %get3A_89 = arith.index_cast %get3A_88 : i32 to index
        %get3A_90 = arith.index_cast %add3A_87 : i32 to index
        %get3A_91 = tpu.vector_load %arg8[%get3A_89, %get3A_90] {strides = array<i32>} : memref<2x4096xi32, #tpu.memory_space<vmem>>, vector<16xi32>,
        %add3A_92 = arith.addi %get3A_85, %broadcast_in_dim3A_13 : vector<16xi32>
        %add3A_93 = arith.addi %get3A_85, %broadcast_in_dim3A_15 : vector<16xi32>
        %add3A_94 = arith.addi %get3A_85, %broadcast_in_dim3A_17 : vector<16xi32>
        %add3A_95 = arith.addi %get3A_91, %broadcast_in_dim3A_13 : vector<16xi32>
        %add3A_96 = arith.addi %get3A_91, %broadcast_in_dim3A_15 : vector<16xi32>
        %add3A_97 = arith.addi %get3A_91, %broadcast_in_dim3A_17 : vector<16xi32>
        %gather3A = tpu.vector_load_idx %arg5[%get3A_85] : memref<40960xf32, #tpu.memory_space<vmem>>[vector<16xi32>], vector<16xf32>,
        %gather3A_98 = tpu.vector_load_idx %arg5[%add3A_92] : memref<40960xf32, #tpu.memory_space<vmem>>[vector<16xi32>], vector<16xf32>,
        %gather3A_99 = tpu.vector_load_idx %arg5[%add3A_93] : memref<40960xf32, #tpu.memory_space<vmem>>[vector<16xi32>], vector<16xf32>,
        %gather3A_100 = tpu.vector_load_idx %arg5[%add3A_94] : memref<40960xf32, #tpu.memory_space<vmem>>[vector<16xi32>], vector<16xf32>,
        tpu.vector_store_idx %arg6[%get3A_91], %gather3A {add = true} : memref<40960xf32, #tpu.memory_space<vmem>>[vector<16xi32>], vector<16xf32>,
        tpu.vector_store_idx %arg6[%add3A_95], %gather3A_98 {add = true} : memref<40960xf32, #tpu.memory_space<vmem>>[vector<16xi32>], vector<16xf32>,
        tpu.vector_store_idx %arg6[%add3A_96], %gather3A_99 {add = true} : memref<40960xf32, #tpu.memory_space<vmem>>[vector<16xi32>], vector<16xf32>,
        tpu.vector_store_idx %arg6[%add3A_97], %gather3A_100 {add = true} : memref<40960xf32, #tpu.memory_space<vmem>>[vector<16xi32>], vector<16xf32>,
        %add3A_101 = arith.constant 16 : i32
        %add3A_102 = arith.addi %add3A_80, %add3A_101 : i32
        %get3A_103 = arith.constant 0 : i32
        %get3A_104 = arith.index_cast %get3A_103 : i32 to index
        %get3A_105 = arith.index_cast %add3A_102 : i32 to index
        %get3A_106 = tpu.vector_load %arg8[%get3A_104, %get3A_105] {strides = array<i32>} : memref<2x4096xi32, #tpu.memory_space<vmem>>, vector<16xi32>,
        %add3A_107 = arith.constant 16 : i32
        %add3A_108 = arith.addi %add3A_80, %add3A_107 : i32
        %get3A_109 = arith.constant 1 : i32
        %get3A_110 = arith.index_cast %get3A_109 : i32 to index
        %get3A_111 = arith.index_cast %add3A_108 : i32 to index
        %get3A_112 = tpu.vector_load %arg8[%get3A_110, %get3A_111] {strides = array<i32>} : memref<2x4096xi32, #tpu.memory_space<vmem>>, vector<16xi32>,
        %add3A_113 = arith.addi %get3A_106, %broadcast_in_dim3A_13 : vector<16xi32>
        %add3A_114 = arith.addi %get3A_106, %broadcast_in_dim3A_15 : vector<16xi32>
        %add3A_115 = arith.addi %get3A_106, %broadcast_in_dim3A_17 : vector<16xi32>
        %add3A_116 = arith.addi %get3A_112, %broadcast_in_dim3A_13 : vector<16xi32>
        %add3A_117 = arith.addi %get3A_112, %broadcast_in_dim3A_15 : vector<16xi32>
        %add3A_118 = arith.addi %get3A_112, %broadcast_in_dim3A_17 : vector<16xi32>
        %gather3A_119 = tpu.vector_load_idx %arg5[%get3A_106] : memref<40960xf32, #tpu.memory_space<vmem>>[vector<16xi32>], vector<16xf32>,
        %gather3A_120 = tpu.vector_load_idx %arg5[%add3A_113] : memref<40960xf32, #tpu.memory_space<vmem>>[vector<16xi32>], vector<16xf32>,
        %gather3A_121 = tpu.vector_load_idx %arg5[%add3A_114] : memref<40960xf32, #tpu.memory_space<vmem>>[vector<16xi32>], vector<16xf32>,
        %gather3A_122 = tpu.vector_load_idx %arg5[%add3A_115] : memref<40960xf32, #tpu.memory_space<vmem>>[vector<16xi32>], vector<16xf32>,
        tpu.vector_store_idx %arg6[%get3A_112], %gather3A_119 {add = true} : memref<40960xf32, #tpu.memory_space<vmem>>[vector<16xi32>], vector<16xf32>,
        tpu.vector_store_idx %arg6[%add3A_116], %gather3A_120 {add = true} : memref<40960xf32, #tpu.memory_space<vmem>>[vector<16xi32>], vector<16xf32>,
        tpu.vector_store_idx %arg6[%add3A_117], %gather3A_121 {add = true} : memref<40960xf32, #tpu.memory_space<vmem>>[vector<16xi32>], vector<16xf32>,
        tpu.vector_store_idx %arg6[%add3A_118], %gather3A_122 {add = true} : memref<40960xf32, #tpu.memory_space<vmem>>[vector<16xi32>], vector<16xf32>,
        %add3A_123 = arith.constant 32 : i32
        %add3A_124 = arith.addi %add3A_80, %add3A_123 : i32
        %get3A_125 = arith.constant 0 : i32
        %get3A_126 = arith.index_cast %get3A_125 : i32 to index
        %get3A_127 = arith.index_cast %add3A_124 : i32 to index
        %get3A_128 = tpu.vector_load %arg8[%get3A_126, %get3A_127] {strides = array<i32>} : memref<2x4096xi32, #tpu.memory_space<vmem>>, vector<16xi32>,
        %add3A_129 = arith.constant 32 : i32
        %add3A_130 = arith.addi %add3A_80, %add3A_129 : i32
        %get3A_131 = arith.constant 1 : i32
        %get3A_132 = arith.index_cast %get3A_131 : i32 to index
        %get3A_133 = arith.index_cast %add3A_130 : i32 to index
        %get3A_134 = tpu.vector_load %arg8[%get3A_132, %get3A_133] {strides = array<i32>} : memref<2x4096xi32, #tpu.memory_space<vmem>>, vector<16xi32>,
        %add3A_135 = arith.addi %get3A_128, %broadcast_in_dim3A_13 : vector<16xi32>
        %add3A_136 = arith.addi %get3A_128, %broadcast_in_dim3A_15 : vector<16xi32>
        %add3A_137 = arith.addi %get3A_128, %broadcast_in_dim3A_17 : vector<16xi32>
        %add3A_138 = arith.addi %get3A_134, %broadcast_in_dim3A_13 : vector<16xi32>
        %add3A_139 = arith.addi %get3A_134, %broadcast_in_dim3A_15 : vector<16xi32>
        %add3A_140 = arith.addi %get3A_134, %broadcast_in_dim3A_17 : vector<16xi32>
        %gather3A_141 = tpu.vector_load_idx %arg5[%get3A_128] : memref<40960xf32, #tpu.memory_space<vmem>>[vector<16xi32>], vector<16xf32>,
        %gather3A_142 = tpu.vector_load_idx %arg5[%add3A_135] : memref<40960xf32, #tpu.memory_space<vmem>>[vector<16xi32>], vector<16xf32>,
        %gather3A_143 = tpu.vector_load_idx %arg5[%add3A_136] : memref<40960xf32, #tpu.memory_space<vmem>>[vector<16xi32>], vector<16xf32>,
        %gather3A_144 = tpu.vector_load_idx %arg5[%add3A_137] : memref<40960xf32, #tpu.memory_space<vmem>>[vector<16xi32>], vector<16xf32>,
        tpu.vector_store_idx %arg6[%get3A_134], %gather3A_141 {add = true} : memref<40960xf32, #tpu.memory_space<vmem>>[vector<16xi32>], vector<16xf32>,
        tpu.vector_store_idx %arg6[%add3A_138], %gather3A_142 {add = true} : memref<40960xf32, #tpu.memory_space<vmem>>[vector<16xi32>], vector<16xf32>,
        tpu.vector_store_idx %arg6[%add3A_139], %gather3A_143 {add = true} : memref<40960xf32, #tpu.memory_space<vmem>>[vector<16xi32>], vector<16xf32>,
        tpu.vector_store_idx %arg6[%add3A_140], %gather3A_144 {add = true} : memref<40960xf32, #tpu.memory_space<vmem>>[vector<16xi32>], vector<16xf32>,
        %add3A_145 = arith.constant 48 : i32
        %add3A_146 = arith.addi %add3A_80, %add3A_145 : i32
        %get3A_147 = arith.constant 0 : i32
        %get3A_148 = arith.index_cast %get3A_147 : i32 to index
        %get3A_149 = arith.index_cast %add3A_146 : i32 to index
        %get3A_150 = tpu.vector_load %arg8[%get3A_148, %get3A_149] {strides = array<i32>} : memref<2x4096xi32, #tpu.memory_space<vmem>>, vector<16xi32>,
        %add3A_151 = arith.constant 48 : i32
        %add3A_152 = arith.addi %add3A_80, %add3A_151 : i32
        %get3A_153 = arith.constant 1 : i32
        %get3A_154 = arith.index_cast %get3A_153 : i32 to index
        %get3A_155 = arith.index_cast %add3A_152 : i32 to index
        %get3A_156 = tpu.vector_load %arg8[%get3A_154, %get3A_155] {strides = array<i32>} : memref<2x4096xi32, #tpu.memory_space<vmem>>, vector<16xi32>,
        %add3A_157 = arith.addi %get3A_150, %broadcast_in_dim3A_13 : vector<16xi32>
        %add3A_158 = arith.addi %get3A_150, %broadcast_in_dim3A_15 : vector<16xi32>
        %add3A_159 = arith.addi %get3A_150, %broadcast_in_dim3A_17 : vector<16xi32>
        %add3A_160 = arith.addi %get3A_156, %broadcast_in_dim3A_13 : vector<16xi32>
        %add3A_161 = arith.addi %get3A_156, %broadcast_in_dim3A_15 : vector<16xi32>
        %add3A_162 = arith.addi %get3A_156, %broadcast_in_dim3A_17 : vector<16xi32>
        %gather3A_163 = tpu.vector_load_idx %arg5[%get3A_150] : memref<40960xf32, #tpu.memory_space<vmem>>[vector<16xi32>], vector<16xf32>,
        %gather3A_164 = tpu.vector_load_idx %arg5[%add3A_157] : memref<40960xf32, #tpu.memory_space<vmem>>[vector<16xi32>], vector<16xf32>,
        %gather3A_165 = tpu.vector_load_idx %arg5[%add3A_158] : memref<40960xf32, #tpu.memory_space<vmem>>[vector<16xi32>], vector<16xf32>,
        %gather3A_166 = tpu.vector_load_idx %arg5[%add3A_159] : memref<40960xf32, #tpu.memory_space<vmem>>[vector<16xi32>], vector<16xf32>,
        tpu.vector_store_idx %arg6[%get3A_156], %gather3A_163 {add = true} : memref<40960xf32, #tpu.memory_space<vmem>>[vector<16xi32>], vector<16xf32>,
        tpu.vector_store_idx %arg6[%add3A_160], %gather3A_164 {add = true} : memref<40960xf32, #tpu.memory_space<vmem>>[vector<16xi32>], vector<16xf32>,
        tpu.vector_store_idx %arg6[%add3A_161], %gather3A_165 {add = true} : memref<40960xf32, #tpu.memory_space<vmem>>[vector<16xi32>], vector<16xf32>,
        tpu.vector_store_idx %arg6[%add3A_162], %gather3A_166 {add = true} : memref<40960xf32, #tpu.memory_space<vmem>>[vector<16xi32>], vector<16xf32>,
        %add3A_167 = arith.constant 64 : i32
        %add3A_168 = arith.addi %add3A_80, %add3A_167 : i32
        %get3A_169 = arith.constant 0 : i32
        %get3A_170 = arith.index_cast %get3A_169 : i32 to index
        %get3A_171 = arith.index_cast %add3A_168 : i32 to index
        %get3A_172 = tpu.vector_load %arg8[%get3A_170, %get3A_171] {strides = array<i32>} : memref<2x4096xi32, #tpu.memory_space<vmem>>, vector<16xi32>,
        %add3A_173 = arith.constant 64 : i32
        %add3A_174 = arith.addi %add3A_80, %add3A_173 : i32
        %get3A_175 = arith.constant 1 : i32
        %get3A_176 = arith.index_cast %get3A_175 : i32 to index
        %get3A_177 = arith.index_cast %add3A_174 : i32 to index
        %get3A_178 = tpu.vector_load %arg8[%get3A_176, %get3A_177] {strides = array<i32>} : memref<2x4096xi32, #tpu.memory_space<vmem>>, vector<16xi32>,
        %add3A_179 = arith.addi %get3A_172, %broadcast_in_dim3A_13 : vector<16xi32>
        %add3A_180 = arith.addi %get3A_172, %broadcast_in_dim3A_15 : vector<16xi32>
        %add3A_181 = arith.addi %get3A_172, %broadcast_in_dim3A_17 : vector<16xi32>
        %add3A_182 = arith.addi %get3A_178, %broadcast_in_dim3A_13 : vector<16xi32>
        %add3A_183 = arith.addi %get3A_178, %broadcast_in_dim3A_15 : vector<16xi32>
        %add3A_184 = arith.addi %get3A_178, %broadcast_in_dim3A_17 : vector<16xi32>
        %gather3A_185 = tpu.vector_load_idx %arg5[%get3A_172] : memref<40960xf32, #tpu.memory_space<vmem>>[vector<16xi32>], vector<16xf32>,
        %gather3A_186 = tpu.vector_load_idx %arg5[%add3A_179] : memref<40960xf32, #tpu.memory_space<vmem>>[vector<16xi32>], vector<16xf32>,
        %gather3A_187 = tpu.vector_load_idx %arg5[%add3A_180] : memref<40960xf32, #tpu.memory_space<vmem>>[vector<16xi32>], vector<16xf32>,
        %gather3A_188 = tpu.vector_load_idx %arg5[%add3A_181] : memref<40960xf32, #tpu.memory_space<vmem>>[vector<16xi32>], vector<16xf32>,
        tpu.vector_store_idx %arg6[%get3A_178], %gather3A_185 {add = true} : memref<40960xf32, #tpu.memory_space<vmem>>[vector<16xi32>], vector<16xf32>,
        tpu.vector_store_idx %arg6[%add3A_182], %gather3A_186 {add = true} : memref<40960xf32, #tpu.memory_space<vmem>>[vector<16xi32>], vector<16xf32>,
        tpu.vector_store_idx %arg6[%add3A_183], %gather3A_187 {add = true} : memref<40960xf32, #tpu.memory_space<vmem>>[vector<16xi32>], vector<16xf32>,
        tpu.vector_store_idx %arg6[%add3A_184], %gather3A_188 {add = true} : memref<40960xf32, #tpu.memory_space<vmem>>[vector<16xi32>], vector<16xf32>,
        %add3A_189 = arith.constant 80 : i32
        %add3A_190 = arith.addi %add3A_80, %add3A_189 : i32
        %get3A_191 = arith.constant 0 : i32
        %get3A_192 = arith.index_cast %get3A_191 : i32 to index
        %get3A_193 = arith.index_cast %add3A_190 : i32 to index
        %get3A_194 = tpu.vector_load %arg8[%get3A_192, %get3A_193] {strides = array<i32>} : memref<2x4096xi32, #tpu.memory_space<vmem>>, vector<16xi32>,
        %add3A_195 = arith.constant 80 : i32
        %add3A_196 = arith.addi %add3A_80, %add3A_195 : i32
        %get3A_197 = arith.constant 1 : i32
        %get3A_198 = arith.index_cast %get3A_197 : i32 to index
        %get3A_199 = arith.index_cast %add3A_196 : i32 to index
        %get3A_200 = tpu.vector_load %arg8[%get3A_198, %get3A_199] {strides = array<i32>} : memref<2x4096xi32, #tpu.memory_space<vmem>>, vector<16xi32>,
        %add3A_201 = arith.addi %get3A_194, %broadcast_in_dim3A_13 : vector<16xi32>
        %add3A_202 = arith.addi %get3A_194, %broadcast_in_dim3A_15 : vector<16xi32>
        %add3A_203 = arith.addi %get3A_194, %broadcast_in_dim3A_17 : vector<16xi32>
        %add3A_204 = arith.addi %get3A_200, %broadcast_in_dim3A_13 : vector<16xi32>
        %add3A_205 = arith.addi %get3A_200, %broadcast_in_dim3A_15 : vector<16xi32>
        %add3A_206 = arith.addi %get3A_200, %broadcast_in_dim3A_17 : vector<16xi32>
        %gather3A_207 = tpu.vector_load_idx %arg5[%get3A_194] : memref<40960xf32, #tpu.memory_space<vmem>>[vector<16xi32>], vector<16xf32>,
        %gather3A_208 = tpu.vector_load_idx %arg5[%add3A_201] : memref<40960xf32, #tpu.memory_space<vmem>>[vector<16xi32>], vector<16xf32>,
        %gather3A_209 = tpu.vector_load_idx %arg5[%add3A_202] : memref<40960xf32, #tpu.memory_space<vmem>>[vector<16xi32>], vector<16xf32>,
        %gather3A_210 = tpu.vector_load_idx %arg5[%add3A_203] : memref<40960xf32, #tpu.memory_space<vmem>>[vector<16xi32>], vector<16xf32>,
        tpu.vector_store_idx %arg6[%get3A_200], %gather3A_207 {add = true} : memref<40960xf32, #tpu.memory_space<vmem>>[vector<16xi32>], vector<16xf32>,
        tpu.vector_store_idx %arg6[%add3A_204], %gather3A_208 {add = true} : memref<40960xf32, #tpu.memory_space<vmem>>[vector<16xi32>], vector<16xf32>,
        tpu.vector_store_idx %arg6[%add3A_205], %gather3A_209 {add = true} : memref<40960xf32, #tpu.memory_space<vmem>>[vector<16xi32>], vector<16xf32>,
        tpu.vector_store_idx %arg6[%add3A_206], %gather3A_210 {add = true} : memref<40960xf32, #tpu.memory_space<vmem>>[vector<16xi32>], vector<16xf32>,
        %add3A_211 = arith.constant 96 : i32
        %add3A_212 = arith.addi %add3A_80, %add3A_211 : i32
        %get3A_213 = arith.constant 0 : i32
        %get3A_214 = arith.index_cast %get3A_213 : i32 to index
        %get3A_215 = arith.index_cast %add3A_212 : i32 to index
        %get3A_216 = tpu.vector_load %arg8[%get3A_214, %get3A_215] {strides = array<i32>} : memref<2x4096xi32, #tpu.memory_space<vmem>>, vector<16xi32>,
        %add3A_217 = arith.constant 96 : i32
        %add3A_218 = arith.addi %add3A_80, %add3A_217 : i32
        %get3A_219 = arith.constant 1 : i32
        %get3A_220 = arith.index_cast %get3A_219 : i32 to index
        %get3A_221 = arith.index_cast %add3A_218 : i32 to index
        %get3A_222 = tpu.vector_load %arg8[%get3A_220, %get3A_221] {strides = array<i32>} : memref<2x4096xi32, #tpu.memory_space<vmem>>, vector<16xi32>,
        %add3A_223 = arith.addi %get3A_216, %broadcast_in_dim3A_13 : vector<16xi32>
        %add3A_224 = arith.addi %get3A_216, %broadcast_in_dim3A_15 : vector<16xi32>
        %add3A_225 = arith.addi %get3A_216, %broadcast_in_dim3A_17 : vector<16xi32>
        %add3A_226 = arith.addi %get3A_222, %broadcast_in_dim3A_13 : vector<16xi32>
        %add3A_227 = arith.addi %get3A_222, %broadcast_in_dim3A_15 : vector<16xi32>
        %add3A_228 = arith.addi %get3A_222, %broadcast_in_dim3A_17 : vector<16xi32>
        %gather3A_229 = tpu.vector_load_idx %arg5[%get3A_216] : memref<40960xf32, #tpu.memory_space<vmem>>[vector<16xi32>], vector<16xf32>,
        %gather3A_230 = tpu.vector_load_idx %arg5[%add3A_223] : memref<40960xf32, #tpu.memory_space<vmem>>[vector<16xi32>], vector<16xf32>,
        %gather3A_231 = tpu.vector_load_idx %arg5[%add3A_224] : memref<40960xf32, #tpu.memory_space<vmem>>[vector<16xi32>], vector<16xf32>,
        %gather3A_232 = tpu.vector_load_idx %arg5[%add3A_225] : memref<40960xf32, #tpu.memory_space<vmem>>[vector<16xi32>], vector<16xf32>,
        tpu.vector_store_idx %arg6[%get3A_222], %gather3A_229 {add = true} : memref<40960xf32, #tpu.memory_space<vmem>>[vector<16xi32>], vector<16xf32>,
        tpu.vector_store_idx %arg6[%add3A_226], %gather3A_230 {add = true} : memref<40960xf32, #tpu.memory_space<vmem>>[vector<16xi32>], vector<16xf32>,
        tpu.vector_store_idx %arg6[%add3A_227], %gather3A_231 {add = true} : memref<40960xf32, #tpu.memory_space<vmem>>[vector<16xi32>], vector<16xf32>,
        tpu.vector_store_idx %arg6[%add3A_228], %gather3A_232 {add = true} : memref<40960xf32, #tpu.memory_space<vmem>>[vector<16xi32>], vector<16xf32>,
        %add3A_233 = arith.constant 112 : i32
        %add3A_234 = arith.addi %add3A_80, %add3A_233 : i32
        %get3A_235 = arith.constant 0 : i32
        %get3A_236 = arith.index_cast %get3A_235 : i32 to index
        %get3A_237 = arith.index_cast %add3A_234 : i32 to index
        %get3A_238 = tpu.vector_load %arg8[%get3A_236, %get3A_237] {strides = array<i32>} : memref<2x4096xi32, #tpu.memory_space<vmem>>, vector<16xi32>,
        %add3A_239 = arith.constant 112 : i32
        %add3A_240 = arith.addi %add3A_80, %add3A_239 : i32
        %get3A_241 = arith.constant 1 : i32
        %get3A_242 = arith.index_cast %get3A_241 : i32 to index
        %get3A_243 = arith.index_cast %add3A_240 : i32 to index
        %get3A_244 = tpu.vector_load %arg8[%get3A_242, %get3A_243] {strides = array<i32>} : memref<2x4096xi32, #tpu.memory_space<vmem>>, vector<16xi32>,
        %add3A_245 = arith.addi %get3A_238, %broadcast_in_dim3A_13 : vector<16xi32>
        %add3A_246 = arith.addi %get3A_238, %broadcast_in_dim3A_15 : vector<16xi32>
        %add3A_247 = arith.addi %get3A_238, %broadcast_in_dim3A_17 : vector<16xi32>
        %add3A_248 = arith.addi %get3A_244, %broadcast_in_dim3A_13 : vector<16xi32>
        %add3A_249 = arith.addi %get3A_244, %broadcast_in_dim3A_15 : vector<16xi32>
        %add3A_250 = arith.addi %get3A_244, %broadcast_in_dim3A_17 : vector<16xi32>
        %gather3A_251 = tpu.vector_load_idx %arg5[%get3A_238] : memref<40960xf32, #tpu.memory_space<vmem>>[vector<16xi32>], vector<16xf32>,
        %gather3A_252 = tpu.vector_load_idx %arg5[%add3A_245] : memref<40960xf32, #tpu.memory_space<vmem>>[vector<16xi32>], vector<16xf32>,
        %gather3A_253 = tpu.vector_load_idx %arg5[%add3A_246] : memref<40960xf32, #tpu.memory_space<vmem>>[vector<16xi32>], vector<16xf32>,
        %gather3A_254 = tpu.vector_load_idx %arg5[%add3A_247] : memref<40960xf32, #tpu.memory_space<vmem>>[vector<16xi32>], vector<16xf32>,
        tpu.vector_store_idx %arg6[%get3A_244], %gather3A_251 {add = true} : memref<40960xf32, #tpu.memory_space<vmem>>[vector<16xi32>], vector<16xf32>,
        tpu.vector_store_idx %arg6[%add3A_248], %gather3A_252 {add = true} : memref<40960xf32, #tpu.memory_space<vmem>>[vector<16xi32>], vector<16xf32>,
        tpu.vector_store_idx %arg6[%add3A_249], %gather3A_253 {add = true} : memref<40960xf32, #tpu.memory_space<vmem>>[vector<16xi32>], vector<16xf32>,
        tpu.vector_store_idx %arg6[%add3A_250], %gather3A_254 {add = true} : memref<40960xf32, #tpu.memory_space<vmem>>[vector<16xi32>], vector<16xf32>,
      }
      %scan3A_75 = arith.constant 32 : i32
    }
    %scan3A_22 = arith.constant 40 : i32
    %mul3A_23 = arith.constant 4 : i32
    %mul3A_24 = arith.muli %add3A, %mul3A_23 : i32
    %mul3A_25 = arith.constant 10240 : i32
    %mul3A_26 = arith.muli %mul3A_24, %mul3A_25 : i32
    "tpu.region"() ({
      %run_scoped3A = tpu.sem_alloc : memref<!tpu.dma_semaphore, #tpu.memory_space<semaphore_mem>>
      %dma_start3A_27 = tpu.memref_slice %arg4[%mul3A_26] : memref<1310720xf32, #tpu.memory_space<hbm>> -> memref<40960xf32, #tpu.memory_space<hbm>>
      %dma_start3A_28 = tpu.memref_slice %arg4[%mul3A_26] : memref<1310720xf32, #tpu.memory_space<hbm>> -> memref<40960xf32, #tpu.memory_space<hbm>>
      tpu.enqueue_dma source(%arg6 : memref<40960xf32, #tpu.memory_space<vmem>>) target(%dma_start3A_28 : memref<40960xf32, #tpu.memory_space<hbm>>) target_semaphore(%run_scoped3A : memref<!tpu.dma_semaphore, #tpu.memory_space<semaphore_mem>>)
      %dma_wait3A_29 = tpu.memref_slice %arg4[%mul3A_26] : memref<1310720xf32, #tpu.memory_space<hbm>> -> memref<40960xf32, #tpu.memory_space<hbm>>
      %dma_wait3A_30 = tpu.memref_slice %arg4[%mul3A_26] : memref<1310720xf32, #tpu.memory_space<hbm>> -> memref<40960xf32, #tpu.memory_space<hbm>>
      tpu.wait_dma2 semaphore(%run_scoped3A : memref<!tpu.dma_semaphore, #tpu.memory_space<semaphore_mem>>) src(%arg6 : memref<40960xf32, #tpu.memory_space<vmem>>) dst(%dma_wait3A_30 : memref<40960xf32, #tpu.memory_space<hbm>>)
      tpu.yield
    }) : () -> ()
    return
  }
}

#map = affine_map<(d0, d1) -> (0, 0, 0)>
#map1 = affine_map<(d0, d1) -> (0, 0)>
module attributes {stable_mosaic.version = 14 : i64} {
  func.func @_deg_kernel(%arg0: i32, %arg1: i32, %arg2: memref<32x80x128xi32, #tpu.memory_space<hbm>>, %arg3: memref<2x10240xf32, #tpu.memory_space<hbm>>, %arg4: memref<80x128xi32, #tpu.memory_space<vmem>>, %arg5: memref<10240xf32, #tpu.memory_space<vmem>>, %arg6: memref<16x640xf32, #tpu.memory_space<vmem>>, %arg7: memref<16x10240xf32, #tpu.memory_space<vmem_shared>>, %arg8: memref<!tpu.dma_semaphore, #tpu.memory_space<semaphore_mem>>) attributes {dimension_semantics = [#tpu.dimension_semantics<core_parallel>, #tpu.dimension_semantics<subcore_parallel>], iteration_bounds = array<i64: 2, 16>, scalar_prefetch = 0 : i64, scratch_operands = 5 : i64, tpu.core_type = #tpu.core_type<sc_vector_subcore>, window_params = [{transform_indices = #map}, {transform_indices = #map1}]} {
    %mul3A = arith.constant 16 : i32
    %mul3A_0 = arith.muli %arg0, %mul3A : i32
    %add3A = arith.addi %mul3A_0, %arg1 : i32
    %dma_start3A = arith.constant 0 : i32
    %dma_start3A_1 = arith.constant 0 : i32
    %dma_start3A_2 = tpu.memref_slice %arg2[%add3A, %dma_start3A, %dma_start3A_1] : memref<32x80x128xi32, #tpu.memory_space<hbm>> -> memref<1x80x128xi32, #tpu.memory_space<hbm>>
    %dma_start3A_3 = tpu.memref_squeeze %dma_start3A_2 : memref<1x80x128xi32, #tpu.memory_space<hbm>> -> memref<80x128xi32, #tpu.memory_space<hbm>>
    %dma_start3A_4 = arith.constant 0 : i32
    %dma_start3A_5 = arith.constant 0 : i32
    %dma_start3A_6 = tpu.memref_slice %arg2[%add3A, %dma_start3A_4, %dma_start3A_5] : memref<32x80x128xi32, #tpu.memory_space<hbm>> -> memref<1x80x128xi32, #tpu.memory_space<hbm>>
    %dma_start3A_7 = tpu.memref_squeeze %dma_start3A_6 : memref<1x80x128xi32, #tpu.memory_space<hbm>> -> memref<80x128xi32, #tpu.memory_space<hbm>>
    tpu.enqueue_dma source(%dma_start3A_7 : memref<80x128xi32, #tpu.memory_space<hbm>>) target(%arg4 : memref<80x128xi32, #tpu.memory_space<vmem>>) target_semaphore(%arg8 : memref<!tpu.dma_semaphore, #tpu.memory_space<semaphore_mem>>)
    %dma_wait3A = arith.constant 0 : i32
    %dma_wait3A_8 = arith.constant 0 : i32
    %dma_wait3A_9 = tpu.memref_slice %arg2[%add3A, %dma_wait3A, %dma_wait3A_8] : memref<32x80x128xi32, #tpu.memory_space<hbm>> -> memref<1x80x128xi32, #tpu.memory_space<hbm>>
    %dma_wait3A_10 = tpu.memref_squeeze %dma_wait3A_9 : memref<1x80x128xi32, #tpu.memory_space<hbm>> -> memref<80x128xi32, #tpu.memory_space<hbm>>
    %dma_wait3A_11 = arith.constant 0 : i32
    %dma_wait3A_12 = arith.constant 0 : i32
    %dma_wait3A_13 = tpu.memref_slice %arg2[%add3A, %dma_wait3A_11, %dma_wait3A_12] : memref<32x80x128xi32, #tpu.memory_space<hbm>> -> memref<1x80x128xi32, #tpu.memory_space<hbm>>
    %dma_wait3A_14 = tpu.memref_squeeze %dma_wait3A_13 : memref<1x80x128xi32, #tpu.memory_space<hbm>> -> memref<80x128xi32, #tpu.memory_space<hbm>>
    tpu.wait_dma2 semaphore(%arg8 : memref<!tpu.dma_semaphore, #tpu.memory_space<semaphore_mem>>) src(%dma_wait3A_14 : memref<80x128xi32, #tpu.memory_space<hbm>>) dst(%arg4 : memref<80x128xi32, #tpu.memory_space<vmem>>)
    %broadcast_in_dim3A = arith.constant 0.000000e+00 : f32
    %broadcast_in_dim3A_15 = vector.broadcast %broadcast_in_dim3A : f32 to vector<16xf32>
    %broadcast_in_dim3A_16 = arith.constant 1.000000e+00 : f32
    %broadcast_in_dim3A_17 = vector.broadcast %broadcast_in_dim3A_16 : f32 to vector<16xf32>
    %scan3A = arith.constant 0 : i32
    %scan3A_18 = arith.constant 640 : i32
    %scan3A_19 = arith.addi %scan3A, %scan3A_18 : i32
    %scan3A_20 = arith.constant 1 : i32
    scf.for %scan3A_97 = %scan3A to %scan3A_19 step %scan3A_20  : i32 {
      %mul3A_98 = arith.constant 16 : i32
      %mul3A_99 = arith.muli %scan3A_97, %mul3A_98 : i32
      %add3A_100 = arith.constant 0 : i32
      %add3A_101 = arith.addi %add3A_100, %mul3A_99 : i32
      %swap3A = arith.index_cast %add3A_101 : i32 to index
      %swap3A_102 = tpu.vector_load %arg5[%swap3A] {strides = array<i32>} : memref<10240xf32, #tpu.memory_space<vmem>>, vector<16xf32>,
      tpu.vector_store %arg5[%swap3A], %broadcast_in_dim3A_15 {strides = array<i32>} : memref<10240xf32, #tpu.memory_space<vmem>>, vector<16xf32>,
    }
    %scan3A_21 = arith.constant 640 : i32
    %scan3A_22 = arith.constant 0 : i32
    %scan3A_23 = arith.constant 80 : i32
    %scan3A_24 = arith.addi %scan3A_22, %scan3A_23 : i32
    %scan3A_25 = arith.constant 1 : i32
    scf.for %scan3A_97 = %scan3A_22 to %scan3A_24 step %scan3A_25  : i32 {
      %mul3A_98 = arith.constant 1 : i32
      %mul3A_99 = arith.muli %scan3A_97, %mul3A_98 : i32
      %add3A_100 = arith.constant 0 : i32
      %add3A_101 = arith.addi %add3A_100, %mul3A_99 : i32
      %get3A = arith.index_cast %add3A_101 : i32 to index
      %get3A_102 = arith.constant 0 : index
      %get3A_103 = tpu.vector_load %arg4[%get3A, %get3A_102] {strides = array<i32>} : memref<80x128xi32, #tpu.memory_space<vmem>>, vector<16xi32>,
      tpu.vector_store_idx %arg5[%get3A_103], %broadcast_in_dim3A_17 {add = true} : memref<10240xf32, #tpu.memory_space<vmem>>[vector<16xi32>], vector<16xf32>,
      %get3A_104 = arith.index_cast %add3A_101 : i32 to index
      %get3A_105 = arith.constant 16 : index
      %get3A_106 = tpu.vector_load %arg4[%get3A_104, %get3A_105] {strides = array<i32>} : memref<80x128xi32, #tpu.memory_space<vmem>>, vector<16xi32>,
      tpu.vector_store_idx %arg5[%get3A_106], %broadcast_in_dim3A_17 {add = true} : memref<10240xf32, #tpu.memory_space<vmem>>[vector<16xi32>], vector<16xf32>,
      %get3A_107 = arith.index_cast %add3A_101 : i32 to index
      %get3A_108 = arith.constant 32 : index
      %get3A_109 = tpu.vector_load %arg4[%get3A_107, %get3A_108] {strides = array<i32>} : memref<80x128xi32, #tpu.memory_space<vmem>>, vector<16xi32>,
      tpu.vector_store_idx %arg5[%get3A_109], %broadcast_in_dim3A_17 {add = true} : memref<10240xf32, #tpu.memory_space<vmem>>[vector<16xi32>], vector<16xf32>,
      %get3A_110 = arith.index_cast %add3A_101 : i32 to index
      %get3A_111 = arith.constant 48 : index
      %get3A_112 = tpu.vector_load %arg4[%get3A_110, %get3A_111] {strides = array<i32>} : memref<80x128xi32, #tpu.memory_space<vmem>>, vector<16xi32>,
      tpu.vector_store_idx %arg5[%get3A_112], %broadcast_in_dim3A_17 {add = true} : memref<10240xf32, #tpu.memory_space<vmem>>[vector<16xi32>], vector<16xf32>,
      %get3A_113 = arith.index_cast %add3A_101 : i32 to index
      %get3A_114 = arith.constant 64 : index
      %get3A_115 = tpu.vector_load %arg4[%get3A_113, %get3A_114] {strides = array<i32>} : memref<80x128xi32, #tpu.memory_space<vmem>>, vector<16xi32>,
      tpu.vector_store_idx %arg5[%get3A_115], %broadcast_in_dim3A_17 {add = true} : memref<10240xf32, #tpu.memory_space<vmem>>[vector<16xi32>], vector<16xf32>,
      %get3A_116 = arith.index_cast %add3A_101 : i32 to index
      %get3A_117 = arith.constant 80 : index
      %get3A_118 = tpu.vector_load %arg4[%get3A_116, %get3A_117] {strides = array<i32>} : memref<80x128xi32, #tpu.memory_space<vmem>>, vector<16xi32>,
      tpu.vector_store_idx %arg5[%get3A_118], %broadcast_in_dim3A_17 {add = true} : memref<10240xf32, #tpu.memory_space<vmem>>[vector<16xi32>], vector<16xf32>,
      %get3A_119 = arith.index_cast %add3A_101 : i32 to index
      %get3A_120 = arith.constant 96 : index
      %get3A_121 = tpu.vector_load %arg4[%get3A_119, %get3A_120] {strides = array<i32>} : memref<80x128xi32, #tpu.memory_space<vmem>>, vector<16xi32>,
      tpu.vector_store_idx %arg5[%get3A_121], %broadcast_in_dim3A_17 {add = true} : memref<10240xf32, #tpu.memory_space<vmem>>[vector<16xi32>], vector<16xf32>,
      %get3A_122 = arith.index_cast %add3A_101 : i32 to index
      %get3A_123 = arith.constant 112 : index
      %get3A_124 = tpu.vector_load %arg4[%get3A_122, %get3A_123] {strides = array<i32>} : memref<80x128xi32, #tpu.memory_space<vmem>>, vector<16xi32>,
      tpu.vector_store_idx %arg5[%get3A_124], %broadcast_in_dim3A_17 {add = true} : memref<10240xf32, #tpu.memory_space<vmem>>[vector<16xi32>], vector<16xf32>,
    }
    %scan3A_26 = arith.constant 80 : i32
    "tpu.region"() ({
      %run_scoped3A_97 = tpu.sem_alloc : memref<!tpu.dma_semaphore, #tpu.memory_space<semaphore_mem>>
      %dma_start3A_98 = arith.constant 0 : i32
      %dma_start3A_99 = tpu.memref_slice %arg7[%arg1, %dma_start3A_98] : memref<16x10240xf32, #tpu.memory_space<vmem_shared>> -> memref<1x10240xf32, #tpu.memory_space<vmem_shared>>
      %dma_start3A_100 = tpu.memref_squeeze %dma_start3A_99 : memref<1x10240xf32, #tpu.memory_space<vmem_shared>> -> memref<10240xf32, #tpu.memory_space<vmem_shared>>
      %dma_start3A_101 = arith.constant 0 : i32
      %dma_start3A_102 = tpu.memref_slice %arg7[%arg1, %dma_start3A_101] : memref<16x10240xf32, #tpu.memory_space<vmem_shared>> -> memref<1x10240xf32, #tpu.memory_space<vmem_shared>>
      %dma_start3A_103 = tpu.memref_squeeze %dma_start3A_102 : memref<1x10240xf32, #tpu.memory_space<vmem_shared>> -> memref<10240xf32, #tpu.memory_space<vmem_shared>>
      tpu.enqueue_dma source(%arg5 : memref<10240xf32, #tpu.memory_space<vmem>>) target(%dma_start3A_103 : memref<10240xf32, #tpu.memory_space<vmem_shared>>) target_semaphore(%run_scoped3A_97 : memref<!tpu.dma_semaphore, #tpu.memory_space<semaphore_mem>>)
      %dma_wait3A_104 = arith.constant 0 : i32
      %dma_wait3A_105 = tpu.memref_slice %arg7[%arg1, %dma_wait3A_104] : memref<16x10240xf32, #tpu.memory_space<vmem_shared>> -> memref<1x10240xf32, #tpu.memory_space<vmem_shared>>
      %dma_wait3A_106 = tpu.memref_squeeze %dma_wait3A_105 : memref<1x10240xf32, #tpu.memory_space<vmem_shared>> -> memref<10240xf32, #tpu.memory_space<vmem_shared>>
      %dma_wait3A_107 = arith.constant 0 : i32
      %dma_wait3A_108 = tpu.memref_slice %arg7[%arg1, %dma_wait3A_107] : memref<16x10240xf32, #tpu.memory_space<vmem_shared>> -> memref<1x10240xf32, #tpu.memory_space<vmem_shared>>
      %dma_wait3A_109 = tpu.memref_squeeze %dma_wait3A_108 : memref<1x10240xf32, #tpu.memory_space<vmem_shared>> -> memref<10240xf32, #tpu.memory_space<vmem_shared>>
      tpu.wait_dma2 semaphore(%run_scoped3A_97 : memref<!tpu.dma_semaphore, #tpu.memory_space<semaphore_mem>>) src(%arg5 : memref<10240xf32, #tpu.memory_space<vmem>>) dst(%dma_wait3A_109 : memref<10240xf32, #tpu.memory_space<vmem_shared>>)
      tpu.yield
    }) : () -> ()
    %barrier3A = arith.constant 0 : index
    tpu.barrier barrier_id(%barrier3A)
    %mul3A_27 = arith.constant 640 : i32
    %mul3A_28 = arith.muli %arg1, %mul3A_27 : i32
    %run_scoped3A = arith.constant 0 : i32
    %run_scoped3A_29 = arith.constant 0 : i32
    "tpu.region"() ({
      %run_scoped3A_97 = tpu.sem_alloc : memref<!tpu.dma_semaphore, #tpu.memory_space<semaphore_mem>>
      %dma_start3A_98 = arith.constant 0 : i32
      %dma_start3A_99 = tpu.memref_slice %arg6[%run_scoped3A_29, %dma_start3A_98] : memref<16x640xf32, #tpu.memory_space<vmem>> -> memref<1x640xf32, #tpu.memory_space<vmem>>
      %dma_start3A_100 = tpu.memref_squeeze %dma_start3A_99 : memref<1x640xf32, #tpu.memory_space<vmem>> -> memref<640xf32, #tpu.memory_space<vmem>>
      %dma_start3A_101 = tpu.memref_slice %arg7[%run_scoped3A, %mul3A_28] : memref<16x10240xf32, #tpu.memory_space<vmem_shared>> -> memref<1x640xf32, #tpu.memory_space<vmem_shared>>
      %dma_start3A_102 = tpu.memref_squeeze %dma_start3A_101 : memref<1x640xf32, #tpu.memory_space<vmem_shared>> -> memref<640xf32, #tpu.memory_space<vmem_shared>>
      %dma_start3A_103 = arith.constant 0 : i32
      %dma_start3A_104 = tpu.memref_slice %arg6[%run_scoped3A_29, %dma_start3A_103] : memref<16x640xf32, #tpu.memory_space<vmem>> -> memref<1x640xf32, #tpu.memory_space<vmem>>
      %dma_start3A_105 = tpu.memref_squeeze %dma_start3A_104 : memref<1x640xf32, #tpu.memory_space<vmem>> -> memref<640xf32, #tpu.memory_space<vmem>>
      %dma_start3A_106 = tpu.memref_slice %arg7[%run_scoped3A, %mul3A_28] : memref<16x10240xf32, #tpu.memory_space<vmem_shared>> -> memref<1x640xf32, #tpu.memory_space<vmem_shared>>
      %dma_start3A_107 = tpu.memref_squeeze %dma_start3A_106 : memref<1x640xf32, #tpu.memory_space<vmem_shared>> -> memref<640xf32, #tpu.memory_space<vmem_shared>>
      tpu.enqueue_dma source(%dma_start3A_107 : memref<640xf32, #tpu.memory_space<vmem_shared>>) target(%dma_start3A_105 : memref<640xf32, #tpu.memory_space<vmem>>) target_semaphore(%run_scoped3A_97 : memref<!tpu.dma_semaphore, #tpu.memory_space<semaphore_mem>>)
      %dma_wait3A_108 = arith.constant 0 : i32
      %dma_wait3A_109 = tpu.memref_slice %arg6[%run_scoped3A_29, %dma_wait3A_108] : memref<16x640xf32, #tpu.memory_space<vmem>> -> memref<1x640xf32, #tpu.memory_space<vmem>>
      %dma_wait3A_110 = tpu.memref_squeeze %dma_wait3A_109 : memref<1x640xf32, #tpu.memory_space<vmem>> -> memref<640xf32, #tpu.memory_space<vmem>>
      %dma_wait3A_111 = tpu.memref_slice %arg7[%run_scoped3A, %mul3A_28] : memref<16x10240xf32, #tpu.memory_space<vmem_shared>> -> memref<1x640xf32, #tpu.memory_space<vmem_shared>>
      %dma_wait3A_112 = tpu.memref_squeeze %dma_wait3A_111 : memref<1x640xf32, #tpu.memory_space<vmem_shared>> -> memref<640xf32, #tpu.memory_space<vmem_shared>>
      %dma_wait3A_113 = arith.constant 0 : i32
      %dma_wait3A_114 = tpu.memref_slice %arg6[%run_scoped3A_29, %dma_wait3A_113] : memref<16x640xf32, #tpu.memory_space<vmem>> -> memref<1x640xf32, #tpu.memory_space<vmem>>
      %dma_wait3A_115 = tpu.memref_squeeze %dma_wait3A_114 : memref<1x640xf32, #tpu.memory_space<vmem>> -> memref<640xf32, #tpu.memory_space<vmem>>
      %dma_wait3A_116 = tpu.memref_slice %arg7[%run_scoped3A, %mul3A_28] : memref<16x10240xf32, #tpu.memory_space<vmem_shared>> -> memref<1x640xf32, #tpu.memory_space<vmem_shared>>
      %dma_wait3A_117 = tpu.memref_squeeze %dma_wait3A_116 : memref<1x640xf32, #tpu.memory_space<vmem_shared>> -> memref<640xf32, #tpu.memory_space<vmem_shared>>
      tpu.wait_dma2 semaphore(%run_scoped3A_97 : memref<!tpu.dma_semaphore, #tpu.memory_space<semaphore_mem>>) src(%dma_wait3A_117 : memref<640xf32, #tpu.memory_space<vmem_shared>>) dst(%dma_wait3A_115 : memref<640xf32, #tpu.memory_space<vmem>>)
      tpu.yield
    }) : () -> ()
    %mul3A_30 = arith.constant 640 : i32
    %mul3A_31 = arith.muli %arg1, %mul3A_30 : i32
    %run_scoped3A_32 = arith.constant 1 : i32
    %run_scoped3A_33 = arith.constant 1 : i32
    "tpu.region"() ({
      %run_scoped3A_97 = tpu.sem_alloc : memref<!tpu.dma_semaphore, #tpu.memory_space<semaphore_mem>>
      %dma_start3A_98 = arith.constant 0 : i32
      %dma_start3A_99 = tpu.memref_slice %arg6[%run_scoped3A_33, %dma_start3A_98] : memref<16x640xf32, #tpu.memory_space<vmem>> -> memref<1x640xf32, #tpu.memory_space<vmem>>
      %dma_start3A_100 = tpu.memref_squeeze %dma_start3A_99 : memref<1x640xf32, #tpu.memory_space<vmem>> -> memref<640xf32, #tpu.memory_space<vmem>>
      %dma_start3A_101 = tpu.memref_slice %arg7[%run_scoped3A_32, %mul3A_31] : memref<16x10240xf32, #tpu.memory_space<vmem_shared>> -> memref<1x640xf32, #tpu.memory_space<vmem_shared>>
      %dma_start3A_102 = tpu.memref_squeeze %dma_start3A_101 : memref<1x640xf32, #tpu.memory_space<vmem_shared>> -> memref<640xf32, #tpu.memory_space<vmem_shared>>
      %dma_start3A_103 = arith.constant 0 : i32
      %dma_start3A_104 = tpu.memref_slice %arg6[%run_scoped3A_33, %dma_start3A_103] : memref<16x640xf32, #tpu.memory_space<vmem>> -> memref<1x640xf32, #tpu.memory_space<vmem>>
      %dma_start3A_105 = tpu.memref_squeeze %dma_start3A_104 : memref<1x640xf32, #tpu.memory_space<vmem>> -> memref<640xf32, #tpu.memory_space<vmem>>
      %dma_start3A_106 = tpu.memref_slice %arg7[%run_scoped3A_32, %mul3A_31] : memref<16x10240xf32, #tpu.memory_space<vmem_shared>> -> memref<1x640xf32, #tpu.memory_space<vmem_shared>>
      %dma_start3A_107 = tpu.memref_squeeze %dma_start3A_106 : memref<1x640xf32, #tpu.memory_space<vmem_shared>> -> memref<640xf32, #tpu.memory_space<vmem_shared>>
      tpu.enqueue_dma source(%dma_start3A_107 : memref<640xf32, #tpu.memory_space<vmem_shared>>) target(%dma_start3A_105 : memref<640xf32, #tpu.memory_space<vmem>>) target_semaphore(%run_scoped3A_97 : memref<!tpu.dma_semaphore, #tpu.memory_space<semaphore_mem>>)
      %dma_wait3A_108 = arith.constant 0 : i32
      %dma_wait3A_109 = tpu.memref_slice %arg6[%run_scoped3A_33, %dma_wait3A_108] : memref<16x640xf32, #tpu.memory_space<vmem>> -> memref<1x640xf32, #tpu.memory_space<vmem>>
      %dma_wait3A_110 = tpu.memref_squeeze %dma_wait3A_109 : memref<1x640xf32, #tpu.memory_space<vmem>> -> memref<640xf32, #tpu.memory_space<vmem>>
      %dma_wait3A_111 = tpu.memref_slice %arg7[%run_scoped3A_32, %mul3A_31] : memref<16x10240xf32, #tpu.memory_space<vmem_shared>> -> memref<1x640xf32, #tpu.memory_space<vmem_shared>>
      %dma_wait3A_112 = tpu.memref_squeeze %dma_wait3A_111 : memref<1x640xf32, #tpu.memory_space<vmem_shared>> -> memref<640xf32, #tpu.memory_space<vmem_shared>>
      %dma_wait3A_113 = arith.constant 0 : i32
      %dma_wait3A_114 = tpu.memref_slice %arg6[%run_scoped3A_33, %dma_wait3A_113] : memref<16x640xf32, #tpu.memory_space<vmem>> -> memref<1x640xf32, #tpu.memory_space<vmem>>
      %dma_wait3A_115 = tpu.memref_squeeze %dma_wait3A_114 : memref<1x640xf32, #tpu.memory_space<vmem>> -> memref<640xf32, #tpu.memory_space<vmem>>
      %dma_wait3A_116 = tpu.memref_slice %arg7[%run_scoped3A_32, %mul3A_31] : memref<16x10240xf32, #tpu.memory_space<vmem_shared>> -> memref<1x640xf32, #tpu.memory_space<vmem_shared>>
      %dma_wait3A_117 = tpu.memref_squeeze %dma_wait3A_116 : memref<1x640xf32, #tpu.memory_space<vmem_shared>> -> memref<640xf32, #tpu.memory_space<vmem_shared>>
      tpu.wait_dma2 semaphore(%run_scoped3A_97 : memref<!tpu.dma_semaphore, #tpu.memory_space<semaphore_mem>>) src(%dma_wait3A_117 : memref<640xf32, #tpu.memory_space<vmem_shared>>) dst(%dma_wait3A_115 : memref<640xf32, #tpu.memory_space<vmem>>)
      tpu.yield
    }) : () -> ()
    %mul3A_34 = arith.constant 640 : i32
    %mul3A_35 = arith.muli %arg1, %mul3A_34 : i32
    %run_scoped3A_36 = arith.constant 2 : i32
    %run_scoped3A_37 = arith.constant 2 : i32
    "tpu.region"() ({
      %run_scoped3A_97 = tpu.sem_alloc : memref<!tpu.dma_semaphore, #tpu.memory_space<semaphore_mem>>
      %dma_start3A_98 = arith.constant 0 : i32
      %dma_start3A_99 = tpu.memref_slice %arg6[%run_scoped3A_37, %dma_start3A_98] : memref<16x640xf32, #tpu.memory_space<vmem>> -> memref<1x640xf32, #tpu.memory_space<vmem>>
      %dma_start3A_100 = tpu.memref_squeeze %dma_start3A_99 : memref<1x640xf32, #tpu.memory_space<vmem>> -> memref<640xf32, #tpu.memory_space<vmem>>
      %dma_start3A_101 = tpu.memref_slice %arg7[%run_scoped3A_36, %mul3A_35] : memref<16x10240xf32, #tpu.memory_space<vmem_shared>> -> memref<1x640xf32, #tpu.memory_space<vmem_shared>>
      %dma_start3A_102 = tpu.memref_squeeze %dma_start3A_101 : memref<1x640xf32, #tpu.memory_space<vmem_shared>> -> memref<640xf32, #tpu.memory_space<vmem_shared>>
      %dma_start3A_103 = arith.constant 0 : i32
      %dma_start3A_104 = tpu.memref_slice %arg6[%run_scoped3A_37, %dma_start3A_103] : memref<16x640xf32, #tpu.memory_space<vmem>> -> memref<1x640xf32, #tpu.memory_space<vmem>>
      %dma_start3A_105 = tpu.memref_squeeze %dma_start3A_104 : memref<1x640xf32, #tpu.memory_space<vmem>> -> memref<640xf32, #tpu.memory_space<vmem>>
      %dma_start3A_106 = tpu.memref_slice %arg7[%run_scoped3A_36, %mul3A_35] : memref<16x10240xf32, #tpu.memory_space<vmem_shared>> -> memref<1x640xf32, #tpu.memory_space<vmem_shared>>
      %dma_start3A_107 = tpu.memref_squeeze %dma_start3A_106 : memref<1x640xf32, #tpu.memory_space<vmem_shared>> -> memref<640xf32, #tpu.memory_space<vmem_shared>>
      tpu.enqueue_dma source(%dma_start3A_107 : memref<640xf32, #tpu.memory_space<vmem_shared>>) target(%dma_start3A_105 : memref<640xf32, #tpu.memory_space<vmem>>) target_semaphore(%run_scoped3A_97 : memref<!tpu.dma_semaphore, #tpu.memory_space<semaphore_mem>>)
      %dma_wait3A_108 = arith.constant 0 : i32
      %dma_wait3A_109 = tpu.memref_slice %arg6[%run_scoped3A_37, %dma_wait3A_108] : memref<16x640xf32, #tpu.memory_space<vmem>> -> memref<1x640xf32, #tpu.memory_space<vmem>>
      %dma_wait3A_110 = tpu.memref_squeeze %dma_wait3A_109 : memref<1x640xf32, #tpu.memory_space<vmem>> -> memref<640xf32, #tpu.memory_space<vmem>>
      %dma_wait3A_111 = tpu.memref_slice %arg7[%run_scoped3A_36, %mul3A_35] : memref<16x10240xf32, #tpu.memory_space<vmem_shared>> -> memref<1x640xf32, #tpu.memory_space<vmem_shared>>
      %dma_wait3A_112 = tpu.memref_squeeze %dma_wait3A_111 : memref<1x640xf32, #tpu.memory_space<vmem_shared>> -> memref<640xf32, #tpu.memory_space<vmem_shared>>
      %dma_wait3A_113 = arith.constant 0 : i32
      %dma_wait3A_114 = tpu.memref_slice %arg6[%run_scoped3A_37, %dma_wait3A_113] : memref<16x640xf32, #tpu.memory_space<vmem>> -> memref<1x640xf32, #tpu.memory_space<vmem>>
      %dma_wait3A_115 = tpu.memref_squeeze %dma_wait3A_114 : memref<1x640xf32, #tpu.memory_space<vmem>> -> memref<640xf32, #tpu.memory_space<vmem>>
      %dma_wait3A_116 = tpu.memref_slice %arg7[%run_scoped3A_36, %mul3A_35] : memref<16x10240xf32, #tpu.memory_space<vmem_shared>> -> memref<1x640xf32, #tpu.memory_space<vmem_shared>>
      %dma_wait3A_117 = tpu.memref_squeeze %dma_wait3A_116 : memref<1x640xf32, #tpu.memory_space<vmem_shared>> -> memref<640xf32, #tpu.memory_space<vmem_shared>>
      tpu.wait_dma2 semaphore(%run_scoped3A_97 : memref<!tpu.dma_semaphore, #tpu.memory_space<semaphore_mem>>) src(%dma_wait3A_117 : memref<640xf32, #tpu.memory_space<vmem_shared>>) dst(%dma_wait3A_115 : memref<640xf32, #tpu.memory_space<vmem>>)
      tpu.yield
    }) : () -> ()
    %mul3A_38 = arith.constant 640 : i32
    %mul3A_39 = arith.muli %arg1, %mul3A_38 : i32
    %run_scoped3A_40 = arith.constant 3 : i32
    %run_scoped3A_41 = arith.constant 3 : i32
    "tpu.region"() ({
      %run_scoped3A_97 = tpu.sem_alloc : memref<!tpu.dma_semaphore, #tpu.memory_space<semaphore_mem>>
      %dma_start3A_98 = arith.constant 0 : i32
      %dma_start3A_99 = tpu.memref_slice %arg6[%run_scoped3A_41, %dma_start3A_98] : memref<16x640xf32, #tpu.memory_space<vmem>> -> memref<1x640xf32, #tpu.memory_space<vmem>>
      %dma_start3A_100 = tpu.memref_squeeze %dma_start3A_99 : memref<1x640xf32, #tpu.memory_space<vmem>> -> memref<640xf32, #tpu.memory_space<vmem>>
      %dma_start3A_101 = tpu.memref_slice %arg7[%run_scoped3A_40, %mul3A_39] : memref<16x10240xf32, #tpu.memory_space<vmem_shared>> -> memref<1x640xf32, #tpu.memory_space<vmem_shared>>
      %dma_start3A_102 = tpu.memref_squeeze %dma_start3A_101 : memref<1x640xf32, #tpu.memory_space<vmem_shared>> -> memref<640xf32, #tpu.memory_space<vmem_shared>>
      %dma_start3A_103 = arith.constant 0 : i32
      %dma_start3A_104 = tpu.memref_slice %arg6[%run_scoped3A_41, %dma_start3A_103] : memref<16x640xf32, #tpu.memory_space<vmem>> -> memref<1x640xf32, #tpu.memory_space<vmem>>
      %dma_start3A_105 = tpu.memref_squeeze %dma_start3A_104 : memref<1x640xf32, #tpu.memory_space<vmem>> -> memref<640xf32, #tpu.memory_space<vmem>>
      %dma_start3A_106 = tpu.memref_slice %arg7[%run_scoped3A_40, %mul3A_39] : memref<16x10240xf32, #tpu.memory_space<vmem_shared>> -> memref<1x640xf32, #tpu.memory_space<vmem_shared>>
      %dma_start3A_107 = tpu.memref_squeeze %dma_start3A_106 : memref<1x640xf32, #tpu.memory_space<vmem_shared>> -> memref<640xf32, #tpu.memory_space<vmem_shared>>
      tpu.enqueue_dma source(%dma_start3A_107 : memref<640xf32, #tpu.memory_space<vmem_shared>>) target(%dma_start3A_105 : memref<640xf32, #tpu.memory_space<vmem>>) target_semaphore(%run_scoped3A_97 : memref<!tpu.dma_semaphore, #tpu.memory_space<semaphore_mem>>)
      %dma_wait3A_108 = arith.constant 0 : i32
      %dma_wait3A_109 = tpu.memref_slice %arg6[%run_scoped3A_41, %dma_wait3A_108] : memref<16x640xf32, #tpu.memory_space<vmem>> -> memref<1x640xf32, #tpu.memory_space<vmem>>
      %dma_wait3A_110 = tpu.memref_squeeze %dma_wait3A_109 : memref<1x640xf32, #tpu.memory_space<vmem>> -> memref<640xf32, #tpu.memory_space<vmem>>
      %dma_wait3A_111 = tpu.memref_slice %arg7[%run_scoped3A_40, %mul3A_39] : memref<16x10240xf32, #tpu.memory_space<vmem_shared>> -> memref<1x640xf32, #tpu.memory_space<vmem_shared>>
      %dma_wait3A_112 = tpu.memref_squeeze %dma_wait3A_111 : memref<1x640xf32, #tpu.memory_space<vmem_shared>> -> memref<640xf32, #tpu.memory_space<vmem_shared>>
      %dma_wait3A_113 = arith.constant 0 : i32
      %dma_wait3A_114 = tpu.memref_slice %arg6[%run_scoped3A_41, %dma_wait3A_113] : memref<16x640xf32, #tpu.memory_space<vmem>> -> memref<1x640xf32, #tpu.memory_space<vmem>>
      %dma_wait3A_115 = tpu.memref_squeeze %dma_wait3A_114 : memref<1x640xf32, #tpu.memory_space<vmem>> -> memref<640xf32, #tpu.memory_space<vmem>>
      %dma_wait3A_116 = tpu.memref_slice %arg7[%run_scoped3A_40, %mul3A_39] : memref<16x10240xf32, #tpu.memory_space<vmem_shared>> -> memref<1x640xf32, #tpu.memory_space<vmem_shared>>
      %dma_wait3A_117 = tpu.memref_squeeze %dma_wait3A_116 : memref<1x640xf32, #tpu.memory_space<vmem_shared>> -> memref<640xf32, #tpu.memory_space<vmem_shared>>
      tpu.wait_dma2 semaphore(%run_scoped3A_97 : memref<!tpu.dma_semaphore, #tpu.memory_space<semaphore_mem>>) src(%dma_wait3A_117 : memref<640xf32, #tpu.memory_space<vmem_shared>>) dst(%dma_wait3A_115 : memref<640xf32, #tpu.memory_space<vmem>>)
      tpu.yield
    }) : () -> ()
    %mul3A_42 = arith.constant 640 : i32
    %mul3A_43 = arith.muli %arg1, %mul3A_42 : i32
    %run_scoped3A_44 = arith.constant 4 : i32
    %run_scoped3A_45 = arith.constant 4 : i32
    "tpu.region"() ({
      %run_scoped3A_97 = tpu.sem_alloc : memref<!tpu.dma_semaphore, #tpu.memory_space<semaphore_mem>>
      %dma_start3A_98 = arith.constant 0 : i32
      %dma_start3A_99 = tpu.memref_slice %arg6[%run_scoped3A_45, %dma_start3A_98] : memref<16x640xf32, #tpu.memory_space<vmem>> -> memref<1x640xf32, #tpu.memory_space<vmem>>
      %dma_start3A_100 = tpu.memref_squeeze %dma_start3A_99 : memref<1x640xf32, #tpu.memory_space<vmem>> -> memref<640xf32, #tpu.memory_space<vmem>>
      %dma_start3A_101 = tpu.memref_slice %arg7[%run_scoped3A_44, %mul3A_43] : memref<16x10240xf32, #tpu.memory_space<vmem_shared>> -> memref<1x640xf32, #tpu.memory_space<vmem_shared>>
      %dma_start3A_102 = tpu.memref_squeeze %dma_start3A_101 : memref<1x640xf32, #tpu.memory_space<vmem_shared>> -> memref<640xf32, #tpu.memory_space<vmem_shared>>
      %dma_start3A_103 = arith.constant 0 : i32
      %dma_start3A_104 = tpu.memref_slice %arg6[%run_scoped3A_45, %dma_start3A_103] : memref<16x640xf32, #tpu.memory_space<vmem>> -> memref<1x640xf32, #tpu.memory_space<vmem>>
      %dma_start3A_105 = tpu.memref_squeeze %dma_start3A_104 : memref<1x640xf32, #tpu.memory_space<vmem>> -> memref<640xf32, #tpu.memory_space<vmem>>
      %dma_start3A_106 = tpu.memref_slice %arg7[%run_scoped3A_44, %mul3A_43] : memref<16x10240xf32, #tpu.memory_space<vmem_shared>> -> memref<1x640xf32, #tpu.memory_space<vmem_shared>>
      %dma_start3A_107 = tpu.memref_squeeze %dma_start3A_106 : memref<1x640xf32, #tpu.memory_space<vmem_shared>> -> memref<640xf32, #tpu.memory_space<vmem_shared>>
      tpu.enqueue_dma source(%dma_start3A_107 : memref<640xf32, #tpu.memory_space<vmem_shared>>) target(%dma_start3A_105 : memref<640xf32, #tpu.memory_space<vmem>>) target_semaphore(%run_scoped3A_97 : memref<!tpu.dma_semaphore, #tpu.memory_space<semaphore_mem>>)
      %dma_wait3A_108 = arith.constant 0 : i32
      %dma_wait3A_109 = tpu.memref_slice %arg6[%run_scoped3A_45, %dma_wait3A_108] : memref<16x640xf32, #tpu.memory_space<vmem>> -> memref<1x640xf32, #tpu.memory_space<vmem>>
      %dma_wait3A_110 = tpu.memref_squeeze %dma_wait3A_109 : memref<1x640xf32, #tpu.memory_space<vmem>> -> memref<640xf32, #tpu.memory_space<vmem>>
      %dma_wait3A_111 = tpu.memref_slice %arg7[%run_scoped3A_44, %mul3A_43] : memref<16x10240xf32, #tpu.memory_space<vmem_shared>> -> memref<1x640xf32, #tpu.memory_space<vmem_shared>>
      %dma_wait3A_112 = tpu.memref_squeeze %dma_wait3A_111 : memref<1x640xf32, #tpu.memory_space<vmem_shared>> -> memref<640xf32, #tpu.memory_space<vmem_shared>>
      %dma_wait3A_113 = arith.constant 0 : i32
      %dma_wait3A_114 = tpu.memref_slice %arg6[%run_scoped3A_45, %dma_wait3A_113] : memref<16x640xf32, #tpu.memory_space<vmem>> -> memref<1x640xf32, #tpu.memory_space<vmem>>
      %dma_wait3A_115 = tpu.memref_squeeze %dma_wait3A_114 : memref<1x640xf32, #tpu.memory_space<vmem>> -> memref<640xf32, #tpu.memory_space<vmem>>
      %dma_wait3A_116 = tpu.memref_slice %arg7[%run_scoped3A_44, %mul3A_43] : memref<16x10240xf32, #tpu.memory_space<vmem_shared>> -> memref<1x640xf32, #tpu.memory_space<vmem_shared>>
      %dma_wait3A_117 = tpu.memref_squeeze %dma_wait3A_116 : memref<1x640xf32, #tpu.memory_space<vmem_shared>> -> memref<640xf32, #tpu.memory_space<vmem_shared>>
      tpu.wait_dma2 semaphore(%run_scoped3A_97 : memref<!tpu.dma_semaphore, #tpu.memory_space<semaphore_mem>>) src(%dma_wait3A_117 : memref<640xf32, #tpu.memory_space<vmem_shared>>) dst(%dma_wait3A_115 : memref<640xf32, #tpu.memory_space<vmem>>)
      tpu.yield
    }) : () -> ()
    %mul3A_46 = arith.constant 640 : i32
    %mul3A_47 = arith.muli %arg1, %mul3A_46 : i32
    %run_scoped3A_48 = arith.constant 5 : i32
    %run_scoped3A_49 = arith.constant 5 : i32
    "tpu.region"() ({
      %run_scoped3A_97 = tpu.sem_alloc : memref<!tpu.dma_semaphore, #tpu.memory_space<semaphore_mem>>
      %dma_start3A_98 = arith.constant 0 : i32
      %dma_start3A_99 = tpu.memref_slice %arg6[%run_scoped3A_49, %dma_start3A_98] : memref<16x640xf32, #tpu.memory_space<vmem>> -> memref<1x640xf32, #tpu.memory_space<vmem>>
      %dma_start3A_100 = tpu.memref_squeeze %dma_start3A_99 : memref<1x640xf32, #tpu.memory_space<vmem>> -> memref<640xf32, #tpu.memory_space<vmem>>
      %dma_start3A_101 = tpu.memref_slice %arg7[%run_scoped3A_48, %mul3A_47] : memref<16x10240xf32, #tpu.memory_space<vmem_shared>> -> memref<1x640xf32, #tpu.memory_space<vmem_shared>>
      %dma_start3A_102 = tpu.memref_squeeze %dma_start3A_101 : memref<1x640xf32, #tpu.memory_space<vmem_shared>> -> memref<640xf32, #tpu.memory_space<vmem_shared>>
      %dma_start3A_103 = arith.constant 0 : i32
      %dma_start3A_104 = tpu.memref_slice %arg6[%run_scoped3A_49, %dma_start3A_103] : memref<16x640xf32, #tpu.memory_space<vmem>> -> memref<1x640xf32, #tpu.memory_space<vmem>>
      %dma_start3A_105 = tpu.memref_squeeze %dma_start3A_104 : memref<1x640xf32, #tpu.memory_space<vmem>> -> memref<640xf32, #tpu.memory_space<vmem>>
      %dma_start3A_106 = tpu.memref_slice %arg7[%run_scoped3A_48, %mul3A_47] : memref<16x10240xf32, #tpu.memory_space<vmem_shared>> -> memref<1x640xf32, #tpu.memory_space<vmem_shared>>
      %dma_start3A_107 = tpu.memref_squeeze %dma_start3A_106 : memref<1x640xf32, #tpu.memory_space<vmem_shared>> -> memref<640xf32, #tpu.memory_space<vmem_shared>>
      tpu.enqueue_dma source(%dma_start3A_107 : memref<640xf32, #tpu.memory_space<vmem_shared>>) target(%dma_start3A_105 : memref<640xf32, #tpu.memory_space<vmem>>) target_semaphore(%run_scoped3A_97 : memref<!tpu.dma_semaphore, #tpu.memory_space<semaphore_mem>>)
      %dma_wait3A_108 = arith.constant 0 : i32
      %dma_wait3A_109 = tpu.memref_slice %arg6[%run_scoped3A_49, %dma_wait3A_108] : memref<16x640xf32, #tpu.memory_space<vmem>> -> memref<1x640xf32, #tpu.memory_space<vmem>>
      %dma_wait3A_110 = tpu.memref_squeeze %dma_wait3A_109 : memref<1x640xf32, #tpu.memory_space<vmem>> -> memref<640xf32, #tpu.memory_space<vmem>>
      %dma_wait3A_111 = tpu.memref_slice %arg7[%run_scoped3A_48, %mul3A_47] : memref<16x10240xf32, #tpu.memory_space<vmem_shared>> -> memref<1x640xf32, #tpu.memory_space<vmem_shared>>
      %dma_wait3A_112 = tpu.memref_squeeze %dma_wait3A_111 : memref<1x640xf32, #tpu.memory_space<vmem_shared>> -> memref<640xf32, #tpu.memory_space<vmem_shared>>
      %dma_wait3A_113 = arith.constant 0 : i32
      %dma_wait3A_114 = tpu.memref_slice %arg6[%run_scoped3A_49, %dma_wait3A_113] : memref<16x640xf32, #tpu.memory_space<vmem>> -> memref<1x640xf32, #tpu.memory_space<vmem>>
      %dma_wait3A_115 = tpu.memref_squeeze %dma_wait3A_114 : memref<1x640xf32, #tpu.memory_space<vmem>> -> memref<640xf32, #tpu.memory_space<vmem>>
      %dma_wait3A_116 = tpu.memref_slice %arg7[%run_scoped3A_48, %mul3A_47] : memref<16x10240xf32, #tpu.memory_space<vmem_shared>> -> memref<1x640xf32, #tpu.memory_space<vmem_shared>>
      %dma_wait3A_117 = tpu.memref_squeeze %dma_wait3A_116 : memref<1x640xf32, #tpu.memory_space<vmem_shared>> -> memref<640xf32, #tpu.memory_space<vmem_shared>>
      tpu.wait_dma2 semaphore(%run_scoped3A_97 : memref<!tpu.dma_semaphore, #tpu.memory_space<semaphore_mem>>) src(%dma_wait3A_117 : memref<640xf32, #tpu.memory_space<vmem_shared>>) dst(%dma_wait3A_115 : memref<640xf32, #tpu.memory_space<vmem>>)
      tpu.yield
    }) : () -> ()
    %mul3A_50 = arith.constant 640 : i32
    %mul3A_51 = arith.muli %arg1, %mul3A_50 : i32
    %run_scoped3A_52 = arith.constant 6 : i32
    %run_scoped3A_53 = arith.constant 6 : i32
    "tpu.region"() ({
      %run_scoped3A_97 = tpu.sem_alloc : memref<!tpu.dma_semaphore, #tpu.memory_space<semaphore_mem>>
      %dma_start3A_98 = arith.constant 0 : i32
      %dma_start3A_99 = tpu.memref_slice %arg6[%run_scoped3A_53, %dma_start3A_98] : memref<16x640xf32, #tpu.memory_space<vmem>> -> memref<1x640xf32, #tpu.memory_space<vmem>>
      %dma_start3A_100 = tpu.memref_squeeze %dma_start3A_99 : memref<1x640xf32, #tpu.memory_space<vmem>> -> memref<640xf32, #tpu.memory_space<vmem>>
      %dma_start3A_101 = tpu.memref_slice %arg7[%run_scoped3A_52, %mul3A_51] : memref<16x10240xf32, #tpu.memory_space<vmem_shared>> -> memref<1x640xf32, #tpu.memory_space<vmem_shared>>
      %dma_start3A_102 = tpu.memref_squeeze %dma_start3A_101 : memref<1x640xf32, #tpu.memory_space<vmem_shared>> -> memref<640xf32, #tpu.memory_space<vmem_shared>>
      %dma_start3A_103 = arith.constant 0 : i32
      %dma_start3A_104 = tpu.memref_slice %arg6[%run_scoped3A_53, %dma_start3A_103] : memref<16x640xf32, #tpu.memory_space<vmem>> -> memref<1x640xf32, #tpu.memory_space<vmem>>
      %dma_start3A_105 = tpu.memref_squeeze %dma_start3A_104 : memref<1x640xf32, #tpu.memory_space<vmem>> -> memref<640xf32, #tpu.memory_space<vmem>>
      %dma_start3A_106 = tpu.memref_slice %arg7[%run_scoped3A_52, %mul3A_51] : memref<16x10240xf32, #tpu.memory_space<vmem_shared>> -> memref<1x640xf32, #tpu.memory_space<vmem_shared>>
      %dma_start3A_107 = tpu.memref_squeeze %dma_start3A_106 : memref<1x640xf32, #tpu.memory_space<vmem_shared>> -> memref<640xf32, #tpu.memory_space<vmem_shared>>
      tpu.enqueue_dma source(%dma_start3A_107 : memref<640xf32, #tpu.memory_space<vmem_shared>>) target(%dma_start3A_105 : memref<640xf32, #tpu.memory_space<vmem>>) target_semaphore(%run_scoped3A_97 : memref<!tpu.dma_semaphore, #tpu.memory_space<semaphore_mem>>)
      %dma_wait3A_108 = arith.constant 0 : i32
      %dma_wait3A_109 = tpu.memref_slice %arg6[%run_scoped3A_53, %dma_wait3A_108] : memref<16x640xf32, #tpu.memory_space<vmem>> -> memref<1x640xf32, #tpu.memory_space<vmem>>
      %dma_wait3A_110 = tpu.memref_squeeze %dma_wait3A_109 : memref<1x640xf32, #tpu.memory_space<vmem>> -> memref<640xf32, #tpu.memory_space<vmem>>
      %dma_wait3A_111 = tpu.memref_slice %arg7[%run_scoped3A_52, %mul3A_51] : memref<16x10240xf32, #tpu.memory_space<vmem_shared>> -> memref<1x640xf32, #tpu.memory_space<vmem_shared>>
      %dma_wait3A_112 = tpu.memref_squeeze %dma_wait3A_111 : memref<1x640xf32, #tpu.memory_space<vmem_shared>> -> memref<640xf32, #tpu.memory_space<vmem_shared>>
      %dma_wait3A_113 = arith.constant 0 : i32
      %dma_wait3A_114 = tpu.memref_slice %arg6[%run_scoped3A_53, %dma_wait3A_113] : memref<16x640xf32, #tpu.memory_space<vmem>> -> memref<1x640xf32, #tpu.memory_space<vmem>>
      %dma_wait3A_115 = tpu.memref_squeeze %dma_wait3A_114 : memref<1x640xf32, #tpu.memory_space<vmem>> -> memref<640xf32, #tpu.memory_space<vmem>>
      %dma_wait3A_116 = tpu.memref_slice %arg7[%run_scoped3A_52, %mul3A_51] : memref<16x10240xf32, #tpu.memory_space<vmem_shared>> -> memref<1x640xf32, #tpu.memory_space<vmem_shared>>
      %dma_wait3A_117 = tpu.memref_squeeze %dma_wait3A_116 : memref<1x640xf32, #tpu.memory_space<vmem_shared>> -> memref<640xf32, #tpu.memory_space<vmem_shared>>
      tpu.wait_dma2 semaphore(%run_scoped3A_97 : memref<!tpu.dma_semaphore, #tpu.memory_space<semaphore_mem>>) src(%dma_wait3A_117 : memref<640xf32, #tpu.memory_space<vmem_shared>>) dst(%dma_wait3A_115 : memref<640xf32, #tpu.memory_space<vmem>>)
      tpu.yield
    }) : () -> ()
    %mul3A_54 = arith.constant 640 : i32
    %mul3A_55 = arith.muli %arg1, %mul3A_54 : i32
    %run_scoped3A_56 = arith.constant 7 : i32
    %run_scoped3A_57 = arith.constant 7 : i32
    "tpu.region"() ({
      %run_scoped3A_97 = tpu.sem_alloc : memref<!tpu.dma_semaphore, #tpu.memory_space<semaphore_mem>>
      %dma_start3A_98 = arith.constant 0 : i32
      %dma_start3A_99 = tpu.memref_slice %arg6[%run_scoped3A_57, %dma_start3A_98] : memref<16x640xf32, #tpu.memory_space<vmem>> -> memref<1x640xf32, #tpu.memory_space<vmem>>
      %dma_start3A_100 = tpu.memref_squeeze %dma_start3A_99 : memref<1x640xf32, #tpu.memory_space<vmem>> -> memref<640xf32, #tpu.memory_space<vmem>>
      %dma_start3A_101 = tpu.memref_slice %arg7[%run_scoped3A_56, %mul3A_55] : memref<16x10240xf32, #tpu.memory_space<vmem_shared>> -> memref<1x640xf32, #tpu.memory_space<vmem_shared>>
      %dma_start3A_102 = tpu.memref_squeeze %dma_start3A_101 : memref<1x640xf32, #tpu.memory_space<vmem_shared>> -> memref<640xf32, #tpu.memory_space<vmem_shared>>
      %dma_start3A_103 = arith.constant 0 : i32
      %dma_start3A_104 = tpu.memref_slice %arg6[%run_scoped3A_57, %dma_start3A_103] : memref<16x640xf32, #tpu.memory_space<vmem>> -> memref<1x640xf32, #tpu.memory_space<vmem>>
      %dma_start3A_105 = tpu.memref_squeeze %dma_start3A_104 : memref<1x640xf32, #tpu.memory_space<vmem>> -> memref<640xf32, #tpu.memory_space<vmem>>
      %dma_start3A_106 = tpu.memref_slice %arg7[%run_scoped3A_56, %mul3A_55] : memref<16x10240xf32, #tpu.memory_space<vmem_shared>> -> memref<1x640xf32, #tpu.memory_space<vmem_shared>>
      %dma_start3A_107 = tpu.memref_squeeze %dma_start3A_106 : memref<1x640xf32, #tpu.memory_space<vmem_shared>> -> memref<640xf32, #tpu.memory_space<vmem_shared>>
      tpu.enqueue_dma source(%dma_start3A_107 : memref<640xf32, #tpu.memory_space<vmem_shared>>) target(%dma_start3A_105 : memref<640xf32, #tpu.memory_space<vmem>>) target_semaphore(%run_scoped3A_97 : memref<!tpu.dma_semaphore, #tpu.memory_space<semaphore_mem>>)
      %dma_wait3A_108 = arith.constant 0 : i32
      %dma_wait3A_109 = tpu.memref_slice %arg6[%run_scoped3A_57, %dma_wait3A_108] : memref<16x640xf32, #tpu.memory_space<vmem>> -> memref<1x640xf32, #tpu.memory_space<vmem>>
      %dma_wait3A_110 = tpu.memref_squeeze %dma_wait3A_109 : memref<1x640xf32, #tpu.memory_space<vmem>> -> memref<640xf32, #tpu.memory_space<vmem>>
      %dma_wait3A_111 = tpu.memref_slice %arg7[%run_scoped3A_56, %mul3A_55] : memref<16x10240xf32, #tpu.memory_space<vmem_shared>> -> memref<1x640xf32, #tpu.memory_space<vmem_shared>>
      %dma_wait3A_112 = tpu.memref_squeeze %dma_wait3A_111 : memref<1x640xf32, #tpu.memory_space<vmem_shared>> -> memref<640xf32, #tpu.memory_space<vmem_shared>>
      %dma_wait3A_113 = arith.constant 0 : i32
      %dma_wait3A_114 = tpu.memref_slice %arg6[%run_scoped3A_57, %dma_wait3A_113] : memref<16x640xf32, #tpu.memory_space<vmem>> -> memref<1x640xf32, #tpu.memory_space<vmem>>
      %dma_wait3A_115 = tpu.memref_squeeze %dma_wait3A_114 : memref<1x640xf32, #tpu.memory_space<vmem>> -> memref<640xf32, #tpu.memory_space<vmem>>
      %dma_wait3A_116 = tpu.memref_slice %arg7[%run_scoped3A_56, %mul3A_55] : memref<16x10240xf32, #tpu.memory_space<vmem_shared>> -> memref<1x640xf32, #tpu.memory_space<vmem_shared>>
      %dma_wait3A_117 = tpu.memref_squeeze %dma_wait3A_116 : memref<1x640xf32, #tpu.memory_space<vmem_shared>> -> memref<640xf32, #tpu.memory_space<vmem_shared>>
      tpu.wait_dma2 semaphore(%run_scoped3A_97 : memref<!tpu.dma_semaphore, #tpu.memory_space<semaphore_mem>>) src(%dma_wait3A_117 : memref<640xf32, #tpu.memory_space<vmem_shared>>) dst(%dma_wait3A_115 : memref<640xf32, #tpu.memory_space<vmem>>)
      tpu.yield
    }) : () -> ()
    %mul3A_58 = arith.constant 640 : i32
    %mul3A_59 = arith.muli %arg1, %mul3A_58 : i32
    %run_scoped3A_60 = arith.constant 8 : i32
    %run_scoped3A_61 = arith.constant 8 : i32
    "tpu.region"() ({
      %run_scoped3A_97 = tpu.sem_alloc : memref<!tpu.dma_semaphore, #tpu.memory_space<semaphore_mem>>
      %dma_start3A_98 = arith.constant 0 : i32
      %dma_start3A_99 = tpu.memref_slice %arg6[%run_scoped3A_61, %dma_start3A_98] : memref<16x640xf32, #tpu.memory_space<vmem>> -> memref<1x640xf32, #tpu.memory_space<vmem>>
      %dma_start3A_100 = tpu.memref_squeeze %dma_start3A_99 : memref<1x640xf32, #tpu.memory_space<vmem>> -> memref<640xf32, #tpu.memory_space<vmem>>
      %dma_start3A_101 = tpu.memref_slice %arg7[%run_scoped3A_60, %mul3A_59] : memref<16x10240xf32, #tpu.memory_space<vmem_shared>> -> memref<1x640xf32, #tpu.memory_space<vmem_shared>>
      %dma_start3A_102 = tpu.memref_squeeze %dma_start3A_101 : memref<1x640xf32, #tpu.memory_space<vmem_shared>> -> memref<640xf32, #tpu.memory_space<vmem_shared>>
      %dma_start3A_103 = arith.constant 0 : i32
      %dma_start3A_104 = tpu.memref_slice %arg6[%run_scoped3A_61, %dma_start3A_103] : memref<16x640xf32, #tpu.memory_space<vmem>> -> memref<1x640xf32, #tpu.memory_space<vmem>>
      %dma_start3A_105 = tpu.memref_squeeze %dma_start3A_104 : memref<1x640xf32, #tpu.memory_space<vmem>> -> memref<640xf32, #tpu.memory_space<vmem>>
      %dma_start3A_106 = tpu.memref_slice %arg7[%run_scoped3A_60, %mul3A_59] : memref<16x10240xf32, #tpu.memory_space<vmem_shared>> -> memref<1x640xf32, #tpu.memory_space<vmem_shared>>
      %dma_start3A_107 = tpu.memref_squeeze %dma_start3A_106 : memref<1x640xf32, #tpu.memory_space<vmem_shared>> -> memref<640xf32, #tpu.memory_space<vmem_shared>>
      tpu.enqueue_dma source(%dma_start3A_107 : memref<640xf32, #tpu.memory_space<vmem_shared>>) target(%dma_start3A_105 : memref<640xf32, #tpu.memory_space<vmem>>) target_semaphore(%run_scoped3A_97 : memref<!tpu.dma_semaphore, #tpu.memory_space<semaphore_mem>>)
      %dma_wait3A_108 = arith.constant 0 : i32
      %dma_wait3A_109 = tpu.memref_slice %arg6[%run_scoped3A_61, %dma_wait3A_108] : memref<16x640xf32, #tpu.memory_space<vmem>> -> memref<1x640xf32, #tpu.memory_space<vmem>>
      %dma_wait3A_110 = tpu.memref_squeeze %dma_wait3A_109 : memref<1x640xf32, #tpu.memory_space<vmem>> -> memref<640xf32, #tpu.memory_space<vmem>>
      %dma_wait3A_111 = tpu.memref_slice %arg7[%run_scoped3A_60, %mul3A_59] : memref<16x10240xf32, #tpu.memory_space<vmem_shared>> -> memref<1x640xf32, #tpu.memory_space<vmem_shared>>
      %dma_wait3A_112 = tpu.memref_squeeze %dma_wait3A_111 : memref<1x640xf32, #tpu.memory_space<vmem_shared>> -> memref<640xf32, #tpu.memory_space<vmem_shared>>
      %dma_wait3A_113 = arith.constant 0 : i32
      %dma_wait3A_114 = tpu.memref_slice %arg6[%run_scoped3A_61, %dma_wait3A_113] : memref<16x640xf32, #tpu.memory_space<vmem>> -> memref<1x640xf32, #tpu.memory_space<vmem>>
      %dma_wait3A_115 = tpu.memref_squeeze %dma_wait3A_114 : memref<1x640xf32, #tpu.memory_space<vmem>> -> memref<640xf32, #tpu.memory_space<vmem>>
      %dma_wait3A_116 = tpu.memref_slice %arg7[%run_scoped3A_60, %mul3A_59] : memref<16x10240xf32, #tpu.memory_space<vmem_shared>> -> memref<1x640xf32, #tpu.memory_space<vmem_shared>>
      %dma_wait3A_117 = tpu.memref_squeeze %dma_wait3A_116 : memref<1x640xf32, #tpu.memory_space<vmem_shared>> -> memref<640xf32, #tpu.memory_space<vmem_shared>>
      tpu.wait_dma2 semaphore(%run_scoped3A_97 : memref<!tpu.dma_semaphore, #tpu.memory_space<semaphore_mem>>) src(%dma_wait3A_117 : memref<640xf32, #tpu.memory_space<vmem_shared>>) dst(%dma_wait3A_115 : memref<640xf32, #tpu.memory_space<vmem>>)
      tpu.yield
    }) : () -> ()
    %mul3A_62 = arith.constant 640 : i32
    %mul3A_63 = arith.muli %arg1, %mul3A_62 : i32
    %run_scoped3A_64 = arith.constant 9 : i32
    %run_scoped3A_65 = arith.constant 9 : i32
    "tpu.region"() ({
      %run_scoped3A_97 = tpu.sem_alloc : memref<!tpu.dma_semaphore, #tpu.memory_space<semaphore_mem>>
      %dma_start3A_98 = arith.constant 0 : i32
      %dma_start3A_99 = tpu.memref_slice %arg6[%run_scoped3A_65, %dma_start3A_98] : memref<16x640xf32, #tpu.memory_space<vmem>> -> memref<1x640xf32, #tpu.memory_space<vmem>>
      %dma_start3A_100 = tpu.memref_squeeze %dma_start3A_99 : memref<1x640xf32, #tpu.memory_space<vmem>> -> memref<640xf32, #tpu.memory_space<vmem>>
      %dma_start3A_101 = tpu.memref_slice %arg7[%run_scoped3A_64, %mul3A_63] : memref<16x10240xf32, #tpu.memory_space<vmem_shared>> -> memref<1x640xf32, #tpu.memory_space<vmem_shared>>
      %dma_start3A_102 = tpu.memref_squeeze %dma_start3A_101 : memref<1x640xf32, #tpu.memory_space<vmem_shared>> -> memref<640xf32, #tpu.memory_space<vmem_shared>>
      %dma_start3A_103 = arith.constant 0 : i32
      %dma_start3A_104 = tpu.memref_slice %arg6[%run_scoped3A_65, %dma_start3A_103] : memref<16x640xf32, #tpu.memory_space<vmem>> -> memref<1x640xf32, #tpu.memory_space<vmem>>
      %dma_start3A_105 = tpu.memref_squeeze %dma_start3A_104 : memref<1x640xf32, #tpu.memory_space<vmem>> -> memref<640xf32, #tpu.memory_space<vmem>>
      %dma_start3A_106 = tpu.memref_slice %arg7[%run_scoped3A_64, %mul3A_63] : memref<16x10240xf32, #tpu.memory_space<vmem_shared>> -> memref<1x640xf32, #tpu.memory_space<vmem_shared>>
      %dma_start3A_107 = tpu.memref_squeeze %dma_start3A_106 : memref<1x640xf32, #tpu.memory_space<vmem_shared>> -> memref<640xf32, #tpu.memory_space<vmem_shared>>
      tpu.enqueue_dma source(%dma_start3A_107 : memref<640xf32, #tpu.memory_space<vmem_shared>>) target(%dma_start3A_105 : memref<640xf32, #tpu.memory_space<vmem>>) target_semaphore(%run_scoped3A_97 : memref<!tpu.dma_semaphore, #tpu.memory_space<semaphore_mem>>)
      %dma_wait3A_108 = arith.constant 0 : i32
      %dma_wait3A_109 = tpu.memref_slice %arg6[%run_scoped3A_65, %dma_wait3A_108] : memref<16x640xf32, #tpu.memory_space<vmem>> -> memref<1x640xf32, #tpu.memory_space<vmem>>
      %dma_wait3A_110 = tpu.memref_squeeze %dma_wait3A_109 : memref<1x640xf32, #tpu.memory_space<vmem>> -> memref<640xf32, #tpu.memory_space<vmem>>
      %dma_wait3A_111 = tpu.memref_slice %arg7[%run_scoped3A_64, %mul3A_63] : memref<16x10240xf32, #tpu.memory_space<vmem_shared>> -> memref<1x640xf32, #tpu.memory_space<vmem_shared>>
      %dma_wait3A_112 = tpu.memref_squeeze %dma_wait3A_111 : memref<1x640xf32, #tpu.memory_space<vmem_shared>> -> memref<640xf32, #tpu.memory_space<vmem_shared>>
      %dma_wait3A_113 = arith.constant 0 : i32
      %dma_wait3A_114 = tpu.memref_slice %arg6[%run_scoped3A_65, %dma_wait3A_113] : memref<16x640xf32, #tpu.memory_space<vmem>> -> memref<1x640xf32, #tpu.memory_space<vmem>>
      %dma_wait3A_115 = tpu.memref_squeeze %dma_wait3A_114 : memref<1x640xf32, #tpu.memory_space<vmem>> -> memref<640xf32, #tpu.memory_space<vmem>>
      %dma_wait3A_116 = tpu.memref_slice %arg7[%run_scoped3A_64, %mul3A_63] : memref<16x10240xf32, #tpu.memory_space<vmem_shared>> -> memref<1x640xf32, #tpu.memory_space<vmem_shared>>
      %dma_wait3A_117 = tpu.memref_squeeze %dma_wait3A_116 : memref<1x640xf32, #tpu.memory_space<vmem_shared>> -> memref<640xf32, #tpu.memory_space<vmem_shared>>
      tpu.wait_dma2 semaphore(%run_scoped3A_97 : memref<!tpu.dma_semaphore, #tpu.memory_space<semaphore_mem>>) src(%dma_wait3A_117 : memref<640xf32, #tpu.memory_space<vmem_shared>>) dst(%dma_wait3A_115 : memref<640xf32, #tpu.memory_space<vmem>>)
      tpu.yield
    }) : () -> ()
    %mul3A_66 = arith.constant 640 : i32
    %mul3A_67 = arith.muli %arg1, %mul3A_66 : i32
    %run_scoped3A_68 = arith.constant 10 : i32
    %run_scoped3A_69 = arith.constant 10 : i32
    "tpu.region"() ({
      %run_scoped3A_97 = tpu.sem_alloc : memref<!tpu.dma_semaphore, #tpu.memory_space<semaphore_mem>>
      %dma_start3A_98 = arith.constant 0 : i32
      %dma_start3A_99 = tpu.memref_slice %arg6[%run_scoped3A_69, %dma_start3A_98] : memref<16x640xf32, #tpu.memory_space<vmem>> -> memref<1x640xf32, #tpu.memory_space<vmem>>
      %dma_start3A_100 = tpu.memref_squeeze %dma_start3A_99 : memref<1x640xf32, #tpu.memory_space<vmem>> -> memref<640xf32, #tpu.memory_space<vmem>>
      %dma_start3A_101 = tpu.memref_slice %arg7[%run_scoped3A_68, %mul3A_67] : memref<16x10240xf32, #tpu.memory_space<vmem_shared>> -> memref<1x640xf32, #tpu.memory_space<vmem_shared>>
      %dma_start3A_102 = tpu.memref_squeeze %dma_start3A_101 : memref<1x640xf32, #tpu.memory_space<vmem_shared>> -> memref<640xf32, #tpu.memory_space<vmem_shared>>
      %dma_start3A_103 = arith.constant 0 : i32
      %dma_start3A_104 = tpu.memref_slice %arg6[%run_scoped3A_69, %dma_start3A_103] : memref<16x640xf32, #tpu.memory_space<vmem>> -> memref<1x640xf32, #tpu.memory_space<vmem>>
      %dma_start3A_105 = tpu.memref_squeeze %dma_start3A_104 : memref<1x640xf32, #tpu.memory_space<vmem>> -> memref<640xf32, #tpu.memory_space<vmem>>
      %dma_start3A_106 = tpu.memref_slice %arg7[%run_scoped3A_68, %mul3A_67] : memref<16x10240xf32, #tpu.memory_space<vmem_shared>> -> memref<1x640xf32, #tpu.memory_space<vmem_shared>>
      %dma_start3A_107 = tpu.memref_squeeze %dma_start3A_106 : memref<1x640xf32, #tpu.memory_space<vmem_shared>> -> memref<640xf32, #tpu.memory_space<vmem_shared>>
      tpu.enqueue_dma source(%dma_start3A_107 : memref<640xf32, #tpu.memory_space<vmem_shared>>) target(%dma_start3A_105 : memref<640xf32, #tpu.memory_space<vmem>>) target_semaphore(%run_scoped3A_97 : memref<!tpu.dma_semaphore, #tpu.memory_space<semaphore_mem>>)
      %dma_wait3A_108 = arith.constant 0 : i32
      %dma_wait3A_109 = tpu.memref_slice %arg6[%run_scoped3A_69, %dma_wait3A_108] : memref<16x640xf32, #tpu.memory_space<vmem>> -> memref<1x640xf32, #tpu.memory_space<vmem>>
      %dma_wait3A_110 = tpu.memref_squeeze %dma_wait3A_109 : memref<1x640xf32, #tpu.memory_space<vmem>> -> memref<640xf32, #tpu.memory_space<vmem>>
      %dma_wait3A_111 = tpu.memref_slice %arg7[%run_scoped3A_68, %mul3A_67] : memref<16x10240xf32, #tpu.memory_space<vmem_shared>> -> memref<1x640xf32, #tpu.memory_space<vmem_shared>>
      %dma_wait3A_112 = tpu.memref_squeeze %dma_wait3A_111 : memref<1x640xf32, #tpu.memory_space<vmem_shared>> -> memref<640xf32, #tpu.memory_space<vmem_shared>>
      %dma_wait3A_113 = arith.constant 0 : i32
      %dma_wait3A_114 = tpu.memref_slice %arg6[%run_scoped3A_69, %dma_wait3A_113] : memref<16x640xf32, #tpu.memory_space<vmem>> -> memref<1x640xf32, #tpu.memory_space<vmem>>
      %dma_wait3A_115 = tpu.memref_squeeze %dma_wait3A_114 : memref<1x640xf32, #tpu.memory_space<vmem>> -> memref<640xf32, #tpu.memory_space<vmem>>
      %dma_wait3A_116 = tpu.memref_slice %arg7[%run_scoped3A_68, %mul3A_67] : memref<16x10240xf32, #tpu.memory_space<vmem_shared>> -> memref<1x640xf32, #tpu.memory_space<vmem_shared>>
      %dma_wait3A_117 = tpu.memref_squeeze %dma_wait3A_116 : memref<1x640xf32, #tpu.memory_space<vmem_shared>> -> memref<640xf32, #tpu.memory_space<vmem_shared>>
      tpu.wait_dma2 semaphore(%run_scoped3A_97 : memref<!tpu.dma_semaphore, #tpu.memory_space<semaphore_mem>>) src(%dma_wait3A_117 : memref<640xf32, #tpu.memory_space<vmem_shared>>) dst(%dma_wait3A_115 : memref<640xf32, #tpu.memory_space<vmem>>)
      tpu.yield
    }) : () -> ()
    %mul3A_70 = arith.constant 640 : i32
    %mul3A_71 = arith.muli %arg1, %mul3A_70 : i32
    %run_scoped3A_72 = arith.constant 11 : i32
    %run_scoped3A_73 = arith.constant 11 : i32
    "tpu.region"() ({
      %run_scoped3A_97 = tpu.sem_alloc : memref<!tpu.dma_semaphore, #tpu.memory_space<semaphore_mem>>
      %dma_start3A_98 = arith.constant 0 : i32
      %dma_start3A_99 = tpu.memref_slice %arg6[%run_scoped3A_73, %dma_start3A_98] : memref<16x640xf32, #tpu.memory_space<vmem>> -> memref<1x640xf32, #tpu.memory_space<vmem>>
      %dma_start3A_100 = tpu.memref_squeeze %dma_start3A_99 : memref<1x640xf32, #tpu.memory_space<vmem>> -> memref<640xf32, #tpu.memory_space<vmem>>
      %dma_start3A_101 = tpu.memref_slice %arg7[%run_scoped3A_72, %mul3A_71] : memref<16x10240xf32, #tpu.memory_space<vmem_shared>> -> memref<1x640xf32, #tpu.memory_space<vmem_shared>>
      %dma_start3A_102 = tpu.memref_squeeze %dma_start3A_101 : memref<1x640xf32, #tpu.memory_space<vmem_shared>> -> memref<640xf32, #tpu.memory_space<vmem_shared>>
      %dma_start3A_103 = arith.constant 0 : i32
      %dma_start3A_104 = tpu.memref_slice %arg6[%run_scoped3A_73, %dma_start3A_103] : memref<16x640xf32, #tpu.memory_space<vmem>> -> memref<1x640xf32, #tpu.memory_space<vmem>>
      %dma_start3A_105 = tpu.memref_squeeze %dma_start3A_104 : memref<1x640xf32, #tpu.memory_space<vmem>> -> memref<640xf32, #tpu.memory_space<vmem>>
      %dma_start3A_106 = tpu.memref_slice %arg7[%run_scoped3A_72, %mul3A_71] : memref<16x10240xf32, #tpu.memory_space<vmem_shared>> -> memref<1x640xf32, #tpu.memory_space<vmem_shared>>
      %dma_start3A_107 = tpu.memref_squeeze %dma_start3A_106 : memref<1x640xf32, #tpu.memory_space<vmem_shared>> -> memref<640xf32, #tpu.memory_space<vmem_shared>>
      tpu.enqueue_dma source(%dma_start3A_107 : memref<640xf32, #tpu.memory_space<vmem_shared>>) target(%dma_start3A_105 : memref<640xf32, #tpu.memory_space<vmem>>) target_semaphore(%run_scoped3A_97 : memref<!tpu.dma_semaphore, #tpu.memory_space<semaphore_mem>>)
      %dma_wait3A_108 = arith.constant 0 : i32
      %dma_wait3A_109 = tpu.memref_slice %arg6[%run_scoped3A_73, %dma_wait3A_108] : memref<16x640xf32, #tpu.memory_space<vmem>> -> memref<1x640xf32, #tpu.memory_space<vmem>>
      %dma_wait3A_110 = tpu.memref_squeeze %dma_wait3A_109 : memref<1x640xf32, #tpu.memory_space<vmem>> -> memref<640xf32, #tpu.memory_space<vmem>>
      %dma_wait3A_111 = tpu.memref_slice %arg7[%run_scoped3A_72, %mul3A_71] : memref<16x10240xf32, #tpu.memory_space<vmem_shared>> -> memref<1x640xf32, #tpu.memory_space<vmem_shared>>
      %dma_wait3A_112 = tpu.memref_squeeze %dma_wait3A_111 : memref<1x640xf32, #tpu.memory_space<vmem_shared>> -> memref<640xf32, #tpu.memory_space<vmem_shared>>
      %dma_wait3A_113 = arith.constant 0 : i32
      %dma_wait3A_114 = tpu.memref_slice %arg6[%run_scoped3A_73, %dma_wait3A_113] : memref<16x640xf32, #tpu.memory_space<vmem>> -> memref<1x640xf32, #tpu.memory_space<vmem>>
      %dma_wait3A_115 = tpu.memref_squeeze %dma_wait3A_114 : memref<1x640xf32, #tpu.memory_space<vmem>> -> memref<640xf32, #tpu.memory_space<vmem>>
      %dma_wait3A_116 = tpu.memref_slice %arg7[%run_scoped3A_72, %mul3A_71] : memref<16x10240xf32, #tpu.memory_space<vmem_shared>> -> memref<1x640xf32, #tpu.memory_space<vmem_shared>>
      %dma_wait3A_117 = tpu.memref_squeeze %dma_wait3A_116 : memref<1x640xf32, #tpu.memory_space<vmem_shared>> -> memref<640xf32, #tpu.memory_space<vmem_shared>>
      tpu.wait_dma2 semaphore(%run_scoped3A_97 : memref<!tpu.dma_semaphore, #tpu.memory_space<semaphore_mem>>) src(%dma_wait3A_117 : memref<640xf32, #tpu.memory_space<vmem_shared>>) dst(%dma_wait3A_115 : memref<640xf32, #tpu.memory_space<vmem>>)
      tpu.yield
    }) : () -> ()
    %mul3A_74 = arith.constant 640 : i32
    %mul3A_75 = arith.muli %arg1, %mul3A_74 : i32
    %run_scoped3A_76 = arith.constant 12 : i32
    %run_scoped3A_77 = arith.constant 12 : i32
    "tpu.region"() ({
      %run_scoped3A_97 = tpu.sem_alloc : memref<!tpu.dma_semaphore, #tpu.memory_space<semaphore_mem>>
      %dma_start3A_98 = arith.constant 0 : i32
      %dma_start3A_99 = tpu.memref_slice %arg6[%run_scoped3A_77, %dma_start3A_98] : memref<16x640xf32, #tpu.memory_space<vmem>> -> memref<1x640xf32, #tpu.memory_space<vmem>>
      %dma_start3A_100 = tpu.memref_squeeze %dma_start3A_99 : memref<1x640xf32, #tpu.memory_space<vmem>> -> memref<640xf32, #tpu.memory_space<vmem>>
      %dma_start3A_101 = tpu.memref_slice %arg7[%run_scoped3A_76, %mul3A_75] : memref<16x10240xf32, #tpu.memory_space<vmem_shared>> -> memref<1x640xf32, #tpu.memory_space<vmem_shared>>
      %dma_start3A_102 = tpu.memref_squeeze %dma_start3A_101 : memref<1x640xf32, #tpu.memory_space<vmem_shared>> -> memref<640xf32, #tpu.memory_space<vmem_shared>>
      %dma_start3A_103 = arith.constant 0 : i32
      %dma_start3A_104 = tpu.memref_slice %arg6[%run_scoped3A_77, %dma_start3A_103] : memref<16x640xf32, #tpu.memory_space<vmem>> -> memref<1x640xf32, #tpu.memory_space<vmem>>
      %dma_start3A_105 = tpu.memref_squeeze %dma_start3A_104 : memref<1x640xf32, #tpu.memory_space<vmem>> -> memref<640xf32, #tpu.memory_space<vmem>>
      %dma_start3A_106 = tpu.memref_slice %arg7[%run_scoped3A_76, %mul3A_75] : memref<16x10240xf32, #tpu.memory_space<vmem_shared>> -> memref<1x640xf32, #tpu.memory_space<vmem_shared>>
      %dma_start3A_107 = tpu.memref_squeeze %dma_start3A_106 : memref<1x640xf32, #tpu.memory_space<vmem_shared>> -> memref<640xf32, #tpu.memory_space<vmem_shared>>
      tpu.enqueue_dma source(%dma_start3A_107 : memref<640xf32, #tpu.memory_space<vmem_shared>>) target(%dma_start3A_105 : memref<640xf32, #tpu.memory_space<vmem>>) target_semaphore(%run_scoped3A_97 : memref<!tpu.dma_semaphore, #tpu.memory_space<semaphore_mem>>)
      %dma_wait3A_108 = arith.constant 0 : i32
      %dma_wait3A_109 = tpu.memref_slice %arg6[%run_scoped3A_77, %dma_wait3A_108] : memref<16x640xf32, #tpu.memory_space<vmem>> -> memref<1x640xf32, #tpu.memory_space<vmem>>
      %dma_wait3A_110 = tpu.memref_squeeze %dma_wait3A_109 : memref<1x640xf32, #tpu.memory_space<vmem>> -> memref<640xf32, #tpu.memory_space<vmem>>
      %dma_wait3A_111 = tpu.memref_slice %arg7[%run_scoped3A_76, %mul3A_75] : memref<16x10240xf32, #tpu.memory_space<vmem_shared>> -> memref<1x640xf32, #tpu.memory_space<vmem_shared>>
      %dma_wait3A_112 = tpu.memref_squeeze %dma_wait3A_111 : memref<1x640xf32, #tpu.memory_space<vmem_shared>> -> memref<640xf32, #tpu.memory_space<vmem_shared>>
      %dma_wait3A_113 = arith.constant 0 : i32
      %dma_wait3A_114 = tpu.memref_slice %arg6[%run_scoped3A_77, %dma_wait3A_113] : memref<16x640xf32, #tpu.memory_space<vmem>> -> memref<1x640xf32, #tpu.memory_space<vmem>>
      %dma_wait3A_115 = tpu.memref_squeeze %dma_wait3A_114 : memref<1x640xf32, #tpu.memory_space<vmem>> -> memref<640xf32, #tpu.memory_space<vmem>>
      %dma_wait3A_116 = tpu.memref_slice %arg7[%run_scoped3A_76, %mul3A_75] : memref<16x10240xf32, #tpu.memory_space<vmem_shared>> -> memref<1x640xf32, #tpu.memory_space<vmem_shared>>
      %dma_wait3A_117 = tpu.memref_squeeze %dma_wait3A_116 : memref<1x640xf32, #tpu.memory_space<vmem_shared>> -> memref<640xf32, #tpu.memory_space<vmem_shared>>
      tpu.wait_dma2 semaphore(%run_scoped3A_97 : memref<!tpu.dma_semaphore, #tpu.memory_space<semaphore_mem>>) src(%dma_wait3A_117 : memref<640xf32, #tpu.memory_space<vmem_shared>>) dst(%dma_wait3A_115 : memref<640xf32, #tpu.memory_space<vmem>>)
      tpu.yield
    }) : () -> ()
    %mul3A_78 = arith.constant 640 : i32
    %mul3A_79 = arith.muli %arg1, %mul3A_78 : i32
    %run_scoped3A_80 = arith.constant 13 : i32
    %run_scoped3A_81 = arith.constant 13 : i32
    "tpu.region"() ({
      %run_scoped3A_97 = tpu.sem_alloc : memref<!tpu.dma_semaphore, #tpu.memory_space<semaphore_mem>>
      %dma_start3A_98 = arith.constant 0 : i32
      %dma_start3A_99 = tpu.memref_slice %arg6[%run_scoped3A_81, %dma_start3A_98] : memref<16x640xf32, #tpu.memory_space<vmem>> -> memref<1x640xf32, #tpu.memory_space<vmem>>
      %dma_start3A_100 = tpu.memref_squeeze %dma_start3A_99 : memref<1x640xf32, #tpu.memory_space<vmem>> -> memref<640xf32, #tpu.memory_space<vmem>>
      %dma_start3A_101 = tpu.memref_slice %arg7[%run_scoped3A_80, %mul3A_79] : memref<16x10240xf32, #tpu.memory_space<vmem_shared>> -> memref<1x640xf32, #tpu.memory_space<vmem_shared>>
      %dma_start3A_102 = tpu.memref_squeeze %dma_start3A_101 : memref<1x640xf32, #tpu.memory_space<vmem_shared>> -> memref<640xf32, #tpu.memory_space<vmem_shared>>
      %dma_start3A_103 = arith.constant 0 : i32
      %dma_start3A_104 = tpu.memref_slice %arg6[%run_scoped3A_81, %dma_start3A_103] : memref<16x640xf32, #tpu.memory_space<vmem>> -> memref<1x640xf32, #tpu.memory_space<vmem>>
      %dma_start3A_105 = tpu.memref_squeeze %dma_start3A_104 : memref<1x640xf32, #tpu.memory_space<vmem>> -> memref<640xf32, #tpu.memory_space<vmem>>
      %dma_start3A_106 = tpu.memref_slice %arg7[%run_scoped3A_80, %mul3A_79] : memref<16x10240xf32, #tpu.memory_space<vmem_shared>> -> memref<1x640xf32, #tpu.memory_space<vmem_shared>>
      %dma_start3A_107 = tpu.memref_squeeze %dma_start3A_106 : memref<1x640xf32, #tpu.memory_space<vmem_shared>> -> memref<640xf32, #tpu.memory_space<vmem_shared>>
      tpu.enqueue_dma source(%dma_start3A_107 : memref<640xf32, #tpu.memory_space<vmem_shared>>) target(%dma_start3A_105 : memref<640xf32, #tpu.memory_space<vmem>>) target_semaphore(%run_scoped3A_97 : memref<!tpu.dma_semaphore, #tpu.memory_space<semaphore_mem>>)
      %dma_wait3A_108 = arith.constant 0 : i32
      %dma_wait3A_109 = tpu.memref_slice %arg6[%run_scoped3A_81, %dma_wait3A_108] : memref<16x640xf32, #tpu.memory_space<vmem>> -> memref<1x640xf32, #tpu.memory_space<vmem>>
      %dma_wait3A_110 = tpu.memref_squeeze %dma_wait3A_109 : memref<1x640xf32, #tpu.memory_space<vmem>> -> memref<640xf32, #tpu.memory_space<vmem>>
      %dma_wait3A_111 = tpu.memref_slice %arg7[%run_scoped3A_80, %mul3A_79] : memref<16x10240xf32, #tpu.memory_space<vmem_shared>> -> memref<1x640xf32, #tpu.memory_space<vmem_shared>>
      %dma_wait3A_112 = tpu.memref_squeeze %dma_wait3A_111 : memref<1x640xf32, #tpu.memory_space<vmem_shared>> -> memref<640xf32, #tpu.memory_space<vmem_shared>>
      %dma_wait3A_113 = arith.constant 0 : i32
      %dma_wait3A_114 = tpu.memref_slice %arg6[%run_scoped3A_81, %dma_wait3A_113] : memref<16x640xf32, #tpu.memory_space<vmem>> -> memref<1x640xf32, #tpu.memory_space<vmem>>
      %dma_wait3A_115 = tpu.memref_squeeze %dma_wait3A_114 : memref<1x640xf32, #tpu.memory_space<vmem>> -> memref<640xf32, #tpu.memory_space<vmem>>
      %dma_wait3A_116 = tpu.memref_slice %arg7[%run_scoped3A_80, %mul3A_79] : memref<16x10240xf32, #tpu.memory_space<vmem_shared>> -> memref<1x640xf32, #tpu.memory_space<vmem_shared>>
      %dma_wait3A_117 = tpu.memref_squeeze %dma_wait3A_116 : memref<1x640xf32, #tpu.memory_space<vmem_shared>> -> memref<640xf32, #tpu.memory_space<vmem_shared>>
      tpu.wait_dma2 semaphore(%run_scoped3A_97 : memref<!tpu.dma_semaphore, #tpu.memory_space<semaphore_mem>>) src(%dma_wait3A_117 : memref<640xf32, #tpu.memory_space<vmem_shared>>) dst(%dma_wait3A_115 : memref<640xf32, #tpu.memory_space<vmem>>)
      tpu.yield
    }) : () -> ()
    %mul3A_82 = arith.constant 640 : i32
    %mul3A_83 = arith.muli %arg1, %mul3A_82 : i32
    %run_scoped3A_84 = arith.constant 14 : i32
    %run_scoped3A_85 = arith.constant 14 : i32
    "tpu.region"() ({
      %run_scoped3A_97 = tpu.sem_alloc : memref<!tpu.dma_semaphore, #tpu.memory_space<semaphore_mem>>
      %dma_start3A_98 = arith.constant 0 : i32
      %dma_start3A_99 = tpu.memref_slice %arg6[%run_scoped3A_85, %dma_start3A_98] : memref<16x640xf32, #tpu.memory_space<vmem>> -> memref<1x640xf32, #tpu.memory_space<vmem>>
      %dma_start3A_100 = tpu.memref_squeeze %dma_start3A_99 : memref<1x640xf32, #tpu.memory_space<vmem>> -> memref<640xf32, #tpu.memory_space<vmem>>
      %dma_start3A_101 = tpu.memref_slice %arg7[%run_scoped3A_84, %mul3A_83] : memref<16x10240xf32, #tpu.memory_space<vmem_shared>> -> memref<1x640xf32, #tpu.memory_space<vmem_shared>>
      %dma_start3A_102 = tpu.memref_squeeze %dma_start3A_101 : memref<1x640xf32, #tpu.memory_space<vmem_shared>> -> memref<640xf32, #tpu.memory_space<vmem_shared>>
      %dma_start3A_103 = arith.constant 0 : i32
      %dma_start3A_104 = tpu.memref_slice %arg6[%run_scoped3A_85, %dma_start3A_103] : memref<16x640xf32, #tpu.memory_space<vmem>> -> memref<1x640xf32, #tpu.memory_space<vmem>>
      %dma_start3A_105 = tpu.memref_squeeze %dma_start3A_104 : memref<1x640xf32, #tpu.memory_space<vmem>> -> memref<640xf32, #tpu.memory_space<vmem>>
      %dma_start3A_106 = tpu.memref_slice %arg7[%run_scoped3A_84, %mul3A_83] : memref<16x10240xf32, #tpu.memory_space<vmem_shared>> -> memref<1x640xf32, #tpu.memory_space<vmem_shared>>
      %dma_start3A_107 = tpu.memref_squeeze %dma_start3A_106 : memref<1x640xf32, #tpu.memory_space<vmem_shared>> -> memref<640xf32, #tpu.memory_space<vmem_shared>>
      tpu.enqueue_dma source(%dma_start3A_107 : memref<640xf32, #tpu.memory_space<vmem_shared>>) target(%dma_start3A_105 : memref<640xf32, #tpu.memory_space<vmem>>) target_semaphore(%run_scoped3A_97 : memref<!tpu.dma_semaphore, #tpu.memory_space<semaphore_mem>>)
      %dma_wait3A_108 = arith.constant 0 : i32
      %dma_wait3A_109 = tpu.memref_slice %arg6[%run_scoped3A_85, %dma_wait3A_108] : memref<16x640xf32, #tpu.memory_space<vmem>> -> memref<1x640xf32, #tpu.memory_space<vmem>>
      %dma_wait3A_110 = tpu.memref_squeeze %dma_wait3A_109 : memref<1x640xf32, #tpu.memory_space<vmem>> -> memref<640xf32, #tpu.memory_space<vmem>>
      %dma_wait3A_111 = tpu.memref_slice %arg7[%run_scoped3A_84, %mul3A_83] : memref<16x10240xf32, #tpu.memory_space<vmem_shared>> -> memref<1x640xf32, #tpu.memory_space<vmem_shared>>
      %dma_wait3A_112 = tpu.memref_squeeze %dma_wait3A_111 : memref<1x640xf32, #tpu.memory_space<vmem_shared>> -> memref<640xf32, #tpu.memory_space<vmem_shared>>
      %dma_wait3A_113 = arith.constant 0 : i32
      %dma_wait3A_114 = tpu.memref_slice %arg6[%run_scoped3A_85, %dma_wait3A_113] : memref<16x640xf32, #tpu.memory_space<vmem>> -> memref<1x640xf32, #tpu.memory_space<vmem>>
      %dma_wait3A_115 = tpu.memref_squeeze %dma_wait3A_114 : memref<1x640xf32, #tpu.memory_space<vmem>> -> memref<640xf32, #tpu.memory_space<vmem>>
      %dma_wait3A_116 = tpu.memref_slice %arg7[%run_scoped3A_84, %mul3A_83] : memref<16x10240xf32, #tpu.memory_space<vmem_shared>> -> memref<1x640xf32, #tpu.memory_space<vmem_shared>>
      %dma_wait3A_117 = tpu.memref_squeeze %dma_wait3A_116 : memref<1x640xf32, #tpu.memory_space<vmem_shared>> -> memref<640xf32, #tpu.memory_space<vmem_shared>>
      tpu.wait_dma2 semaphore(%run_scoped3A_97 : memref<!tpu.dma_semaphore, #tpu.memory_space<semaphore_mem>>) src(%dma_wait3A_117 : memref<640xf32, #tpu.memory_space<vmem_shared>>) dst(%dma_wait3A_115 : memref<640xf32, #tpu.memory_space<vmem>>)
      tpu.yield
    }) : () -> ()
    %mul3A_86 = arith.constant 640 : i32
    %mul3A_87 = arith.muli %arg1, %mul3A_86 : i32
    %run_scoped3A_88 = arith.constant 15 : i32
    %run_scoped3A_89 = arith.constant 15 : i32
    "tpu.region"() ({
      %run_scoped3A_97 = tpu.sem_alloc : memref<!tpu.dma_semaphore, #tpu.memory_space<semaphore_mem>>
      %dma_start3A_98 = arith.constant 0 : i32
      %dma_start3A_99 = tpu.memref_slice %arg6[%run_scoped3A_89, %dma_start3A_98] : memref<16x640xf32, #tpu.memory_space<vmem>> -> memref<1x640xf32, #tpu.memory_space<vmem>>
      %dma_start3A_100 = tpu.memref_squeeze %dma_start3A_99 : memref<1x640xf32, #tpu.memory_space<vmem>> -> memref<640xf32, #tpu.memory_space<vmem>>
      %dma_start3A_101 = tpu.memref_slice %arg7[%run_scoped3A_88, %mul3A_87] : memref<16x10240xf32, #tpu.memory_space<vmem_shared>> -> memref<1x640xf32, #tpu.memory_space<vmem_shared>>
      %dma_start3A_102 = tpu.memref_squeeze %dma_start3A_101 : memref<1x640xf32, #tpu.memory_space<vmem_shared>> -> memref<640xf32, #tpu.memory_space<vmem_shared>>
      %dma_start3A_103 = arith.constant 0 : i32
      %dma_start3A_104 = tpu.memref_slice %arg6[%run_scoped3A_89, %dma_start3A_103] : memref<16x640xf32, #tpu.memory_space<vmem>> -> memref<1x640xf32, #tpu.memory_space<vmem>>
      %dma_start3A_105 = tpu.memref_squeeze %dma_start3A_104 : memref<1x640xf32, #tpu.memory_space<vmem>> -> memref<640xf32, #tpu.memory_space<vmem>>
      %dma_start3A_106 = tpu.memref_slice %arg7[%run_scoped3A_88, %mul3A_87] : memref<16x10240xf32, #tpu.memory_space<vmem_shared>> -> memref<1x640xf32, #tpu.memory_space<vmem_shared>>
      %dma_start3A_107 = tpu.memref_squeeze %dma_start3A_106 : memref<1x640xf32, #tpu.memory_space<vmem_shared>> -> memref<640xf32, #tpu.memory_space<vmem_shared>>
      tpu.enqueue_dma source(%dma_start3A_107 : memref<640xf32, #tpu.memory_space<vmem_shared>>) target(%dma_start3A_105 : memref<640xf32, #tpu.memory_space<vmem>>) target_semaphore(%run_scoped3A_97 : memref<!tpu.dma_semaphore, #tpu.memory_space<semaphore_mem>>)
      %dma_wait3A_108 = arith.constant 0 : i32
      %dma_wait3A_109 = tpu.memref_slice %arg6[%run_scoped3A_89, %dma_wait3A_108] : memref<16x640xf32, #tpu.memory_space<vmem>> -> memref<1x640xf32, #tpu.memory_space<vmem>>
      %dma_wait3A_110 = tpu.memref_squeeze %dma_wait3A_109 : memref<1x640xf32, #tpu.memory_space<vmem>> -> memref<640xf32, #tpu.memory_space<vmem>>
      %dma_wait3A_111 = tpu.memref_slice %arg7[%run_scoped3A_88, %mul3A_87] : memref<16x10240xf32, #tpu.memory_space<vmem_shared>> -> memref<1x640xf32, #tpu.memory_space<vmem_shared>>
      %dma_wait3A_112 = tpu.memref_squeeze %dma_wait3A_111 : memref<1x640xf32, #tpu.memory_space<vmem_shared>> -> memref<640xf32, #tpu.memory_space<vmem_shared>>
      %dma_wait3A_113 = arith.constant 0 : i32
      %dma_wait3A_114 = tpu.memref_slice %arg6[%run_scoped3A_89, %dma_wait3A_113] : memref<16x640xf32, #tpu.memory_space<vmem>> -> memref<1x640xf32, #tpu.memory_space<vmem>>
      %dma_wait3A_115 = tpu.memref_squeeze %dma_wait3A_114 : memref<1x640xf32, #tpu.memory_space<vmem>> -> memref<640xf32, #tpu.memory_space<vmem>>
      %dma_wait3A_116 = tpu.memref_slice %arg7[%run_scoped3A_88, %mul3A_87] : memref<16x10240xf32, #tpu.memory_space<vmem_shared>> -> memref<1x640xf32, #tpu.memory_space<vmem_shared>>
      %dma_wait3A_117 = tpu.memref_squeeze %dma_wait3A_116 : memref<1x640xf32, #tpu.memory_space<vmem_shared>> -> memref<640xf32, #tpu.memory_space<vmem_shared>>
      tpu.wait_dma2 semaphore(%run_scoped3A_97 : memref<!tpu.dma_semaphore, #tpu.memory_space<semaphore_mem>>) src(%dma_wait3A_117 : memref<640xf32, #tpu.memory_space<vmem_shared>>) dst(%dma_wait3A_115 : memref<640xf32, #tpu.memory_space<vmem>>)
      tpu.yield
    }) : () -> ()
    %scan3A_90 = arith.constant 0 : i32
    %scan3A_91 = arith.constant 40 : i32
    %scan3A_92 = arith.addi %scan3A_90, %scan3A_91 : i32
    %scan3A_93 = arith.constant 1 : i32
    scf.for %scan3A_97 = %scan3A_90 to %scan3A_92 step %scan3A_93  : i32 {
      %mul3A_98 = arith.constant 16 : i32
      %mul3A_99 = arith.muli %scan3A_97, %mul3A_98 : i32
      %add3A_100 = arith.constant 0 : i32
      %add3A_101 = arith.addi %add3A_100, %mul3A_99 : i32
      %get3A = arith.constant 0 : i32
      %get3A_102 = arith.index_cast %get3A : i32 to index
      %get3A_103 = arith.index_cast %add3A_101 : i32 to index
      %get3A_104 = tpu.vector_load %arg6[%get3A_102, %get3A_103] {strides = array<i32>} : memref<16x640xf32, #tpu.memory_space<vmem>>, vector<16xf32>,
      %get3A_105 = arith.constant 1 : i32
      %get3A_106 = arith.index_cast %get3A_105 : i32 to index
      %get3A_107 = arith.index_cast %add3A_101 : i32 to index
      %get3A_108 = tpu.vector_load %arg6[%get3A_106, %get3A_107] {strides = array<i32>} : memref<16x640xf32, #tpu.memory_space<vmem>>, vector<16xf32>,
      %add3A_109 = arith.addf %get3A_104, %get3A_108 : vector<16xf32>
      %get3A_110 = arith.constant 2 : i32
      %get3A_111 = arith.index_cast %get3A_110 : i32 to index
      %get3A_112 = arith.index_cast %add3A_101 : i32 to index
      %get3A_113 = tpu.vector_load %arg6[%get3A_111, %get3A_112] {strides = array<i32>} : memref<16x640xf32, #tpu.memory_space<vmem>>, vector<16xf32>,
      %add3A_114 = arith.addf %add3A_109, %get3A_113 : vector<16xf32>
      %get3A_115 = arith.constant 3 : i32
      %get3A_116 = arith.index_cast %get3A_115 : i32 to index
      %get3A_117 = arith.index_cast %add3A_101 : i32 to index
      %get3A_118 = tpu.vector_load %arg6[%get3A_116, %get3A_117] {strides = array<i32>} : memref<16x640xf32, #tpu.memory_space<vmem>>, vector<16xf32>,
      %add3A_119 = arith.addf %add3A_114, %get3A_118 : vector<16xf32>
      %get3A_120 = arith.constant 4 : i32
      %get3A_121 = arith.index_cast %get3A_120 : i32 to index
      %get3A_122 = arith.index_cast %add3A_101 : i32 to index
      %get3A_123 = tpu.vector_load %arg6[%get3A_121, %get3A_122] {strides = array<i32>} : memref<16x640xf32, #tpu.memory_space<vmem>>, vector<16xf32>,
      %add3A_124 = arith.addf %add3A_119, %get3A_123 : vector<16xf32>
      %get3A_125 = arith.constant 5 : i32
      %get3A_126 = arith.index_cast %get3A_125 : i32 to index
      %get3A_127 = arith.index_cast %add3A_101 : i32 to index
      %get3A_128 = tpu.vector_load %arg6[%get3A_126, %get3A_127] {strides = array<i32>} : memref<16x640xf32, #tpu.memory_space<vmem>>, vector<16xf32>,
      %add3A_129 = arith.addf %add3A_124, %get3A_128 : vector<16xf32>
      %get3A_130 = arith.constant 6 : i32
      %get3A_131 = arith.index_cast %get3A_130 : i32 to index
      %get3A_132 = arith.index_cast %add3A_101 : i32 to index
      %get3A_133 = tpu.vector_load %arg6[%get3A_131, %get3A_132] {strides = array<i32>} : memref<16x640xf32, #tpu.memory_space<vmem>>, vector<16xf32>,
      %add3A_134 = arith.addf %add3A_129, %get3A_133 : vector<16xf32>
      %get3A_135 = arith.constant 7 : i32
      %get3A_136 = arith.index_cast %get3A_135 : i32 to index
      %get3A_137 = arith.index_cast %add3A_101 : i32 to index
      %get3A_138 = tpu.vector_load %arg6[%get3A_136, %get3A_137] {strides = array<i32>} : memref<16x640xf32, #tpu.memory_space<vmem>>, vector<16xf32>,
      %add3A_139 = arith.addf %add3A_134, %get3A_138 : vector<16xf32>
      %get3A_140 = arith.constant 8 : i32
      %get3A_141 = arith.index_cast %get3A_140 : i32 to index
      %get3A_142 = arith.index_cast %add3A_101 : i32 to index
      %get3A_143 = tpu.vector_load %arg6[%get3A_141, %get3A_142] {strides = array<i32>} : memref<16x640xf32, #tpu.memory_space<vmem>>, vector<16xf32>,
      %add3A_144 = arith.addf %add3A_139, %get3A_143 : vector<16xf32>
      %get3A_145 = arith.constant 9 : i32
      %get3A_146 = arith.index_cast %get3A_145 : i32 to index
      %get3A_147 = arith.index_cast %add3A_101 : i32 to index
      %get3A_148 = tpu.vector_load %arg6[%get3A_146, %get3A_147] {strides = array<i32>} : memref<16x640xf32, #tpu.memory_space<vmem>>, vector<16xf32>,
      %add3A_149 = arith.addf %add3A_144, %get3A_148 : vector<16xf32>
      %get3A_150 = arith.constant 10 : i32
      %get3A_151 = arith.index_cast %get3A_150 : i32 to index
      %get3A_152 = arith.index_cast %add3A_101 : i32 to index
      %get3A_153 = tpu.vector_load %arg6[%get3A_151, %get3A_152] {strides = array<i32>} : memref<16x640xf32, #tpu.memory_space<vmem>>, vector<16xf32>,
      %add3A_154 = arith.addf %add3A_149, %get3A_153 : vector<16xf32>
      %get3A_155 = arith.constant 11 : i32
      %get3A_156 = arith.index_cast %get3A_155 : i32 to index
      %get3A_157 = arith.index_cast %add3A_101 : i32 to index
      %get3A_158 = tpu.vector_load %arg6[%get3A_156, %get3A_157] {strides = array<i32>} : memref<16x640xf32, #tpu.memory_space<vmem>>, vector<16xf32>,
      %add3A_159 = arith.addf %add3A_154, %get3A_158 : vector<16xf32>
      %get3A_160 = arith.constant 12 : i32
      %get3A_161 = arith.index_cast %get3A_160 : i32 to index
      %get3A_162 = arith.index_cast %add3A_101 : i32 to index
      %get3A_163 = tpu.vector_load %arg6[%get3A_161, %get3A_162] {strides = array<i32>} : memref<16x640xf32, #tpu.memory_space<vmem>>, vector<16xf32>,
      %add3A_164 = arith.addf %add3A_159, %get3A_163 : vector<16xf32>
      %get3A_165 = arith.constant 13 : i32
      %get3A_166 = arith.index_cast %get3A_165 : i32 to index
      %get3A_167 = arith.index_cast %add3A_101 : i32 to index
      %get3A_168 = tpu.vector_load %arg6[%get3A_166, %get3A_167] {strides = array<i32>} : memref<16x640xf32, #tpu.memory_space<vmem>>, vector<16xf32>,
      %add3A_169 = arith.addf %add3A_164, %get3A_168 : vector<16xf32>
      %get3A_170 = arith.constant 14 : i32
      %get3A_171 = arith.index_cast %get3A_170 : i32 to index
      %get3A_172 = arith.index_cast %add3A_101 : i32 to index
      %get3A_173 = tpu.vector_load %arg6[%get3A_171, %get3A_172] {strides = array<i32>} : memref<16x640xf32, #tpu.memory_space<vmem>>, vector<16xf32>,
      %add3A_174 = arith.addf %add3A_169, %get3A_173 : vector<16xf32>
      %get3A_175 = arith.constant 15 : i32
      %get3A_176 = arith.index_cast %get3A_175 : i32 to index
      %get3A_177 = arith.index_cast %add3A_101 : i32 to index
      %get3A_178 = tpu.vector_load %arg6[%get3A_176, %get3A_177] {strides = array<i32>} : memref<16x640xf32, #tpu.memory_space<vmem>>, vector<16xf32>,
      %add3A_179 = arith.addf %add3A_174, %get3A_178 : vector<16xf32>
      %swap3A = arith.index_cast %add3A_101 : i32 to index
      %swap3A_180 = tpu.vector_load %arg5[%swap3A] {strides = array<i32>} : memref<10240xf32, #tpu.memory_space<vmem>>, vector<16xf32>,
      tpu.vector_store %arg5[%swap3A], %add3A_179 {strides = array<i32>} : memref<10240xf32, #tpu.memory_space<vmem>>, vector<16xf32>,
    }
    %scan3A_94 = arith.constant 40 : i32
    %mul3A_95 = arith.constant 640 : i32
    %mul3A_96 = arith.muli %arg1, %mul3A_95 : i32
    "tpu.region"() ({
      %run_scoped3A_97 = tpu.sem_alloc : memref<!tpu.dma_semaphore, #tpu.memory_space<semaphore_mem>>
      %dma_start3A_98 = arith.constant 0 : i32
      %dma_start3A_99 = tpu.memref_slice %arg5[%dma_start3A_98] : memref<10240xf32, #tpu.memory_space<vmem>> -> memref<640xf32, #tpu.memory_space<vmem>>
      %dma_start3A_100 = tpu.memref_slice %arg3[%arg0, %mul3A_96] : memref<2x10240xf32, #tpu.memory_space<hbm>> -> memref<1x640xf32, #tpu.memory_space<hbm>>
      %dma_start3A_101 = tpu.memref_squeeze %dma_start3A_100 : memref<1x640xf32, #tpu.memory_space<hbm>> -> memref<640xf32, #tpu.memory_space<hbm>>
      %dma_start3A_102 = tpu.memref_slice %arg3[%arg0, %mul3A_96] : memref<2x10240xf32, #tpu.memory_space<hbm>> -> memref<1x640xf32, #tpu.memory_space<hbm>>
      %dma_start3A_103 = tpu.memref_squeeze %dma_start3A_102 : memref<1x640xf32, #tpu.memory_space<hbm>> -> memref<640xf32, #tpu.memory_space<hbm>>
      %dma_start3A_104 = arith.constant 0 : i32
      %dma_start3A_105 = tpu.memref_slice %arg5[%dma_start3A_104] : memref<10240xf32, #tpu.memory_space<vmem>> -> memref<640xf32, #tpu.memory_space<vmem>>
      tpu.enqueue_dma source(%dma_start3A_105 : memref<640xf32, #tpu.memory_space<vmem>>) target(%dma_start3A_103 : memref<640xf32, #tpu.memory_space<hbm>>) target_semaphore(%run_scoped3A_97 : memref<!tpu.dma_semaphore, #tpu.memory_space<semaphore_mem>>)
      %dma_wait3A_106 = arith.constant 0 : i32
      %dma_wait3A_107 = tpu.memref_slice %arg5[%dma_wait3A_106] : memref<10240xf32, #tpu.memory_space<vmem>> -> memref<640xf32, #tpu.memory_space<vmem>>
      %dma_wait3A_108 = tpu.memref_slice %arg3[%arg0, %mul3A_96] : memref<2x10240xf32, #tpu.memory_space<hbm>> -> memref<1x640xf32, #tpu.memory_space<hbm>>
      %dma_wait3A_109 = tpu.memref_squeeze %dma_wait3A_108 : memref<1x640xf32, #tpu.memory_space<hbm>> -> memref<640xf32, #tpu.memory_space<hbm>>
      %dma_wait3A_110 = tpu.memref_slice %arg3[%arg0, %mul3A_96] : memref<2x10240xf32, #tpu.memory_space<hbm>> -> memref<1x640xf32, #tpu.memory_space<hbm>>
      %dma_wait3A_111 = tpu.memref_squeeze %dma_wait3A_110 : memref<1x640xf32, #tpu.memory_space<hbm>> -> memref<640xf32, #tpu.memory_space<hbm>>
      %dma_wait3A_112 = arith.constant 0 : i32
      %dma_wait3A_113 = tpu.memref_slice %arg5[%dma_wait3A_112] : memref<10240xf32, #tpu.memory_space<vmem>> -> memref<640xf32, #tpu.memory_space<vmem>>
      tpu.wait_dma2 semaphore(%run_scoped3A_97 : memref<!tpu.dma_semaphore, #tpu.memory_space<semaphore_mem>>) src(%dma_wait3A_113 : memref<640xf32, #tpu.memory_space<vmem>>) dst(%dma_wait3A_111 : memref<640xf32, #tpu.memory_space<hbm>>)
      tpu.yield
    }) : () -> ()
    return
  }
}

#map = affine_map<(d0, d1) -> (0)>
#map1 = affine_map<(d0, d1) -> (0, 0, 0)>
module attributes {stable_mosaic.version = 14 : i64} {
  func.func @_edge_kernel(%arg0: i32, %arg1: i32, %arg2: memref<1310720xf32, #tpu.memory_space<hbm>>, %arg3: memref<80x2x4096xi32, #tpu.memory_space<hbm>>, %arg4: memref<1310720xf32, #tpu.memory_space<hbm>>, %arg5: memref<40960xf32, #tpu.memory_space<vmem>>, %arg6: memref<40960xf32, #tpu.memory_space<vmem>>, %arg7: memref<2x4096xi32, #tpu.memory_space<vmem>>, %arg8: memref<2x4096xi32, #tpu.memory_space<vmem>>, %arg9: memref<!tpu.dma_semaphore, #tpu.memory_space<semaphore_mem>>, %arg10: memref<!tpu.dma_semaphore, #tpu.memory_space<semaphore_mem>>, %arg11: memref<!tpu.dma_semaphore, #tpu.memory_space<semaphore_mem>>) attributes {dimension_semantics = [#tpu.dimension_semantics<core_parallel>, #tpu.dimension_semantics<subcore_parallel>], iteration_bounds = array<i64: 2, 16>, scalar_prefetch = 0 : i64, scratch_operands = 7 : i64, tpu.core_type = #tpu.core_type<sc_vector_subcore>, window_params = [{transform_indices = #map}, {transform_indices = #map1}, {transform_indices = #map}]} {
    %mul3A = arith.constant 16 : i32
    %mul3A_0 = arith.muli %arg0, %mul3A : i32
    %add3A = arith.addi %mul3A_0, %arg1 : i32
    %mul3A_1 = arith.constant 4 : i32
    %mul3A_2 = arith.muli %add3A, %mul3A_1 : i32
    %mul3A_3 = arith.constant 10240 : i32
    %mul3A_4 = arith.muli %mul3A_2, %mul3A_3 : i32
    %dma_start3A = tpu.memref_slice %arg2[%mul3A_4] : memref<1310720xf32, #tpu.memory_space<hbm>> -> memref<40960xf32, #tpu.memory_space<hbm>>
    %dma_start3A_5 = tpu.memref_slice %arg2[%mul3A_4] : memref<1310720xf32, #tpu.memory_space<hbm>> -> memref<40960xf32, #tpu.memory_space<hbm>>
    tpu.enqueue_dma source(%dma_start3A_5 : memref<40960xf32, #tpu.memory_space<hbm>>) target(%arg5 : memref<40960xf32, #tpu.memory_space<vmem>>) target_semaphore(%arg9 : memref<!tpu.dma_semaphore, #tpu.memory_space<semaphore_mem>>)
    %dma_wait3A = tpu.memref_slice %arg2[%mul3A_4] : memref<1310720xf32, #tpu.memory_space<hbm>> -> memref<40960xf32, #tpu.memory_space<hbm>>
    %dma_wait3A_6 = tpu.memref_slice %arg2[%mul3A_4] : memref<1310720xf32, #tpu.memory_space<hbm>> -> memref<40960xf32, #tpu.memory_space<hbm>>
    tpu.wait_dma2 semaphore(%arg9 : memref<!tpu.dma_semaphore, #tpu.memory_space<semaphore_mem>>) src(%dma_wait3A_6 : memref<40960xf32, #tpu.memory_space<hbm>>) dst(%arg5 : memref<40960xf32, #tpu.memory_space<vmem>>)
    %broadcast_in_dim3A = arith.constant 0.000000e+00 : f32
    %broadcast_in_dim3A_7 = vector.broadcast %broadcast_in_dim3A : f32 to vector<16xf32>
    %scan3A = arith.constant 0 : i32
    %scan3A_8 = arith.constant 2560 : i32
    %scan3A_9 = arith.addi %scan3A, %scan3A_8 : i32
    %scan3A_10 = arith.constant 1 : i32
    scf.for %scan3A_27 = %scan3A to %scan3A_9 step %scan3A_10  : i32 {
      %mul3A_28 = arith.constant 16 : i32
      %mul3A_29 = arith.muli %scan3A_27, %mul3A_28 : i32
      %add3A_30 = arith.constant 0 : i32
      %add3A_31 = arith.addi %add3A_30, %mul3A_29 : i32
      %swap3A = arith.index_cast %add3A_31 : i32 to index
      %swap3A_32 = tpu.vector_load %arg6[%swap3A] {strides = array<i32>} : memref<40960xf32, #tpu.memory_space<vmem>>, vector<16xf32>,
      tpu.vector_store %arg6[%swap3A], %broadcast_in_dim3A_7 {strides = array<i32>} : memref<40960xf32, #tpu.memory_space<vmem>>, vector<16xf32>,
    }
    %scan3A_11 = arith.constant 2560 : i32
    %broadcast_in_dim3A_12 = arith.constant 10240 : i32
    %broadcast_in_dim3A_13 = vector.broadcast %broadcast_in_dim3A_12 : i32 to vector<16xi32>
    %broadcast_in_dim3A_14 = arith.constant 20480 : i32
    %broadcast_in_dim3A_15 = vector.broadcast %broadcast_in_dim3A_14 : i32 to vector<16xi32>
    %broadcast_in_dim3A_16 = arith.constant 30720 : i32
    %broadcast_in_dim3A_17 = vector.broadcast %broadcast_in_dim3A_16 : i32 to vector<16xi32>
    %scan3A_18 = arith.constant 0 : i32
    %scan3A_19 = arith.constant 40 : i32
    %scan3A_20 = arith.addi %scan3A_18, %scan3A_19 : i32
    %scan3A_21 = arith.constant 1 : i32
    scf.for %scan3A_27 = %scan3A_18 to %scan3A_20 step %scan3A_21  : i32 {
      %mul3A_28 = arith.constant 2 : i32
      %mul3A_29 = arith.muli %scan3A_27, %mul3A_28 : i32
      %add3A_30 = arith.constant 0 : i32
      %add3A_31 = arith.addi %add3A_30, %mul3A_29 : i32
      %dma_start3A_32 = arith.constant 0 : i32
      %dma_start3A_33 = arith.constant 0 : i32
      %dma_start3A_34 = tpu.memref_slice %arg3[%add3A_31, %dma_start3A_32, %dma_start3A_33] : memref<80x2x4096xi32, #tpu.memory_space<hbm>> -> memref<1x2x4096xi32, #tpu.memory_space<hbm>>
      %dma_start3A_35 = tpu.memref_squeeze %dma_start3A_34 : memref<1x2x4096xi32, #tpu.memory_space<hbm>> -> memref<2x4096xi32, #tpu.memory_space<hbm>>
      %dma_start3A_36 = arith.constant 0 : i32
      %dma_start3A_37 = arith.constant 0 : i32
      %dma_start3A_38 = tpu.memref_slice %arg3[%add3A_31, %dma_start3A_36, %dma_start3A_37] : memref<80x2x4096xi32, #tpu.memory_space<hbm>> -> memref<1x2x4096xi32, #tpu.memory_space<hbm>>
      %dma_start3A_39 = tpu.memref_squeeze %dma_start3A_38 : memref<1x2x4096xi32, #tpu.memory_space<hbm>> -> memref<2x4096xi32, #tpu.memory_space<hbm>>
      tpu.enqueue_dma source(%dma_start3A_39 : memref<2x4096xi32, #tpu.memory_space<hbm>>) target(%arg7 : memref<2x4096xi32, #tpu.memory_space<vmem>>) target_semaphore(%arg10 : memref<!tpu.dma_semaphore, #tpu.memory_space<semaphore_mem>>)
      %add3A_40 = arith.constant 1 : i32
      %add3A_41 = arith.addi %add3A_31, %add3A_40 : i32
      %dma_start3A_42 = arith.constant 0 : i32
      %dma_start3A_43 = arith.constant 0 : i32
      %dma_start3A_44 = tpu.memref_slice %arg3[%add3A_41, %dma_start3A_42, %dma_start3A_43] : memref<80x2x4096xi32, #tpu.memory_space<hbm>> -> memref<1x2x4096xi32, #tpu.memory_space<hbm>>
      %dma_start3A_45 = tpu.memref_squeeze %dma_start3A_44 : memref<1x2x4096xi32, #tpu.memory_space<hbm>> -> memref<2x4096xi32, #tpu.memory_space<hbm>>
      %dma_start3A_46 = arith.constant 0 : i32
      %dma_start3A_47 = arith.constant 0 : i32
      %dma_start3A_48 = tpu.memref_slice %arg3[%add3A_41, %dma_start3A_46, %dma_start3A_47] : memref<80x2x4096xi32, #tpu.memory_space<hbm>> -> memref<1x2x4096xi32, #tpu.memory_space<hbm>>
      %dma_start3A_49 = tpu.memref_squeeze %dma_start3A_48 : memref<1x2x4096xi32, #tpu.memory_space<hbm>> -> memref<2x4096xi32, #tpu.memory_space<hbm>>
      tpu.enqueue_dma source(%dma_start3A_49 : memref<2x4096xi32, #tpu.memory_space<hbm>>) target(%arg8 : memref<2x4096xi32, #tpu.memory_space<vmem>>) target_semaphore(%arg11 : memref<!tpu.dma_semaphore, #tpu.memory_space<semaphore_mem>>)
      %dma_wait3A_50 = arith.constant 0 : i32
      %dma_wait3A_51 = arith.constant 0 : i32
      %dma_wait3A_52 = tpu.memref_slice %arg3[%add3A_31, %dma_wait3A_50, %dma_wait3A_51] : memref<80x2x4096xi32, #tpu.memory_space<hbm>> -> memref<1x2x4096xi32, #tpu.memory_space<hbm>>
      %dma_wait3A_53 = tpu.memref_squeeze %dma_wait3A_52 : memref<1x2x4096xi32, #tpu.memory_space<hbm>> -> memref<2x4096xi32, #tpu.memory_space<hbm>>
      %dma_wait3A_54 = arith.constant 0 : i32
      %dma_wait3A_55 = arith.constant 0 : i32
      %dma_wait3A_56 = tpu.memref_slice %arg3[%add3A_31, %dma_wait3A_54, %dma_wait3A_55] : memref<80x2x4096xi32, #tpu.memory_space<hbm>> -> memref<1x2x4096xi32, #tpu.memory_space<hbm>>
      %dma_wait3A_57 = tpu.memref_squeeze %dma_wait3A_56 : memref<1x2x4096xi32, #tpu.memory_space<hbm>> -> memref<2x4096xi32, #tpu.memory_space<hbm>>
      tpu.wait_dma2 semaphore(%arg10 : memref<!tpu.dma_semaphore, #tpu.memory_space<semaphore_mem>>) src(%dma_wait3A_57 : memref<2x4096xi32, #tpu.memory_space<hbm>>) dst(%arg7 : memref<2x4096xi32, #tpu.memory_space<vmem>>)
      %scan3A_58 = arith.constant 0 : i32
      %scan3A_59 = arith.constant 32 : i32
      %scan3A_60 = arith.addi %scan3A_58, %scan3A_59 : i32
      %scan3A_61 = arith.constant 1 : i32
      scf.for %scan3A_76 = %scan3A_58 to %scan3A_60 step %scan3A_61  : i32 {
        %mul3A_77 = arith.constant 128 : i32
        %mul3A_78 = arith.muli %scan3A_76, %mul3A_77 : i32
        %add3A_79 = arith.constant 0 : i32
        %add3A_80 = arith.addi %add3A_79, %mul3A_78 : i32
        %add3A_81 = arith.constant 0 : i32
        %add3A_82 = arith.addi %add3A_80, %add3A_81 : i32
        %get3A = arith.constant 0 : i32
        %get3A_83 = arith.index_cast %get3A : i32 to index
        %get3A_84 = arith.index_cast %add3A_82 : i32 to index
        %get3A_85 = tpu.vector_load %arg7[%get3A_83, %get3A_84] {strides = array<i32>} : memref<2x4096xi32, #tpu.memory_space<vmem>>, vector<16xi32>,
        %add3A_86 = arith.constant 0 : i32
        %add3A_87 = arith.addi %add3A_80, %add3A_86 : i32
        %get3A_88 = arith.constant 1 : i32
        %get3A_89 = arith.index_cast %get3A_88 : i32 to index
        %get3A_90 = arith.index_cast %add3A_87 : i32 to index
        %get3A_91 = tpu.vector_load %arg7[%get3A_89, %get3A_90] {strides = array<i32>} : memref<2x4096xi32, #tpu.memory_space<vmem>>, vector<16xi32>,
        %add3A_92 = arith.addi %get3A_85, %broadcast_in_dim3A_13 : vector<16xi32>
        %add3A_93 = arith.addi %get3A_85, %broadcast_in_dim3A_15 : vector<16xi32>
        %add3A_94 = arith.addi %get3A_85, %broadcast_in_dim3A_17 : vector<16xi32>
        %add3A_95 = arith.addi %get3A_91, %broadcast_in_dim3A_13 : vector<16xi32>
        %add3A_96 = arith.addi %get3A_91, %broadcast_in_dim3A_15 : vector<16xi32>
        %add3A_97 = arith.addi %get3A_91, %broadcast_in_dim3A_17 : vector<16xi32>
        %gather3A = tpu.vector_load_idx %arg5[%get3A_85] : memref<40960xf32, #tpu.memory_space<vmem>>[vector<16xi32>], vector<16xf32>,
        %gather3A_98 = tpu.vector_load_idx %arg5[%add3A_92] : memref<40960xf32, #tpu.memory_space<vmem>>[vector<16xi32>], vector<16xf32>,
        %gather3A_99 = tpu.vector_load_idx %arg5[%add3A_93] : memref<40960xf32, #tpu.memory_space<vmem>>[vector<16xi32>], vector<16xf32>,
        %gather3A_100 = tpu.vector_load_idx %arg5[%add3A_94] : memref<40960xf32, #tpu.memory_space<vmem>>[vector<16xi32>], vector<16xf32>,
        tpu.vector_store_idx %arg6[%get3A_91], %gather3A {add = true} : memref<40960xf32, #tpu.memory_space<vmem>>[vector<16xi32>], vector<16xf32>,
        tpu.vector_store_idx %arg6[%add3A_95], %gather3A_98 {add = true} : memref<40960xf32, #tpu.memory_space<vmem>>[vector<16xi32>], vector<16xf32>,
        tpu.vector_store_idx %arg6[%add3A_96], %gather3A_99 {add = true} : memref<40960xf32, #tpu.memory_space<vmem>>[vector<16xi32>], vector<16xf32>,
        tpu.vector_store_idx %arg6[%add3A_97], %gather3A_100 {add = true} : memref<40960xf32, #tpu.memory_space<vmem>>[vector<16xi32>], vector<16xf32>,
        %add3A_101 = arith.constant 16 : i32
        %add3A_102 = arith.addi %add3A_80, %add3A_101 : i32
        %get3A_103 = arith.constant 0 : i32
        %get3A_104 = arith.index_cast %get3A_103 : i32 to index
        %get3A_105 = arith.index_cast %add3A_102 : i32 to index
        %get3A_106 = tpu.vector_load %arg7[%get3A_104, %get3A_105] {strides = array<i32>} : memref<2x4096xi32, #tpu.memory_space<vmem>>, vector<16xi32>,
        %add3A_107 = arith.constant 16 : i32
        %add3A_108 = arith.addi %add3A_80, %add3A_107 : i32
        %get3A_109 = arith.constant 1 : i32
        %get3A_110 = arith.index_cast %get3A_109 : i32 to index
        %get3A_111 = arith.index_cast %add3A_108 : i32 to index
        %get3A_112 = tpu.vector_load %arg7[%get3A_110, %get3A_111] {strides = array<i32>} : memref<2x4096xi32, #tpu.memory_space<vmem>>, vector<16xi32>,
        %add3A_113 = arith.addi %get3A_106, %broadcast_in_dim3A_13 : vector<16xi32>
        %add3A_114 = arith.addi %get3A_106, %broadcast_in_dim3A_15 : vector<16xi32>
        %add3A_115 = arith.addi %get3A_106, %broadcast_in_dim3A_17 : vector<16xi32>
        %add3A_116 = arith.addi %get3A_112, %broadcast_in_dim3A_13 : vector<16xi32>
        %add3A_117 = arith.addi %get3A_112, %broadcast_in_dim3A_15 : vector<16xi32>
        %add3A_118 = arith.addi %get3A_112, %broadcast_in_dim3A_17 : vector<16xi32>
        %gather3A_119 = tpu.vector_load_idx %arg5[%get3A_106] : memref<40960xf32, #tpu.memory_space<vmem>>[vector<16xi32>], vector<16xf32>,
        %gather3A_120 = tpu.vector_load_idx %arg5[%add3A_113] : memref<40960xf32, #tpu.memory_space<vmem>>[vector<16xi32>], vector<16xf32>,
        %gather3A_121 = tpu.vector_load_idx %arg5[%add3A_114] : memref<40960xf32, #tpu.memory_space<vmem>>[vector<16xi32>], vector<16xf32>,
        %gather3A_122 = tpu.vector_load_idx %arg5[%add3A_115] : memref<40960xf32, #tpu.memory_space<vmem>>[vector<16xi32>], vector<16xf32>,
        tpu.vector_store_idx %arg6[%get3A_112], %gather3A_119 {add = true} : memref<40960xf32, #tpu.memory_space<vmem>>[vector<16xi32>], vector<16xf32>,
        tpu.vector_store_idx %arg6[%add3A_116], %gather3A_120 {add = true} : memref<40960xf32, #tpu.memory_space<vmem>>[vector<16xi32>], vector<16xf32>,
        tpu.vector_store_idx %arg6[%add3A_117], %gather3A_121 {add = true} : memref<40960xf32, #tpu.memory_space<vmem>>[vector<16xi32>], vector<16xf32>,
        tpu.vector_store_idx %arg6[%add3A_118], %gather3A_122 {add = true} : memref<40960xf32, #tpu.memory_space<vmem>>[vector<16xi32>], vector<16xf32>,
        %add3A_123 = arith.constant 32 : i32
        %add3A_124 = arith.addi %add3A_80, %add3A_123 : i32
        %get3A_125 = arith.constant 0 : i32
        %get3A_126 = arith.index_cast %get3A_125 : i32 to index
        %get3A_127 = arith.index_cast %add3A_124 : i32 to index
        %get3A_128 = tpu.vector_load %arg7[%get3A_126, %get3A_127] {strides = array<i32>} : memref<2x4096xi32, #tpu.memory_space<vmem>>, vector<16xi32>,
        %add3A_129 = arith.constant 32 : i32
        %add3A_130 = arith.addi %add3A_80, %add3A_129 : i32
        %get3A_131 = arith.constant 1 : i32
        %get3A_132 = arith.index_cast %get3A_131 : i32 to index
        %get3A_133 = arith.index_cast %add3A_130 : i32 to index
        %get3A_134 = tpu.vector_load %arg7[%get3A_132, %get3A_133] {strides = array<i32>} : memref<2x4096xi32, #tpu.memory_space<vmem>>, vector<16xi32>,
        %add3A_135 = arith.addi %get3A_128, %broadcast_in_dim3A_13 : vector<16xi32>
        %add3A_136 = arith.addi %get3A_128, %broadcast_in_dim3A_15 : vector<16xi32>
        %add3A_137 = arith.addi %get3A_128, %broadcast_in_dim3A_17 : vector<16xi32>
        %add3A_138 = arith.addi %get3A_134, %broadcast_in_dim3A_13 : vector<16xi32>
        %add3A_139 = arith.addi %get3A_134, %broadcast_in_dim3A_15 : vector<16xi32>
        %add3A_140 = arith.addi %get3A_134, %broadcast_in_dim3A_17 : vector<16xi32>
        %gather3A_141 = tpu.vector_load_idx %arg5[%get3A_128] : memref<40960xf32, #tpu.memory_space<vmem>>[vector<16xi32>], vector<16xf32>,
        %gather3A_142 = tpu.vector_load_idx %arg5[%add3A_135] : memref<40960xf32, #tpu.memory_space<vmem>>[vector<16xi32>], vector<16xf32>,
        %gather3A_143 = tpu.vector_load_idx %arg5[%add3A_136] : memref<40960xf32, #tpu.memory_space<vmem>>[vector<16xi32>], vector<16xf32>,
        %gather3A_144 = tpu.vector_load_idx %arg5[%add3A_137] : memref<40960xf32, #tpu.memory_space<vmem>>[vector<16xi32>], vector<16xf32>,
        tpu.vector_store_idx %arg6[%get3A_134], %gather3A_141 {add = true} : memref<40960xf32, #tpu.memory_space<vmem>>[vector<16xi32>], vector<16xf32>,
        tpu.vector_store_idx %arg6[%add3A_138], %gather3A_142 {add = true} : memref<40960xf32, #tpu.memory_space<vmem>>[vector<16xi32>], vector<16xf32>,
        tpu.vector_store_idx %arg6[%add3A_139], %gather3A_143 {add = true} : memref<40960xf32, #tpu.memory_space<vmem>>[vector<16xi32>], vector<16xf32>,
        tpu.vector_store_idx %arg6[%add3A_140], %gather3A_144 {add = true} : memref<40960xf32, #tpu.memory_space<vmem>>[vector<16xi32>], vector<16xf32>,
        %add3A_145 = arith.constant 48 : i32
        %add3A_146 = arith.addi %add3A_80, %add3A_145 : i32
        %get3A_147 = arith.constant 0 : i32
        %get3A_148 = arith.index_cast %get3A_147 : i32 to index
        %get3A_149 = arith.index_cast %add3A_146 : i32 to index
        %get3A_150 = tpu.vector_load %arg7[%get3A_148, %get3A_149] {strides = array<i32>} : memref<2x4096xi32, #tpu.memory_space<vmem>>, vector<16xi32>,
        %add3A_151 = arith.constant 48 : i32
        %add3A_152 = arith.addi %add3A_80, %add3A_151 : i32
        %get3A_153 = arith.constant 1 : i32
        %get3A_154 = arith.index_cast %get3A_153 : i32 to index
        %get3A_155 = arith.index_cast %add3A_152 : i32 to index
        %get3A_156 = tpu.vector_load %arg7[%get3A_154, %get3A_155] {strides = array<i32>} : memref<2x4096xi32, #tpu.memory_space<vmem>>, vector<16xi32>,
        %add3A_157 = arith.addi %get3A_150, %broadcast_in_dim3A_13 : vector<16xi32>
        %add3A_158 = arith.addi %get3A_150, %broadcast_in_dim3A_15 : vector<16xi32>
        %add3A_159 = arith.addi %get3A_150, %broadcast_in_dim3A_17 : vector<16xi32>
        %add3A_160 = arith.addi %get3A_156, %broadcast_in_dim3A_13 : vector<16xi32>
        %add3A_161 = arith.addi %get3A_156, %broadcast_in_dim3A_15 : vector<16xi32>
        %add3A_162 = arith.addi %get3A_156, %broadcast_in_dim3A_17 : vector<16xi32>
        %gather3A_163 = tpu.vector_load_idx %arg5[%get3A_150] : memref<40960xf32, #tpu.memory_space<vmem>>[vector<16xi32>], vector<16xf32>,
        %gather3A_164 = tpu.vector_load_idx %arg5[%add3A_157] : memref<40960xf32, #tpu.memory_space<vmem>>[vector<16xi32>], vector<16xf32>,
        %gather3A_165 = tpu.vector_load_idx %arg5[%add3A_158] : memref<40960xf32, #tpu.memory_space<vmem>>[vector<16xi32>], vector<16xf32>,
        %gather3A_166 = tpu.vector_load_idx %arg5[%add3A_159] : memref<40960xf32, #tpu.memory_space<vmem>>[vector<16xi32>], vector<16xf32>,
        tpu.vector_store_idx %arg6[%get3A_156], %gather3A_163 {add = true} : memref<40960xf32, #tpu.memory_space<vmem>>[vector<16xi32>], vector<16xf32>,
        tpu.vector_store_idx %arg6[%add3A_160], %gather3A_164 {add = true} : memref<40960xf32, #tpu.memory_space<vmem>>[vector<16xi32>], vector<16xf32>,
        tpu.vector_store_idx %arg6[%add3A_161], %gather3A_165 {add = true} : memref<40960xf32, #tpu.memory_space<vmem>>[vector<16xi32>], vector<16xf32>,
        tpu.vector_store_idx %arg6[%add3A_162], %gather3A_166 {add = true} : memref<40960xf32, #tpu.memory_space<vmem>>[vector<16xi32>], vector<16xf32>,
        %add3A_167 = arith.constant 64 : i32
        %add3A_168 = arith.addi %add3A_80, %add3A_167 : i32
        %get3A_169 = arith.constant 0 : i32
        %get3A_170 = arith.index_cast %get3A_169 : i32 to index
        %get3A_171 = arith.index_cast %add3A_168 : i32 to index
        %get3A_172 = tpu.vector_load %arg7[%get3A_170, %get3A_171] {strides = array<i32>} : memref<2x4096xi32, #tpu.memory_space<vmem>>, vector<16xi32>,
        %add3A_173 = arith.constant 64 : i32
        %add3A_174 = arith.addi %add3A_80, %add3A_173 : i32
        %get3A_175 = arith.constant 1 : i32
        %get3A_176 = arith.index_cast %get3A_175 : i32 to index
        %get3A_177 = arith.index_cast %add3A_174 : i32 to index
        %get3A_178 = tpu.vector_load %arg7[%get3A_176, %get3A_177] {strides = array<i32>} : memref<2x4096xi32, #tpu.memory_space<vmem>>, vector<16xi32>,
        %add3A_179 = arith.addi %get3A_172, %broadcast_in_dim3A_13 : vector<16xi32>
        %add3A_180 = arith.addi %get3A_172, %broadcast_in_dim3A_15 : vector<16xi32>
        %add3A_181 = arith.addi %get3A_172, %broadcast_in_dim3A_17 : vector<16xi32>
        %add3A_182 = arith.addi %get3A_178, %broadcast_in_dim3A_13 : vector<16xi32>
        %add3A_183 = arith.addi %get3A_178, %broadcast_in_dim3A_15 : vector<16xi32>
        %add3A_184 = arith.addi %get3A_178, %broadcast_in_dim3A_17 : vector<16xi32>
        %gather3A_185 = tpu.vector_load_idx %arg5[%get3A_172] : memref<40960xf32, #tpu.memory_space<vmem>>[vector<16xi32>], vector<16xf32>,
        %gather3A_186 = tpu.vector_load_idx %arg5[%add3A_179] : memref<40960xf32, #tpu.memory_space<vmem>>[vector<16xi32>], vector<16xf32>,
        %gather3A_187 = tpu.vector_load_idx %arg5[%add3A_180] : memref<40960xf32, #tpu.memory_space<vmem>>[vector<16xi32>], vector<16xf32>,
        %gather3A_188 = tpu.vector_load_idx %arg5[%add3A_181] : memref<40960xf32, #tpu.memory_space<vmem>>[vector<16xi32>], vector<16xf32>,
        tpu.vector_store_idx %arg6[%get3A_178], %gather3A_185 {add = true} : memref<40960xf32, #tpu.memory_space<vmem>>[vector<16xi32>], vector<16xf32>,
        tpu.vector_store_idx %arg6[%add3A_182], %gather3A_186 {add = true} : memref<40960xf32, #tpu.memory_space<vmem>>[vector<16xi32>], vector<16xf32>,
        tpu.vector_store_idx %arg6[%add3A_183], %gather3A_187 {add = true} : memref<40960xf32, #tpu.memory_space<vmem>>[vector<16xi32>], vector<16xf32>,
        tpu.vector_store_idx %arg6[%add3A_184], %gather3A_188 {add = true} : memref<40960xf32, #tpu.memory_space<vmem>>[vector<16xi32>], vector<16xf32>,
        %add3A_189 = arith.constant 80 : i32
        %add3A_190 = arith.addi %add3A_80, %add3A_189 : i32
        %get3A_191 = arith.constant 0 : i32
        %get3A_192 = arith.index_cast %get3A_191 : i32 to index
        %get3A_193 = arith.index_cast %add3A_190 : i32 to index
        %get3A_194 = tpu.vector_load %arg7[%get3A_192, %get3A_193] {strides = array<i32>} : memref<2x4096xi32, #tpu.memory_space<vmem>>, vector<16xi32>,
        %add3A_195 = arith.constant 80 : i32
        %add3A_196 = arith.addi %add3A_80, %add3A_195 : i32
        %get3A_197 = arith.constant 1 : i32
        %get3A_198 = arith.index_cast %get3A_197 : i32 to index
        %get3A_199 = arith.index_cast %add3A_196 : i32 to index
        %get3A_200 = tpu.vector_load %arg7[%get3A_198, %get3A_199] {strides = array<i32>} : memref<2x4096xi32, #tpu.memory_space<vmem>>, vector<16xi32>,
        %add3A_201 = arith.addi %get3A_194, %broadcast_in_dim3A_13 : vector<16xi32>
        %add3A_202 = arith.addi %get3A_194, %broadcast_in_dim3A_15 : vector<16xi32>
        %add3A_203 = arith.addi %get3A_194, %broadcast_in_dim3A_17 : vector<16xi32>
        %add3A_204 = arith.addi %get3A_200, %broadcast_in_dim3A_13 : vector<16xi32>
        %add3A_205 = arith.addi %get3A_200, %broadcast_in_dim3A_15 : vector<16xi32>
        %add3A_206 = arith.addi %get3A_200, %broadcast_in_dim3A_17 : vector<16xi32>
        %gather3A_207 = tpu.vector_load_idx %arg5[%get3A_194] : memref<40960xf32, #tpu.memory_space<vmem>>[vector<16xi32>], vector<16xf32>,
        %gather3A_208 = tpu.vector_load_idx %arg5[%add3A_201] : memref<40960xf32, #tpu.memory_space<vmem>>[vector<16xi32>], vector<16xf32>,
        %gather3A_209 = tpu.vector_load_idx %arg5[%add3A_202] : memref<40960xf32, #tpu.memory_space<vmem>>[vector<16xi32>], vector<16xf32>,
        %gather3A_210 = tpu.vector_load_idx %arg5[%add3A_203] : memref<40960xf32, #tpu.memory_space<vmem>>[vector<16xi32>], vector<16xf32>,
        tpu.vector_store_idx %arg6[%get3A_200], %gather3A_207 {add = true} : memref<40960xf32, #tpu.memory_space<vmem>>[vector<16xi32>], vector<16xf32>,
        tpu.vector_store_idx %arg6[%add3A_204], %gather3A_208 {add = true} : memref<40960xf32, #tpu.memory_space<vmem>>[vector<16xi32>], vector<16xf32>,
        tpu.vector_store_idx %arg6[%add3A_205], %gather3A_209 {add = true} : memref<40960xf32, #tpu.memory_space<vmem>>[vector<16xi32>], vector<16xf32>,
        tpu.vector_store_idx %arg6[%add3A_206], %gather3A_210 {add = true} : memref<40960xf32, #tpu.memory_space<vmem>>[vector<16xi32>], vector<16xf32>,
        %add3A_211 = arith.constant 96 : i32
        %add3A_212 = arith.addi %add3A_80, %add3A_211 : i32
        %get3A_213 = arith.constant 0 : i32
        %get3A_214 = arith.index_cast %get3A_213 : i32 to index
        %get3A_215 = arith.index_cast %add3A_212 : i32 to index
        %get3A_216 = tpu.vector_load %arg7[%get3A_214, %get3A_215] {strides = array<i32>} : memref<2x4096xi32, #tpu.memory_space<vmem>>, vector<16xi32>,
        %add3A_217 = arith.constant 96 : i32
        %add3A_218 = arith.addi %add3A_80, %add3A_217 : i32
        %get3A_219 = arith.constant 1 : i32
        %get3A_220 = arith.index_cast %get3A_219 : i32 to index
        %get3A_221 = arith.index_cast %add3A_218 : i32 to index
        %get3A_222 = tpu.vector_load %arg7[%get3A_220, %get3A_221] {strides = array<i32>} : memref<2x4096xi32, #tpu.memory_space<vmem>>, vector<16xi32>,
        %add3A_223 = arith.addi %get3A_216, %broadcast_in_dim3A_13 : vector<16xi32>
        %add3A_224 = arith.addi %get3A_216, %broadcast_in_dim3A_15 : vector<16xi32>
        %add3A_225 = arith.addi %get3A_216, %broadcast_in_dim3A_17 : vector<16xi32>
        %add3A_226 = arith.addi %get3A_222, %broadcast_in_dim3A_13 : vector<16xi32>
        %add3A_227 = arith.addi %get3A_222, %broadcast_in_dim3A_15 : vector<16xi32>
        %add3A_228 = arith.addi %get3A_222, %broadcast_in_dim3A_17 : vector<16xi32>
        %gather3A_229 = tpu.vector_load_idx %arg5[%get3A_216] : memref<40960xf32, #tpu.memory_space<vmem>>[vector<16xi32>], vector<16xf32>,
        %gather3A_230 = tpu.vector_load_idx %arg5[%add3A_223] : memref<40960xf32, #tpu.memory_space<vmem>>[vector<16xi32>], vector<16xf32>,
        %gather3A_231 = tpu.vector_load_idx %arg5[%add3A_224] : memref<40960xf32, #tpu.memory_space<vmem>>[vector<16xi32>], vector<16xf32>,
        %gather3A_232 = tpu.vector_load_idx %arg5[%add3A_225] : memref<40960xf32, #tpu.memory_space<vmem>>[vector<16xi32>], vector<16xf32>,
        tpu.vector_store_idx %arg6[%get3A_222], %gather3A_229 {add = true} : memref<40960xf32, #tpu.memory_space<vmem>>[vector<16xi32>], vector<16xf32>,
        tpu.vector_store_idx %arg6[%add3A_226], %gather3A_230 {add = true} : memref<40960xf32, #tpu.memory_space<vmem>>[vector<16xi32>], vector<16xf32>,
        tpu.vector_store_idx %arg6[%add3A_227], %gather3A_231 {add = true} : memref<40960xf32, #tpu.memory_space<vmem>>[vector<16xi32>], vector<16xf32>,
        tpu.vector_store_idx %arg6[%add3A_228], %gather3A_232 {add = true} : memref<40960xf32, #tpu.memory_space<vmem>>[vector<16xi32>], vector<16xf32>,
        %add3A_233 = arith.constant 112 : i32
        %add3A_234 = arith.addi %add3A_80, %add3A_233 : i32
        %get3A_235 = arith.constant 0 : i32
        %get3A_236 = arith.index_cast %get3A_235 : i32 to index
        %get3A_237 = arith.index_cast %add3A_234 : i32 to index
        %get3A_238 = tpu.vector_load %arg7[%get3A_236, %get3A_237] {strides = array<i32>} : memref<2x4096xi32, #tpu.memory_space<vmem>>, vector<16xi32>,
        %add3A_239 = arith.constant 112 : i32
        %add3A_240 = arith.addi %add3A_80, %add3A_239 : i32
        %get3A_241 = arith.constant 1 : i32
        %get3A_242 = arith.index_cast %get3A_241 : i32 to index
        %get3A_243 = arith.index_cast %add3A_240 : i32 to index
        %get3A_244 = tpu.vector_load %arg7[%get3A_242, %get3A_243] {strides = array<i32>} : memref<2x4096xi32, #tpu.memory_space<vmem>>, vector<16xi32>,
        %add3A_245 = arith.addi %get3A_238, %broadcast_in_dim3A_13 : vector<16xi32>
        %add3A_246 = arith.addi %get3A_238, %broadcast_in_dim3A_15 : vector<16xi32>
        %add3A_247 = arith.addi %get3A_238, %broadcast_in_dim3A_17 : vector<16xi32>
        %add3A_248 = arith.addi %get3A_244, %broadcast_in_dim3A_13 : vector<16xi32>
        %add3A_249 = arith.addi %get3A_244, %broadcast_in_dim3A_15 : vector<16xi32>
        %add3A_250 = arith.addi %get3A_244, %broadcast_in_dim3A_17 : vector<16xi32>
        %gather3A_251 = tpu.vector_load_idx %arg5[%get3A_238] : memref<40960xf32, #tpu.memory_space<vmem>>[vector<16xi32>], vector<16xf32>,
        %gather3A_252 = tpu.vector_load_idx %arg5[%add3A_245] : memref<40960xf32, #tpu.memory_space<vmem>>[vector<16xi32>], vector<16xf32>,
        %gather3A_253 = tpu.vector_load_idx %arg5[%add3A_246] : memref<40960xf32, #tpu.memory_space<vmem>>[vector<16xi32>], vector<16xf32>,
        %gather3A_254 = tpu.vector_load_idx %arg5[%add3A_247] : memref<40960xf32, #tpu.memory_space<vmem>>[vector<16xi32>], vector<16xf32>,
        tpu.vector_store_idx %arg6[%get3A_244], %gather3A_251 {add = true} : memref<40960xf32, #tpu.memory_space<vmem>>[vector<16xi32>], vector<16xf32>,
        tpu.vector_store_idx %arg6[%add3A_248], %gather3A_252 {add = true} : memref<40960xf32, #tpu.memory_space<vmem>>[vector<16xi32>], vector<16xf32>,
        tpu.vector_store_idx %arg6[%add3A_249], %gather3A_253 {add = true} : memref<40960xf32, #tpu.memory_space<vmem>>[vector<16xi32>], vector<16xf32>,
        tpu.vector_store_idx %arg6[%add3A_250], %gather3A_254 {add = true} : memref<40960xf32, #tpu.memory_space<vmem>>[vector<16xi32>], vector<16xf32>,
      }
      %scan3A_62 = arith.constant 32 : i32
      %dma_wait3A_63 = arith.constant 0 : i32
      %dma_wait3A_64 = arith.constant 0 : i32
      %dma_wait3A_65 = tpu.memref_slice %arg3[%add3A_41, %dma_wait3A_63, %dma_wait3A_64] : memref<80x2x4096xi32, #tpu.memory_space<hbm>> -> memref<1x2x4096xi32, #tpu.memory_space<hbm>>
      %dma_wait3A_66 = tpu.memref_squeeze %dma_wait3A_65 : memref<1x2x4096xi32, #tpu.memory_space<hbm>> -> memref<2x4096xi32, #tpu.memory_space<hbm>>
      %dma_wait3A_67 = arith.constant 0 : i32
      %dma_wait3A_68 = arith.constant 0 : i32
      %dma_wait3A_69 = tpu.memref_slice %arg3[%add3A_41, %dma_wait3A_67, %dma_wait3A_68] : memref<80x2x4096xi32, #tpu.memory_space<hbm>> -> memref<1x2x4096xi32, #tpu.memory_space<hbm>>
      %dma_wait3A_70 = tpu.memref_squeeze %dma_wait3A_69 : memref<1x2x4096xi32, #tpu.memory_space<hbm>> -> memref<2x4096xi32, #tpu.memory_space<hbm>>
      tpu.wait_dma2 semaphore(%arg11 : memref<!tpu.dma_semaphore, #tpu.memory_space<semaphore_mem>>) src(%dma_wait3A_70 : memref<2x4096xi32, #tpu.memory_space<hbm>>) dst(%arg8 : memref<2x4096xi32, #tpu.memory_space<vmem>>)
      %scan3A_71 = arith.constant 0 : i32
      %scan3A_72 = arith.constant 32 : i32
      %scan3A_73 = arith.addi %scan3A_71, %scan3A_72 : i32
      %scan3A_74 = arith.constant 1 : i32
      scf.for %scan3A_76 = %scan3A_71 to %scan3A_73 step %scan3A_74  : i32 {
        %mul3A_77 = arith.constant 128 : i32
        %mul3A_78 = arith.muli %scan3A_76, %mul3A_77 : i32
        %add3A_79 = arith.constant 0 : i32
        %add3A_80 = arith.addi %add3A_79, %mul3A_78 : i32
        %add3A_81 = arith.constant 0 : i32
        %add3A_82 = arith.addi %add3A_80, %add3A_81 : i32
        %get3A = arith.constant 0 : i32
        %get3A_83 = arith.index_cast %get3A : i32 to index
        %get3A_84 = arith.index_cast %add3A_82 : i32 to index
        %get3A_85 = tpu.vector_load %arg8[%get3A_83, %get3A_84] {strides = array<i32>} : memref<2x4096xi32, #tpu.memory_space<vmem>>, vector<16xi32>,
        %add3A_86 = arith.constant 0 : i32
        %add3A_87 = arith.addi %add3A_80, %add3A_86 : i32
        %get3A_88 = arith.constant 1 : i32
        %get3A_89 = arith.index_cast %get3A_88 : i32 to index
        %get3A_90 = arith.index_cast %add3A_87 : i32 to index
        %get3A_91 = tpu.vector_load %arg8[%get3A_89, %get3A_90] {strides = array<i32>} : memref<2x4096xi32, #tpu.memory_space<vmem>>, vector<16xi32>,
        %add3A_92 = arith.addi %get3A_85, %broadcast_in_dim3A_13 : vector<16xi32>
        %add3A_93 = arith.addi %get3A_85, %broadcast_in_dim3A_15 : vector<16xi32>
        %add3A_94 = arith.addi %get3A_85, %broadcast_in_dim3A_17 : vector<16xi32>
        %add3A_95 = arith.addi %get3A_91, %broadcast_in_dim3A_13 : vector<16xi32>
        %add3A_96 = arith.addi %get3A_91, %broadcast_in_dim3A_15 : vector<16xi32>
        %add3A_97 = arith.addi %get3A_91, %broadcast_in_dim3A_17 : vector<16xi32>
        %gather3A = tpu.vector_load_idx %arg5[%get3A_85] : memref<40960xf32, #tpu.memory_space<vmem>>[vector<16xi32>], vector<16xf32>,
        %gather3A_98 = tpu.vector_load_idx %arg5[%add3A_92] : memref<40960xf32, #tpu.memory_space<vmem>>[vector<16xi32>], vector<16xf32>,
        %gather3A_99 = tpu.vector_load_idx %arg5[%add3A_93] : memref<40960xf32, #tpu.memory_space<vmem>>[vector<16xi32>], vector<16xf32>,
        %gather3A_100 = tpu.vector_load_idx %arg5[%add3A_94] : memref<40960xf32, #tpu.memory_space<vmem>>[vector<16xi32>], vector<16xf32>,
        tpu.vector_store_idx %arg6[%get3A_91], %gather3A {add = true} : memref<40960xf32, #tpu.memory_space<vmem>>[vector<16xi32>], vector<16xf32>,
        tpu.vector_store_idx %arg6[%add3A_95], %gather3A_98 {add = true} : memref<40960xf32, #tpu.memory_space<vmem>>[vector<16xi32>], vector<16xf32>,
        tpu.vector_store_idx %arg6[%add3A_96], %gather3A_99 {add = true} : memref<40960xf32, #tpu.memory_space<vmem>>[vector<16xi32>], vector<16xf32>,
        tpu.vector_store_idx %arg6[%add3A_97], %gather3A_100 {add = true} : memref<40960xf32, #tpu.memory_space<vmem>>[vector<16xi32>], vector<16xf32>,
        %add3A_101 = arith.constant 16 : i32
        %add3A_102 = arith.addi %add3A_80, %add3A_101 : i32
        %get3A_103 = arith.constant 0 : i32
        %get3A_104 = arith.index_cast %get3A_103 : i32 to index
        %get3A_105 = arith.index_cast %add3A_102 : i32 to index
        %get3A_106 = tpu.vector_load %arg8[%get3A_104, %get3A_105] {strides = array<i32>} : memref<2x4096xi32, #tpu.memory_space<vmem>>, vector<16xi32>,
        %add3A_107 = arith.constant 16 : i32
        %add3A_108 = arith.addi %add3A_80, %add3A_107 : i32
        %get3A_109 = arith.constant 1 : i32
        %get3A_110 = arith.index_cast %get3A_109 : i32 to index
        %get3A_111 = arith.index_cast %add3A_108 : i32 to index
        %get3A_112 = tpu.vector_load %arg8[%get3A_110, %get3A_111] {strides = array<i32>} : memref<2x4096xi32, #tpu.memory_space<vmem>>, vector<16xi32>,
        %add3A_113 = arith.addi %get3A_106, %broadcast_in_dim3A_13 : vector<16xi32>
        %add3A_114 = arith.addi %get3A_106, %broadcast_in_dim3A_15 : vector<16xi32>
        %add3A_115 = arith.addi %get3A_106, %broadcast_in_dim3A_17 : vector<16xi32>
        %add3A_116 = arith.addi %get3A_112, %broadcast_in_dim3A_13 : vector<16xi32>
        %add3A_117 = arith.addi %get3A_112, %broadcast_in_dim3A_15 : vector<16xi32>
        %add3A_118 = arith.addi %get3A_112, %broadcast_in_dim3A_17 : vector<16xi32>
        %gather3A_119 = tpu.vector_load_idx %arg5[%get3A_106] : memref<40960xf32, #tpu.memory_space<vmem>>[vector<16xi32>], vector<16xf32>,
        %gather3A_120 = tpu.vector_load_idx %arg5[%add3A_113] : memref<40960xf32, #tpu.memory_space<vmem>>[vector<16xi32>], vector<16xf32>,
        %gather3A_121 = tpu.vector_load_idx %arg5[%add3A_114] : memref<40960xf32, #tpu.memory_space<vmem>>[vector<16xi32>], vector<16xf32>,
        %gather3A_122 = tpu.vector_load_idx %arg5[%add3A_115] : memref<40960xf32, #tpu.memory_space<vmem>>[vector<16xi32>], vector<16xf32>,
        tpu.vector_store_idx %arg6[%get3A_112], %gather3A_119 {add = true} : memref<40960xf32, #tpu.memory_space<vmem>>[vector<16xi32>], vector<16xf32>,
        tpu.vector_store_idx %arg6[%add3A_116], %gather3A_120 {add = true} : memref<40960xf32, #tpu.memory_space<vmem>>[vector<16xi32>], vector<16xf32>,
        tpu.vector_store_idx %arg6[%add3A_117], %gather3A_121 {add = true} : memref<40960xf32, #tpu.memory_space<vmem>>[vector<16xi32>], vector<16xf32>,
        tpu.vector_store_idx %arg6[%add3A_118], %gather3A_122 {add = true} : memref<40960xf32, #tpu.memory_space<vmem>>[vector<16xi32>], vector<16xf32>,
        %add3A_123 = arith.constant 32 : i32
        %add3A_124 = arith.addi %add3A_80, %add3A_123 : i32
        %get3A_125 = arith.constant 0 : i32
        %get3A_126 = arith.index_cast %get3A_125 : i32 to index
        %get3A_127 = arith.index_cast %add3A_124 : i32 to index
        %get3A_128 = tpu.vector_load %arg8[%get3A_126, %get3A_127] {strides = array<i32>} : memref<2x4096xi32, #tpu.memory_space<vmem>>, vector<16xi32>,
        %add3A_129 = arith.constant 32 : i32
        %add3A_130 = arith.addi %add3A_80, %add3A_129 : i32
        %get3A_131 = arith.constant 1 : i32
        %get3A_132 = arith.index_cast %get3A_131 : i32 to index
        %get3A_133 = arith.index_cast %add3A_130 : i32 to index
        %get3A_134 = tpu.vector_load %arg8[%get3A_132, %get3A_133] {strides = array<i32>} : memref<2x4096xi32, #tpu.memory_space<vmem>>, vector<16xi32>,
        %add3A_135 = arith.addi %get3A_128, %broadcast_in_dim3A_13 : vector<16xi32>
        %add3A_136 = arith.addi %get3A_128, %broadcast_in_dim3A_15 : vector<16xi32>
        %add3A_137 = arith.addi %get3A_128, %broadcast_in_dim3A_17 : vector<16xi32>
        %add3A_138 = arith.addi %get3A_134, %broadcast_in_dim3A_13 : vector<16xi32>
        %add3A_139 = arith.addi %get3A_134, %broadcast_in_dim3A_15 : vector<16xi32>
        %add3A_140 = arith.addi %get3A_134, %broadcast_in_dim3A_17 : vector<16xi32>
        %gather3A_141 = tpu.vector_load_idx %arg5[%get3A_128] : memref<40960xf32, #tpu.memory_space<vmem>>[vector<16xi32>], vector<16xf32>,
        %gather3A_142 = tpu.vector_load_idx %arg5[%add3A_135] : memref<40960xf32, #tpu.memory_space<vmem>>[vector<16xi32>], vector<16xf32>,
        %gather3A_143 = tpu.vector_load_idx %arg5[%add3A_136] : memref<40960xf32, #tpu.memory_space<vmem>>[vector<16xi32>], vector<16xf32>,
        %gather3A_144 = tpu.vector_load_idx %arg5[%add3A_137] : memref<40960xf32, #tpu.memory_space<vmem>>[vector<16xi32>], vector<16xf32>,
        tpu.vector_store_idx %arg6[%get3A_134], %gather3A_141 {add = true} : memref<40960xf32, #tpu.memory_space<vmem>>[vector<16xi32>], vector<16xf32>,
        tpu.vector_store_idx %arg6[%add3A_138], %gather3A_142 {add = true} : memref<40960xf32, #tpu.memory_space<vmem>>[vector<16xi32>], vector<16xf32>,
        tpu.vector_store_idx %arg6[%add3A_139], %gather3A_143 {add = true} : memref<40960xf32, #tpu.memory_space<vmem>>[vector<16xi32>], vector<16xf32>,
        tpu.vector_store_idx %arg6[%add3A_140], %gather3A_144 {add = true} : memref<40960xf32, #tpu.memory_space<vmem>>[vector<16xi32>], vector<16xf32>,
        %add3A_145 = arith.constant 48 : i32
        %add3A_146 = arith.addi %add3A_80, %add3A_145 : i32
        %get3A_147 = arith.constant 0 : i32
        %get3A_148 = arith.index_cast %get3A_147 : i32 to index
        %get3A_149 = arith.index_cast %add3A_146 : i32 to index
        %get3A_150 = tpu.vector_load %arg8[%get3A_148, %get3A_149] {strides = array<i32>} : memref<2x4096xi32, #tpu.memory_space<vmem>>, vector<16xi32>,
        %add3A_151 = arith.constant 48 : i32
        %add3A_152 = arith.addi %add3A_80, %add3A_151 : i32
        %get3A_153 = arith.constant 1 : i32
        %get3A_154 = arith.index_cast %get3A_153 : i32 to index
        %get3A_155 = arith.index_cast %add3A_152 : i32 to index
        %get3A_156 = tpu.vector_load %arg8[%get3A_154, %get3A_155] {strides = array<i32>} : memref<2x4096xi32, #tpu.memory_space<vmem>>, vector<16xi32>,
        %add3A_157 = arith.addi %get3A_150, %broadcast_in_dim3A_13 : vector<16xi32>
        %add3A_158 = arith.addi %get3A_150, %broadcast_in_dim3A_15 : vector<16xi32>
        %add3A_159 = arith.addi %get3A_150, %broadcast_in_dim3A_17 : vector<16xi32>
        %add3A_160 = arith.addi %get3A_156, %broadcast_in_dim3A_13 : vector<16xi32>
        %add3A_161 = arith.addi %get3A_156, %broadcast_in_dim3A_15 : vector<16xi32>
        %add3A_162 = arith.addi %get3A_156, %broadcast_in_dim3A_17 : vector<16xi32>
        %gather3A_163 = tpu.vector_load_idx %arg5[%get3A_150] : memref<40960xf32, #tpu.memory_space<vmem>>[vector<16xi32>], vector<16xf32>,
        %gather3A_164 = tpu.vector_load_idx %arg5[%add3A_157] : memref<40960xf32, #tpu.memory_space<vmem>>[vector<16xi32>], vector<16xf32>,
        %gather3A_165 = tpu.vector_load_idx %arg5[%add3A_158] : memref<40960xf32, #tpu.memory_space<vmem>>[vector<16xi32>], vector<16xf32>,
        %gather3A_166 = tpu.vector_load_idx %arg5[%add3A_159] : memref<40960xf32, #tpu.memory_space<vmem>>[vector<16xi32>], vector<16xf32>,
        tpu.vector_store_idx %arg6[%get3A_156], %gather3A_163 {add = true} : memref<40960xf32, #tpu.memory_space<vmem>>[vector<16xi32>], vector<16xf32>,
        tpu.vector_store_idx %arg6[%add3A_160], %gather3A_164 {add = true} : memref<40960xf32, #tpu.memory_space<vmem>>[vector<16xi32>], vector<16xf32>,
        tpu.vector_store_idx %arg6[%add3A_161], %gather3A_165 {add = true} : memref<40960xf32, #tpu.memory_space<vmem>>[vector<16xi32>], vector<16xf32>,
        tpu.vector_store_idx %arg6[%add3A_162], %gather3A_166 {add = true} : memref<40960xf32, #tpu.memory_space<vmem>>[vector<16xi32>], vector<16xf32>,
        %add3A_167 = arith.constant 64 : i32
        %add3A_168 = arith.addi %add3A_80, %add3A_167 : i32
        %get3A_169 = arith.constant 0 : i32
        %get3A_170 = arith.index_cast %get3A_169 : i32 to index
        %get3A_171 = arith.index_cast %add3A_168 : i32 to index
        %get3A_172 = tpu.vector_load %arg8[%get3A_170, %get3A_171] {strides = array<i32>} : memref<2x4096xi32, #tpu.memory_space<vmem>>, vector<16xi32>,
        %add3A_173 = arith.constant 64 : i32
        %add3A_174 = arith.addi %add3A_80, %add3A_173 : i32
        %get3A_175 = arith.constant 1 : i32
        %get3A_176 = arith.index_cast %get3A_175 : i32 to index
        %get3A_177 = arith.index_cast %add3A_174 : i32 to index
        %get3A_178 = tpu.vector_load %arg8[%get3A_176, %get3A_177] {strides = array<i32>} : memref<2x4096xi32, #tpu.memory_space<vmem>>, vector<16xi32>,
        %add3A_179 = arith.addi %get3A_172, %broadcast_in_dim3A_13 : vector<16xi32>
        %add3A_180 = arith.addi %get3A_172, %broadcast_in_dim3A_15 : vector<16xi32>
        %add3A_181 = arith.addi %get3A_172, %broadcast_in_dim3A_17 : vector<16xi32>
        %add3A_182 = arith.addi %get3A_178, %broadcast_in_dim3A_13 : vector<16xi32>
        %add3A_183 = arith.addi %get3A_178, %broadcast_in_dim3A_15 : vector<16xi32>
        %add3A_184 = arith.addi %get3A_178, %broadcast_in_dim3A_17 : vector<16xi32>
        %gather3A_185 = tpu.vector_load_idx %arg5[%get3A_172] : memref<40960xf32, #tpu.memory_space<vmem>>[vector<16xi32>], vector<16xf32>,
        %gather3A_186 = tpu.vector_load_idx %arg5[%add3A_179] : memref<40960xf32, #tpu.memory_space<vmem>>[vector<16xi32>], vector<16xf32>,
        %gather3A_187 = tpu.vector_load_idx %arg5[%add3A_180] : memref<40960xf32, #tpu.memory_space<vmem>>[vector<16xi32>], vector<16xf32>,
        %gather3A_188 = tpu.vector_load_idx %arg5[%add3A_181] : memref<40960xf32, #tpu.memory_space<vmem>>[vector<16xi32>], vector<16xf32>,
        tpu.vector_store_idx %arg6[%get3A_178], %gather3A_185 {add = true} : memref<40960xf32, #tpu.memory_space<vmem>>[vector<16xi32>], vector<16xf32>,
        tpu.vector_store_idx %arg6[%add3A_182], %gather3A_186 {add = true} : memref<40960xf32, #tpu.memory_space<vmem>>[vector<16xi32>], vector<16xf32>,
        tpu.vector_store_idx %arg6[%add3A_183], %gather3A_187 {add = true} : memref<40960xf32, #tpu.memory_space<vmem>>[vector<16xi32>], vector<16xf32>,
        tpu.vector_store_idx %arg6[%add3A_184], %gather3A_188 {add = true} : memref<40960xf32, #tpu.memory_space<vmem>>[vector<16xi32>], vector<16xf32>,
        %add3A_189 = arith.constant 80 : i32
        %add3A_190 = arith.addi %add3A_80, %add3A_189 : i32
        %get3A_191 = arith.constant 0 : i32
        %get3A_192 = arith.index_cast %get3A_191 : i32 to index
        %get3A_193 = arith.index_cast %add3A_190 : i32 to index
        %get3A_194 = tpu.vector_load %arg8[%get3A_192, %get3A_193] {strides = array<i32>} : memref<2x4096xi32, #tpu.memory_space<vmem>>, vector<16xi32>,
        %add3A_195 = arith.constant 80 : i32
        %add3A_196 = arith.addi %add3A_80, %add3A_195 : i32
        %get3A_197 = arith.constant 1 : i32
        %get3A_198 = arith.index_cast %get3A_197 : i32 to index
        %get3A_199 = arith.index_cast %add3A_196 : i32 to index
        %get3A_200 = tpu.vector_load %arg8[%get3A_198, %get3A_199] {strides = array<i32>} : memref<2x4096xi32, #tpu.memory_space<vmem>>, vector<16xi32>,
        %add3A_201 = arith.addi %get3A_194, %broadcast_in_dim3A_13 : vector<16xi32>
        %add3A_202 = arith.addi %get3A_194, %broadcast_in_dim3A_15 : vector<16xi32>
        %add3A_203 = arith.addi %get3A_194, %broadcast_in_dim3A_17 : vector<16xi32>
        %add3A_204 = arith.addi %get3A_200, %broadcast_in_dim3A_13 : vector<16xi32>
        %add3A_205 = arith.addi %get3A_200, %broadcast_in_dim3A_15 : vector<16xi32>
        %add3A_206 = arith.addi %get3A_200, %broadcast_in_dim3A_17 : vector<16xi32>
        %gather3A_207 = tpu.vector_load_idx %arg5[%get3A_194] : memref<40960xf32, #tpu.memory_space<vmem>>[vector<16xi32>], vector<16xf32>,
        %gather3A_208 = tpu.vector_load_idx %arg5[%add3A_201] : memref<40960xf32, #tpu.memory_space<vmem>>[vector<16xi32>], vector<16xf32>,
        %gather3A_209 = tpu.vector_load_idx %arg5[%add3A_202] : memref<40960xf32, #tpu.memory_space<vmem>>[vector<16xi32>], vector<16xf32>,
        %gather3A_210 = tpu.vector_load_idx %arg5[%add3A_203] : memref<40960xf32, #tpu.memory_space<vmem>>[vector<16xi32>], vector<16xf32>,
        tpu.vector_store_idx %arg6[%get3A_200], %gather3A_207 {add = true} : memref<40960xf32, #tpu.memory_space<vmem>>[vector<16xi32>], vector<16xf32>,
        tpu.vector_store_idx %arg6[%add3A_204], %gather3A_208 {add = true} : memref<40960xf32, #tpu.memory_space<vmem>>[vector<16xi32>], vector<16xf32>,
        tpu.vector_store_idx %arg6[%add3A_205], %gather3A_209 {add = true} : memref<40960xf32, #tpu.memory_space<vmem>>[vector<16xi32>], vector<16xf32>,
        tpu.vector_store_idx %arg6[%add3A_206], %gather3A_210 {add = true} : memref<40960xf32, #tpu.memory_space<vmem>>[vector<16xi32>], vector<16xf32>,
        %add3A_211 = arith.constant 96 : i32
        %add3A_212 = arith.addi %add3A_80, %add3A_211 : i32
        %get3A_213 = arith.constant 0 : i32
        %get3A_214 = arith.index_cast %get3A_213 : i32 to index
        %get3A_215 = arith.index_cast %add3A_212 : i32 to index
        %get3A_216 = tpu.vector_load %arg8[%get3A_214, %get3A_215] {strides = array<i32>} : memref<2x4096xi32, #tpu.memory_space<vmem>>, vector<16xi32>,
        %add3A_217 = arith.constant 96 : i32
        %add3A_218 = arith.addi %add3A_80, %add3A_217 : i32
        %get3A_219 = arith.constant 1 : i32
        %get3A_220 = arith.index_cast %get3A_219 : i32 to index
        %get3A_221 = arith.index_cast %add3A_218 : i32 to index
        %get3A_222 = tpu.vector_load %arg8[%get3A_220, %get3A_221] {strides = array<i32>} : memref<2x4096xi32, #tpu.memory_space<vmem>>, vector<16xi32>,
        %add3A_223 = arith.addi %get3A_216, %broadcast_in_dim3A_13 : vector<16xi32>
        %add3A_224 = arith.addi %get3A_216, %broadcast_in_dim3A_15 : vector<16xi32>
        %add3A_225 = arith.addi %get3A_216, %broadcast_in_dim3A_17 : vector<16xi32>
        %add3A_226 = arith.addi %get3A_222, %broadcast_in_dim3A_13 : vector<16xi32>
        %add3A_227 = arith.addi %get3A_222, %broadcast_in_dim3A_15 : vector<16xi32>
        %add3A_228 = arith.addi %get3A_222, %broadcast_in_dim3A_17 : vector<16xi32>
        %gather3A_229 = tpu.vector_load_idx %arg5[%get3A_216] : memref<40960xf32, #tpu.memory_space<vmem>>[vector<16xi32>], vector<16xf32>,
        %gather3A_230 = tpu.vector_load_idx %arg5[%add3A_223] : memref<40960xf32, #tpu.memory_space<vmem>>[vector<16xi32>], vector<16xf32>,
        %gather3A_231 = tpu.vector_load_idx %arg5[%add3A_224] : memref<40960xf32, #tpu.memory_space<vmem>>[vector<16xi32>], vector<16xf32>,
        %gather3A_232 = tpu.vector_load_idx %arg5[%add3A_225] : memref<40960xf32, #tpu.memory_space<vmem>>[vector<16xi32>], vector<16xf32>,
        tpu.vector_store_idx %arg6[%get3A_222], %gather3A_229 {add = true} : memref<40960xf32, #tpu.memory_space<vmem>>[vector<16xi32>], vector<16xf32>,
        tpu.vector_store_idx %arg6[%add3A_226], %gather3A_230 {add = true} : memref<40960xf32, #tpu.memory_space<vmem>>[vector<16xi32>], vector<16xf32>,
        tpu.vector_store_idx %arg6[%add3A_227], %gather3A_231 {add = true} : memref<40960xf32, #tpu.memory_space<vmem>>[vector<16xi32>], vector<16xf32>,
        tpu.vector_store_idx %arg6[%add3A_228], %gather3A_232 {add = true} : memref<40960xf32, #tpu.memory_space<vmem>>[vector<16xi32>], vector<16xf32>,
        %add3A_233 = arith.constant 112 : i32
        %add3A_234 = arith.addi %add3A_80, %add3A_233 : i32
        %get3A_235 = arith.constant 0 : i32
        %get3A_236 = arith.index_cast %get3A_235 : i32 to index
        %get3A_237 = arith.index_cast %add3A_234 : i32 to index
        %get3A_238 = tpu.vector_load %arg8[%get3A_236, %get3A_237] {strides = array<i32>} : memref<2x4096xi32, #tpu.memory_space<vmem>>, vector<16xi32>,
        %add3A_239 = arith.constant 112 : i32
        %add3A_240 = arith.addi %add3A_80, %add3A_239 : i32
        %get3A_241 = arith.constant 1 : i32
        %get3A_242 = arith.index_cast %get3A_241 : i32 to index
        %get3A_243 = arith.index_cast %add3A_240 : i32 to index
        %get3A_244 = tpu.vector_load %arg8[%get3A_242, %get3A_243] {strides = array<i32>} : memref<2x4096xi32, #tpu.memory_space<vmem>>, vector<16xi32>,
        %add3A_245 = arith.addi %get3A_238, %broadcast_in_dim3A_13 : vector<16xi32>
        %add3A_246 = arith.addi %get3A_238, %broadcast_in_dim3A_15 : vector<16xi32>
        %add3A_247 = arith.addi %get3A_238, %broadcast_in_dim3A_17 : vector<16xi32>
        %add3A_248 = arith.addi %get3A_244, %broadcast_in_dim3A_13 : vector<16xi32>
        %add3A_249 = arith.addi %get3A_244, %broadcast_in_dim3A_15 : vector<16xi32>
        %add3A_250 = arith.addi %get3A_244, %broadcast_in_dim3A_17 : vector<16xi32>
        %gather3A_251 = tpu.vector_load_idx %arg5[%get3A_238] : memref<40960xf32, #tpu.memory_space<vmem>>[vector<16xi32>], vector<16xf32>,
        %gather3A_252 = tpu.vector_load_idx %arg5[%add3A_245] : memref<40960xf32, #tpu.memory_space<vmem>>[vector<16xi32>], vector<16xf32>,
        %gather3A_253 = tpu.vector_load_idx %arg5[%add3A_246] : memref<40960xf32, #tpu.memory_space<vmem>>[vector<16xi32>], vector<16xf32>,
        %gather3A_254 = tpu.vector_load_idx %arg5[%add3A_247] : memref<40960xf32, #tpu.memory_space<vmem>>[vector<16xi32>], vector<16xf32>,
        tpu.vector_store_idx %arg6[%get3A_244], %gather3A_251 {add = true} : memref<40960xf32, #tpu.memory_space<vmem>>[vector<16xi32>], vector<16xf32>,
        tpu.vector_store_idx %arg6[%add3A_248], %gather3A_252 {add = true} : memref<40960xf32, #tpu.memory_space<vmem>>[vector<16xi32>], vector<16xf32>,
        tpu.vector_store_idx %arg6[%add3A_249], %gather3A_253 {add = true} : memref<40960xf32, #tpu.memory_space<vmem>>[vector<16xi32>], vector<16xf32>,
        tpu.vector_store_idx %arg6[%add3A_250], %gather3A_254 {add = true} : memref<40960xf32, #tpu.memory_space<vmem>>[vector<16xi32>], vector<16xf32>,
      }
      %scan3A_75 = arith.constant 32 : i32
    }
    %scan3A_22 = arith.constant 40 : i32
    %mul3A_23 = arith.constant 4 : i32
    %mul3A_24 = arith.muli %add3A, %mul3A_23 : i32
    %mul3A_25 = arith.constant 10240 : i32
    %mul3A_26 = arith.muli %mul3A_24, %mul3A_25 : i32
    "tpu.region"() ({
      %run_scoped3A = tpu.sem_alloc : memref<!tpu.dma_semaphore, #tpu.memory_space<semaphore_mem>>
      %dma_start3A_27 = tpu.memref_slice %arg4[%mul3A_26] : memref<1310720xf32, #tpu.memory_space<hbm>> -> memref<40960xf32, #tpu.memory_space<hbm>>
      %dma_start3A_28 = tpu.memref_slice %arg4[%mul3A_26] : memref<1310720xf32, #tpu.memory_space<hbm>> -> memref<40960xf32, #tpu.memory_space<hbm>>
      tpu.enqueue_dma source(%arg6 : memref<40960xf32, #tpu.memory_space<vmem>>) target(%dma_start3A_28 : memref<40960xf32, #tpu.memory_space<hbm>>) target_semaphore(%run_scoped3A : memref<!tpu.dma_semaphore, #tpu.memory_space<semaphore_mem>>)
      %dma_wait3A_29 = tpu.memref_slice %arg4[%mul3A_26] : memref<1310720xf32, #tpu.memory_space<hbm>> -> memref<40960xf32, #tpu.memory_space<hbm>>
      %dma_wait3A_30 = tpu.memref_slice %arg4[%mul3A_26] : memref<1310720xf32, #tpu.memory_space<hbm>> -> memref<40960xf32, #tpu.memory_space<hbm>>
      tpu.wait_dma2 semaphore(%run_scoped3A : memref<!tpu.dma_semaphore, #tpu.memory_space<semaphore_mem>>) src(%arg6 : memref<40960xf32, #tpu.memory_space<vmem>>) dst(%dma_wait3A_30 : memref<40960xf32, #tpu.memory_space<hbm>>)
      tpu.yield
    }) : () -> ()
    return
  }
}

module attributes {stable_mosaic.version = 14 : i64} {
  func.func @_tc1_body(%arg0: i32, %arg1: memref<1024x128xf32, #tpu.memory_space<vmem>>, %arg2: memref<128x128xf32, #tpu.memory_space<vmem>>, %arg3: memref<1x1024xf32, #tpu.memory_space<vmem>>, %arg4: memref<1x1024xf32, #tpu.memory_space<vmem>>, %arg5: memref<128x1024xf32, #tpu.memory_space<vmem>>, %arg6: memref<1x1024xf32, #tpu.memory_space<vmem>>) attributes {dimension_semantics = [#tpu.dimension_semantics<arbitrary>], iteration_bounds = array<i64: 10>, scalar_prefetch = 0 : i64, scratch_operands = 0 : i64, tpu.core_type = #tpu.core_type<tc>, window_params = [{transform_indices = @transform_0, window_bounds = array<i64: 1024, 128>}, {pipeline_mode = #tpu.pipeline_mode<synchronous>, transform_indices = @transform_1, window_bounds = array<i64: 128, 128>}, {transform_indices = @transform_2, window_bounds = array<i64: 1, 1024>}, {transform_indices = @transform_3, window_bounds = array<i64: 1, 1024>}, {transform_indices = @transform_4, window_bounds = array<i64: 128, 1024>}, {transform_indices = @transform_5, window_bounds = array<i64: 1, 1024>}]} {
    %get3A = arith.constant 0 : index
    %get3A_0 = arith.constant 0 : index
    %get3A_1 = vector.load %arg3[%get3A, %get3A_0] : memref<1x1024xf32, #tpu.memory_space<vmem>>, vector<1x1024xf32>
    %get3A_2 = arith.constant 0 : index
    %get3A_3 = arith.constant 0 : index
    %get3A_4 = vector.load %arg4[%get3A_2, %get3A_3] : memref<1x1024xf32, #tpu.memory_space<vmem>>, vector<1x1024xf32>
    %add3A = arith.addf %get3A_1, %get3A_4 : vector<1x1024xf32>
    %add3A_5 = arith.constant 1.000000e+00 : f32
    %add3A_6 = vector.broadcast %add3A_5 : f32 to vector<1x1024xf32>
    %add3A_7 = arith.addf %add3A, %add3A_6 : vector<1x1024xf32>
    %rsqrt3A = math.rsqrt %add3A_7 : vector<1x1024xf32>
    %get3A_8 = arith.constant 0 : index
    %get3A_9 = arith.constant 0 : index
    %get3A_10 = vector.load %arg2[%get3A_8, %get3A_9] : memref<128x128xf32, #tpu.memory_space<vmem>>, vector<128x128xf32>
    %get3A_11 = arith.constant 0 : index
    %get3A_12 = arith.constant 0 : index
    %get3A_13 = vector.load %arg1[%get3A_11, %get3A_12] : memref<1024x128xf32, #tpu.memory_space<vmem>>, vector<1024x128xf32>
    %dot_general3A = arith.constant dense<0.000000e+00> : vector<128x1024xf32>
    %dot_general3A_14 = tpu.matmul %get3A_10, %get3A_13, %dot_general3A {dimension_numbers = #tpu.dot_dimension_numbers<[0], [1], [1], [0], [0, 1, 1, 0], [], []>, transpose_lhs_hint = false} : vector<128x128xf32>, vector<1024x128xf32>, vector<128x1024xf32> -> vector<128x1024xf32>
    %mul3A = vector.broadcast %rsqrt3A : vector<1x1024xf32> to vector<128x1024xf32>
    %mul3A_15 = arith.mulf %dot_general3A_14, %mul3A : vector<128x1024xf32>
    %swap3A = arith.constant 0 : index
    %swap3A_16 = arith.constant 0 : index
    %swap3A_17 = vector.load %arg5[%swap3A, %swap3A_16] : memref<128x1024xf32, #tpu.memory_space<vmem>>, vector<128x1024xf32>
    tpu.vector_store %arg5[%swap3A, %swap3A_16], %mul3A_15 {strides = array<i32>} : memref<128x1024xf32, #tpu.memory_space<vmem>>, vector<128x1024xf32>,
    %swap3A_18 = arith.constant 0 : index
    %swap3A_19 = arith.constant 0 : index
    %swap3A_20 = vector.load %arg6[%swap3A_18, %swap3A_19] : memref<1x1024xf32, #tpu.memory_space<vmem>>, vector<1x1024xf32>
    tpu.vector_store %arg6[%swap3A_18, %swap3A_19], %rsqrt3A {strides = array<i32>} : memref<1x1024xf32, #tpu.memory_space<vmem>>, vector<1x1024xf32>,
    return
  }
  func.func @transform_0(%arg0: i32) -> (i32, i32) {
    %c0_i32 = arith.constant 0 : i32
    %c0_i32_0 = arith.constant 0 : i32
    return %arg0, %c0_i32 : i32, i32
  }
  func.func @transform_1(%arg0: i32) -> (i32, i32) {
    %c0_i32 = arith.constant 0 : i32
    %c0_i32_0 = arith.constant 0 : i32
    %c0_i32_1 = arith.constant 0 : i32
    return %c0_i32, %c0_i32_0 : i32, i32
  }
  func.func @transform_2(%arg0: i32) -> (i32, i32) {
    %c0_i32 = arith.constant 0 : i32
    %c0_i32_0 = arith.constant 0 : i32
    return %c0_i32, %arg0 : i32, i32
  }
  func.func @transform_3(%arg0: i32) -> (i32, i32) {
    %c0_i32 = arith.constant 0 : i32
    %c0_i32_0 = arith.constant 0 : i32
    return %c0_i32, %arg0 : i32, i32
  }
  func.func @transform_4(%arg0: i32) -> (i32, i32) {
    %c0_i32 = arith.constant 0 : i32
    %c0_i32_0 = arith.constant 0 : i32
    return %c0_i32, %arg0 : i32, i32
  }
  func.func @transform_5(%arg0: i32) -> (i32, i32) {
    %c0_i32 = arith.constant 0 : i32
    %c0_i32_0 = arith.constant 0 : i32
    return %c0_i32, %arg0 : i32, i32
  }
}

module attributes {stable_mosaic.version = 14 : i64} {
  func.func @_tc2_body(%arg0: i32, %arg1: memref<128x1024xf32, #tpu.memory_space<vmem>>, %arg2: memref<128x1024xf32, #tpu.memory_space<vmem>>, %arg3: memref<1x1024xf32, #tpu.memory_space<vmem>>, %arg4: memref<128x128xf32, #tpu.memory_space<vmem>>, %arg5: memref<128x1xf32, #tpu.memory_space<vmem>>, %arg6: memref<128x1024xf32, #tpu.memory_space<vmem>>) attributes {dimension_semantics = [#tpu.dimension_semantics<arbitrary>], iteration_bounds = array<i64: 10>, scalar_prefetch = 0 : i64, scratch_operands = 0 : i64, tpu.core_type = #tpu.core_type<tc>, window_params = [{transform_indices = @transform_0, window_bounds = array<i64: 128, 1024>}, {transform_indices = @transform_1, window_bounds = array<i64: 128, 1024>}, {transform_indices = @transform_2, window_bounds = array<i64: 1, 1024>}, {pipeline_mode = #tpu.pipeline_mode<synchronous>, transform_indices = @transform_3, window_bounds = array<i64: 128, 128>}, {pipeline_mode = #tpu.pipeline_mode<synchronous>, transform_indices = @transform_4, window_bounds = array<i64: 128, 1>}, {transform_indices = @transform_5, window_bounds = array<i64: 128, 1024>}]} {
    %get3A = arith.constant 0 : index
    %get3A_0 = arith.constant 0 : index
    %get3A_1 = vector.load %arg3[%get3A, %get3A_0] : memref<1x1024xf32, #tpu.memory_space<vmem>>, vector<1x1024xf32>
    %get3A_2 = arith.constant 0 : index
    %get3A_3 = arith.constant 0 : index
    %get3A_4 = vector.load %arg1[%get3A_2, %get3A_3] : memref<128x1024xf32, #tpu.memory_space<vmem>>, vector<128x1024xf32>
    %get3A_5 = arith.constant 0 : index
    %get3A_6 = arith.constant 0 : index
    %get3A_7 = vector.load %arg2[%get3A_5, %get3A_6] : memref<128x1024xf32, #tpu.memory_space<vmem>>, vector<128x1024xf32>
    %add3A = arith.addf %get3A_4, %get3A_7 : vector<128x1024xf32>
    %mul3A = vector.broadcast %get3A_1 : vector<1x1024xf32> to vector<128x1024xf32>
    %mul3A_8 = arith.mulf %add3A, %mul3A : vector<128x1024xf32>
    %get3A_9 = arith.constant 0 : index
    %get3A_10 = arith.constant 0 : index
    %get3A_11 = vector.load %arg5[%get3A_9, %get3A_10] : memref<128x1xf32, #tpu.memory_space<vmem>>, vector<128x1xf32>
    %add3A_12 = vector.broadcast %get3A_11 : vector<128x1xf32> to vector<128x1024xf32>
    %add3A_13 = arith.addf %mul3A_8, %add3A_12 : vector<128x1024xf32>
    %gt3A = arith.constant 0.000000e+00 : f32
    %gt3A_14 = vector.broadcast %gt3A : f32 to vector<128x1024xf32>
    %gt3A_15 = arith.cmpf ogt, %add3A_13, %gt3A_14 : vector<128x1024xf32>
    %min3A = arith.constant 0.000000e+00 : f32
    %min3A_16 = vector.broadcast %min3A : f32 to vector<128x1024xf32>
    %min3A_17 = arith.minimumf %add3A_13, %min3A_16 : vector<128x1024xf32>
    %exp3A = math.exp %min3A_17 : vector<128x1024xf32>
    %sub3A = arith.constant 1.000000e+00 : f32
    %sub3A_18 = vector.broadcast %sub3A : f32 to vector<128x1024xf32>
    %sub3A_19 = arith.subf %exp3A, %sub3A_18 : vector<128x1024xf32>
    %select_n3A = arith.select %gt3A_15, %add3A_13, %sub3A_19 : vector<128x1024xi1>, vector<128x1024xf32>
    %get3A_20 = arith.constant 0 : index
    %get3A_21 = arith.constant 0 : index
    %get3A_22 = vector.load %arg4[%get3A_20, %get3A_21] : memref<128x128xf32, #tpu.memory_space<vmem>>, vector<128x128xf32>
    %dot_general3A = arith.constant dense<0.000000e+00> : vector<128x1024xf32>
    %dot_general3A_23 = tpu.matmul %get3A_22, %select_n3A, %dot_general3A {dimension_numbers = #tpu.dot_dimension_numbers<[0], [0], [1], [1], [0, 1, 1, 1], [], []>, transpose_lhs_hint = false} : vector<128x128xf32>, vector<128x1024xf32>, vector<128x1024xf32> -> vector<128x1024xf32>
    %mul3A_24 = vector.broadcast %get3A_1 : vector<1x1024xf32> to vector<128x1024xf32>
    %mul3A_25 = arith.mulf %dot_general3A_23, %mul3A_24 : vector<128x1024xf32>
    %swap3A = arith.constant 0 : index
    %swap3A_26 = arith.constant 0 : index
    %swap3A_27 = vector.load %arg6[%swap3A, %swap3A_26] : memref<128x1024xf32, #tpu.memory_space<vmem>>, vector<128x1024xf32>
    tpu.vector_store %arg6[%swap3A, %swap3A_26], %mul3A_25 {strides = array<i32>} : memref<128x1024xf32, #tpu.memory_space<vmem>>, vector<128x1024xf32>,
    return
  }
  func.func @transform_0(%arg0: i32) -> (i32, i32) {
    %c0_i32 = arith.constant 0 : i32
    %c0_i32_0 = arith.constant 0 : i32
    return %c0_i32, %arg0 : i32, i32
  }
  func.func @transform_1(%arg0: i32) -> (i32, i32) {
    %c0_i32 = arith.constant 0 : i32
    %c0_i32_0 = arith.constant 0 : i32
    return %c0_i32, %arg0 : i32, i32
  }
  func.func @transform_2(%arg0: i32) -> (i32, i32) {
    %c0_i32 = arith.constant 0 : i32
    %c0_i32_0 = arith.constant 0 : i32
    return %c0_i32, %arg0 : i32, i32
  }
  func.func @transform_3(%arg0: i32) -> (i32, i32) {
    %c0_i32 = arith.constant 0 : i32
    %c0_i32_0 = arith.constant 0 : i32
    %c0_i32_1 = arith.constant 0 : i32
    return %c0_i32, %c0_i32_0 : i32, i32
  }
  func.func @transform_4(%arg0: i32) -> (i32, i32) {
    %c0_i32 = arith.constant 0 : i32
    %c0_i32_0 = arith.constant 0 : i32
    %c0_i32_1 = arith.constant 0 : i32
    return %c0_i32, %c0_i32_0 : i32, i32
  }
  func.func @transform_5(%arg0: i32) -> (i32, i32) {
    %c0_i32 = arith.constant 0 : i32
    %c0_i32_0 = arith.constant 0 : i32
    return %c0_i32, %arg0 : i32, i32
  }
}

module attributes {stable_mosaic.version = 14 : i64} {
  func.func @_tc3_body(%arg0: i32, %arg1: memref<128x1024xf32, #tpu.memory_space<vmem>>, %arg2: memref<128x1024xf32, #tpu.memory_space<vmem>>, %arg3: memref<1x1024xf32, #tpu.memory_space<vmem>>, %arg4: memref<128x1xf32, #tpu.memory_space<vmem>>, %arg5: memref<128x1024xf32, #tpu.memory_space<vmem>>) attributes {dimension_semantics = [#tpu.dimension_semantics<arbitrary>], iteration_bounds = array<i64: 10>, scalar_prefetch = 0 : i64, scratch_operands = 0 : i64, tpu.core_type = #tpu.core_type<tc>, window_params = [{transform_indices = @transform_0, window_bounds = array<i64: 128, 1024>}, {transform_indices = @transform_1, window_bounds = array<i64: 128, 1024>}, {transform_indices = @transform_2, window_bounds = array<i64: 1, 1024>}, {pipeline_mode = #tpu.pipeline_mode<synchronous>, transform_indices = @transform_3, window_bounds = array<i64: 128, 1>}, {transform_indices = @transform_4, window_bounds = array<i64: 128, 1024>}]} {
    %get3A = arith.constant 0 : index
    %get3A_0 = arith.constant 0 : index
    %get3A_1 = vector.load %arg1[%get3A, %get3A_0] : memref<128x1024xf32, #tpu.memory_space<vmem>>, vector<128x1024xf32>
    %get3A_2 = arith.constant 0 : index
    %get3A_3 = arith.constant 0 : index
    %get3A_4 = vector.load %arg2[%get3A_2, %get3A_3] : memref<128x1024xf32, #tpu.memory_space<vmem>>, vector<128x1024xf32>
    %add3A = arith.addf %get3A_1, %get3A_4 : vector<128x1024xf32>
    %get3A_5 = arith.constant 0 : index
    %get3A_6 = arith.constant 0 : index
    %get3A_7 = vector.load %arg3[%get3A_5, %get3A_6] : memref<1x1024xf32, #tpu.memory_space<vmem>>, vector<1x1024xf32>
    %mul3A = vector.broadcast %get3A_7 : vector<1x1024xf32> to vector<128x1024xf32>
    %mul3A_8 = arith.mulf %add3A, %mul3A : vector<128x1024xf32>
    %get3A_9 = arith.constant 0 : index
    %get3A_10 = arith.constant 0 : index
    %get3A_11 = vector.load %arg4[%get3A_9, %get3A_10] : memref<128x1xf32, #tpu.memory_space<vmem>>, vector<128x1xf32>
    %add3A_12 = vector.broadcast %get3A_11 : vector<128x1xf32> to vector<128x1024xf32>
    %add3A_13 = arith.addf %mul3A_8, %add3A_12 : vector<128x1024xf32>
    %logistic3A = arith.negf %add3A_13 : vector<128x1024xf32>
    %logistic3A_14 = math.exp %logistic3A : vector<128x1024xf32>
    %logistic3A_15 = arith.constant 1.000000e+00 : f32
    %logistic3A_16 = vector.broadcast %logistic3A_15 : f32 to vector<128x1024xf32>
    %logistic3A_17 = arith.addf %logistic3A_16, %logistic3A_14 : vector<128x1024xf32>
    %logistic3A_18 = arith.divf %logistic3A_16, %logistic3A_17 : vector<128x1024xf32>
    %swap3A = arith.constant 0 : index
    %swap3A_19 = arith.constant 0 : index
    %swap3A_20 = vector.load %arg5[%swap3A, %swap3A_19] : memref<128x1024xf32, #tpu.memory_space<vmem>>, vector<128x1024xf32>
    tpu.vector_store %arg5[%swap3A, %swap3A_19], %logistic3A_18 {strides = array<i32>} : memref<128x1024xf32, #tpu.memory_space<vmem>>, vector<128x1024xf32>,
    return
  }
  func.func @transform_0(%arg0: i32) -> (i32, i32) {
    %c0_i32 = arith.constant 0 : i32
    %c0_i32_0 = arith.constant 0 : i32
    return %c0_i32, %arg0 : i32, i32
  }
  func.func @transform_1(%arg0: i32) -> (i32, i32) {
    %c0_i32 = arith.constant 0 : i32
    %c0_i32_0 = arith.constant 0 : i32
    return %c0_i32, %arg0 : i32, i32
  }
  func.func @transform_2(%arg0: i32) -> (i32, i32) {
    %c0_i32 = arith.constant 0 : i32
    %c0_i32_0 = arith.constant 0 : i32
    return %c0_i32, %arg0 : i32, i32
  }
  func.func @transform_3(%arg0: i32) -> (i32, i32) {
    %c0_i32 = arith.constant 0 : i32
    %c0_i32_0 = arith.constant 0 : i32
    %c0_i32_1 = arith.constant 0 : i32
    return %c0_i32, %c0_i32_0 : i32, i32
  }
  func.func @transform_4(%arg0: i32) -> (i32, i32) {
    %c0_i32 = arith.constant 0 : i32
    %c0_i32_0 = arith.constant 0 : i32
    return %c0_i32, %arg0 : i32, i32
  }
}

</mosaic_0001>

<sc_bundles>
// kernel: kernel.11.cloned.1.call-start
scs
__scs_entry_jumppad:
0x0: {  	(pc) =	sbr.rel $0x88, $3  }
0x1: {  	(tag) =	ssettag $0x0;
	lr =	simm.s32 $0x1  }
0x2: {  	[smem:$0x3F9B] =	sst lr;
	_ =	strace $0xD0000000  }
0x3: {  	_ = 	snop  }
0x4: {  	_ = 	snop  }
0x5: {  	_ = 	snop  }
0x6: {  	_ = 	snop  }
0x7: {  	_ = 	snop  }
__scs_overlays_trampoline_lowered:
0x8: {  	[smem:$0x3FAA] =	sst s0  }
0x9: {  	[smem:$0x3FAB] =	sst s1  }
0xa: {  	[smem:$0x3FAC] =	sst s2  }
0xb: {  	[smem:$0x3FAD] =	sst s3  }
0xc: {  	[smem:$0x3FAE] =	sst s4  }
0xd: {  	[smem:$0x3FAF] =	sst s5  }
0xe: {  	[smem:$0x3FB0] =	sst s6  }
0xf: {  	[smem:$0x3FB1] =	sst s7  }
0x10: {  	[smem:$0x3FB2] =	sst s8  }
0x11: {  	[smem:$0x3FB3] =	sst s9;
	s0 =	simm.s32 @!p0 $0x0  }
0x12: {  	s1 =	sld [smem:$0x3F99];
	s0 =	simm.s32 @p0 $0x1  }
0x13: {  	[smem:$0x3FB4] =	sst s0;
	s0 =	simm.s32 @!p1 $0x0  }
0x14: {  	s2 =	sld [smem:$0x3F98];
	s0 =	simm.s32 @p1 $0x1  }
0x15: {  	[smem:$0x3FB5] =	sst s0;
	s0 =	simm.s32 @!p2 $0x0  }
0x16: {  	s3 =	sld [smem:$0x3FDB];
	s0 =	simm.s32 @p2 $0x1  }
0x17: {  	s4 =	simm.s32 $0x1BF5;
	[smem:$0x3FB7] =	sst s0  }
0x18: {  	s0 =	sld [smem:$0x3F9A];
	_ =	swait.ge [sflag:s4], $0x0  }
0x19: {  	s7 =	sld [smem:$0x3F9B]  }
0x1a: {  	s8 =	sadd.s32 $0xFFFFE003, lr  }
0x1b: {  	s9 =	sadd.s32 $0xFFFFFEF7, lr;
	s5 =	simm.s32 $0xFFFFFFFF;
	p2 =	slt.u32 s8, $0xFFFFF086  }
0x1c: {  	p1 =	slt.u32 s9, $0xF7A;
	s5 =	simm.s32 @!p2 $0x0  }
0x1d: {  	s5 =	simm.s32 @p1 $0x1;
	p0 =	seq.s32 s7, s2  }
0x1e: {  	s7 =	smul.u32 @!p0 $0xF7A, s2;
	p2 =	seq.s32 @!p0 s5, $0x0  }
0x1f: {  	s9 =	smul.u32 $0xF7A, s1;
	s8 =	simm.s32 @!p0 $0x1BF5;
	p2 =	por !p2, p0  }
0x20: {  	[sflag:s8] =	ssyncset.s32 @!p0 $0xFFFFF086;
	s6 =	sadd.s32 @!p0 s3, s7;
	s7 =	simm.s32 @!p0 $0x108  }
0x21: {  	s3 =	sadd.s32 s3, s9;
	s6 =	sadd.s32 @!p0 $0x88, s6;
	s7 =	simm.s32 @p2 $0x1082  }
0x22: {  	[simem:s7], [sflag:s8] =	dma.local @!p0 [hbm:s6], $0xF7A  }
0x23: {  	s9 =	sor.u32 $0xD0000000, s2;
	s6 =	simm.s32 $0x108;
	_ =	swait.ge @!p0 [sflag:s8], $0x0  }
0x24: {  	s3 =	sadd.s32 $0x88, s3;
	s6 =	simm.s32 @!p1 $0x1082;
	[sflag:s4] =	ssyncset.s32 $0xFFFFF086  }
0x25: {  	[simem:s6], [sflag:s4] =	dma.local [hbm:s3], $0xF7A  }
0x26: {  	[smem:$0x3F9B] =	sst s1;
	(tag) =	ssettag s2;
	_ =	strace s9  }
0x27: {  	s1 =	sld [smem:$0x3FAB]  }
0x28: {  	s2 =	sld [smem:$0x3FAC]  }
0x29: {  	s4 =	sld [smem:$0x3FAE]  }
0x2a: {  	p0 =	seq.s32 s5, $0x0;
	s5 =	sld [smem:$0x3FAF]  }
0x2b: {  	s6 =	sld [smem:$0x3FB0]  }
0x2c: {  	s7 =	sld [smem:$0x3FB1]  }
0x2d: {  	s3 =	simm.s32 $0x108;
	s8 =	sld [smem:$0x3FB2]  }
0x2e: {  	s3 =	simm.s32 @!p0 $0x1082;
	s9 =	sld [smem:$0x3FB3]  }
0x2f: {  	lr =	sadd.s32 s0, s3;
	s0 =	sld [smem:$0x3FAA]  }
0x30: {  	s3 =	sld [smem:$0x3FAD]  }
0x31: {  	[smem:$0x3FB6] =	sst s10  }
0x32: {  	s10 =	sld [smem:$0x3FB4];
	_ =	sdelay $0x3  }
0x33: {  	p0 =	seq.s32 s10, $0x1;
	s10 =	sld [smem:$0x3FB6];
	_ =	sdelay $0x3  }
0x34: {  	[smem:$0x3FB6] =	sst s10  }
0x35: {  	s10 =	sld [smem:$0x3FB5];
	_ =	sdelay $0x3  }
0x36: {  	p1 =	seq.s32 s10, $0x1;
	s10 =	sld [smem:$0x3FB6];
	_ =	sdelay $0x3  }
0x37: {  	[smem:$0x3FB6] =	sst s10  }
0x38: {  	s10 =	sld [smem:$0x3FB7]  }
0x39: {  	_ = 	snop;
	(pc) =	sbr.ind lr, $3  }
0x3a: {  	_ = 	snop  }
0x3b: {  	_ = 	snop  }
0x3c: {  	p2 =	seq.s32 s10, $0x1;
	s10 =	sld [smem:$0x3FB6]  }
0x3d: {  	_ =	shalt  }
0x3e: {  	_ =	shalt  }
0x3f: {  	_ =	shalt  }
0x40: {  	_ =	shalt  }
0x41: {  	_ =	shalt  }
0x42: {  	_ =	shalt  }
0x43: {  	_ =	shalt  }
0x44: {  	_ =	shalt  }
0x45: {  	_ =	shalt  }
0x46: {  	_ =	shalt  }
0x47: {  	_ =	shalt  }
0x48: {  	_ =	shalt  }
0x49: {  	_ =	shalt  }
0x4a: {  	_ =	shalt  }
0x4b: {  	_ =	shalt  }
0x4c: {  	_ =	shalt  }
0x4d: {  	_ =	shalt  }
0x4e: {  	_ =	shalt  }
0x4f: {  	_ =	shalt  }
0x50: {  	_ =	shalt  }
0x51: {  	_ =	shalt  }
0x52: {  	_ =	shalt  }
0x53: {  	_ =	shalt  }
0x54: {  	_ =	shalt  }
0x55: {  	_ =	shalt  }
0x56: {  	_ =	shalt  }
0x57: {  	_ =	shalt  }
0x58: {  	_ =	shalt  }
0x59: {  	_ =	shalt  }
0x5a: {  	_ =	shalt  }
0x5b: {  	_ =	shalt  }
0x5c: {  	_ =	shalt  }
0x5d: {  	_ =	shalt  }
0x5e: {  	_ =	shalt  }
0x5f: {  	_ =	shalt  }
0x60: {  	_ =	shalt  }
0x61: {  	_ =	shalt  }
0x62: {  	_ =	shalt  }
0x63: {  	_ =	shalt  }
0x64: {  	_ =	shalt  }
0x65: {  	_ =	shalt  }
0x66: {  	_ =	shalt  }
0x67: {  	_ =	shalt  }
0x68: {  	_ =	shalt  }
0x69: {  	_ =	shalt  }
0x6a: {  	_ =	shalt  }
0x6b: {  	_ =	shalt  }
0x6c: {  	_ =	shalt  }
0x6d: {  	_ =	shalt  }
0x6e: {  	_ =	shalt  }
0x6f: {  	_ =	shalt  }
0x70: {  	_ =	shalt  }
0x71: {  	_ =	shalt  }
0x72: {  	_ =	shalt  }
0x73: {  	_ =	shalt  }
0x74: {  	_ =	shalt  }
0x75: {  	_ =	shalt  }
0x76: {  	_ =	shalt  }
0x77: {  	_ =	shalt  }
0x78: {  	_ =	shalt  }
0x79: {  	_ =	shalt  }
0x7a: {  	_ =	shalt  }
0x7b: {  	_ =	shalt  }
0x7c: {  	_ =	shalt  }
0x7d: {  	_ =	shalt  }
0x7e: {  	_ =	shalt  }
0x7f: {  	_ =	shalt  }
0x80: {  	_ =	shalt  }
0x81: {  	_ =	shalt  }
0x82: {  	_ =	shalt  }
0x83: {  	_ =	shalt  }
0x84: {  	_ =	shalt  }
0x85: {  	_ =	shalt  }
0x86: {  	_ =	shalt  }
0x87: {  	_ =	shalt  }
.Lfunc_end0:
.L_simem_size_0:
called_computation.1_lowered:
.L_overlay_start_0:
0x88: {  	s2 =	sld [smem:$0x3FD9]  }
0x89: {  	s3 =	sld [smem:$0x3FFE];
	_ =	sdelay $0x1  }
0x8a: {  	s1 =	srdreg.scid  }
0x8b: {  	s0 =	sand.u32 $0x1, s1  }
0x8c: {  	s17 =	sshll.u32 s0, $0xA;
	s2 =	sadd.s32 s3, s2  }
0x8d: {  	s2 =	sadd.s32 s2, s17  }
0x8e: {  	[smem:$0x3FC2] =	sst s2  }
0x8f: {  	_ = 	snop  }
0x90: {  	s2 =	sld [smem:$0x3FD0];
	(tm) =	ssettm $0x1  }
0x91: {  	s18 =	sld [smem:$0x3FFB];
	_ =	sdelay $0x3  }
0x92: {  	_ =	strace s18  }
0x93: {  	s3 =	sld [smem:$0x3FFC];
	_ =	sdelay $0x3  }
0x94: {  	_ =	strace s3  }
0x95: {  	s3 =	sld [smem:$0x3FFD];
	_ =	sdelay $0x3  }
0x96: {  	_ =	strace s3  }
0x97: {  	_ =	strace $0x8FFFFFFF  }
0x98: {  	s19 =	sld [smem:$0x3FDB];
	_ =	sdelay $0x1  }
0x99: {  	s4 =	simm.s32 $_scs_section_size  }
0x9a: {  	s5 =	simm.s32 $_size__tile_overlayer_lowered;
	s6 =	simm.s32 $_tile_overlayer_lowered  }
0x9b: {  	s22 =	simm.s32 $0x1BFF;
	s21 =	sshll.u32 s6, $0x1;
	s3 =	sadd.s32 s4, s19  }
0x9c: {  	s7 =	simm.s32 $0x0;
	s20 =	sshll.u32 s5, $0x1;
	s5 =	sadd.s32 s21, s3  }
0x9d: {  	[timem:s7], [sflag:s22] =	dma.local [hbm:s5], s20  }
0x9e: {  	_ =	swait.ge [sflag:s22], s20  }
0x9f: {  	s4 =	ssub.s32 $0x0, s20;
	[sflag:s22] =	ssyncset.done $0x0  }
0xa0: {  	[sflag:s22] =	ssyncadd.s32 s4;
	_ =	sdelay $0x1  }
0xa1: {  	s23 =	simm.s32 $0x1B8B  }
0xa2: {  	_ =	swait.ge [sflag:s23], $0x1  }
0xa3: {  	[sflag:s23] =	ssyncset.done $0x0  }
0xa4: {  	s25 =	simm.s32 $0x1B8E;
	s24 =	sld [smem:$0x3FFE];
	[sflag:s23] =	ssyncadd.s32 $0xFFFFFFFF  }
0xa5: {  	s26 =	simm.s32 $execute0_lowered;
	[smem:$0x3FD2] =	sst s25  }
0xa6: {  	s5 =	sshll.u32 s26, $0x1;
	_ =	strace $0x80000049;
	[dreg:$0x1] =	wrdreg $0xFFFFFFFF  }
0xa7: {  	s28 =	simm.s32 $_size_execute0_lowered;
	s3 =	sadd.s32 s3, s5;
	[dreg:$0x0] =	wrdreg $0x0  }
0xa8: {  	s5 =	sshll.u32 s28, $0x1;
	[dreg:$0x2] =	wrdreg s3  }
0xa9: {  	[dreg:$0x3] =	wrdreg s5  }
0xaa: {  	[dreg:$0x4] =	wrdreg $0xC0  }
0xab: {  	_ =	task [dreg:s7], $0x5FFFF  }
0xac: {  	[dreg:$0x1] =	wrdreg $0xFFFFFFFF  }
0xad: {  	[dreg:$0x0] =	wrdreg $0x60  }
0xae: {  	[dreg:$0x2] =	wrdreg s24  }
0xaf: {  	[dreg:$0x3] =	wrdreg s2  }
0xb0: {  	[dreg:$0x4] =	wrdreg $0x9  }
0xb1: {  	_ =	task.clear_ibuf [dreg:s7], $0x5FFFF;
	_ =	strace $0x90000049  }
0xb2: {  	s29 =	simm.s32 $0x9;
	_ =	strace $0x8000004B  }
0xb3: {  	_ =	swait.ge [sflag:s29], $0x1  }
0xb4: {  	[sflag:s29] =	ssyncadd.s32 $0xFFFFFFFF  }
0xb5: {  	_ =	strace $0x9000004B  }
0xb6: {  	_ =	sfence  }
0xb7: {  	s30 =	sld [smem:$0x0];
	_ =	sdelay $0x2  }
0xb8: {  	s31 =	sshll.u32 s1, $0xD;
	s1 =	sshrl.u32 s1, $0x2  }
0xb9: {  	s3 =	sand.u32 $0x4000, s31;
	s1 =	sadd.s32 s1, s30  }
0xba: {  	s0 =	sor.u32 s3, s0;
	s1 =	sshll.u32 s1, $0x11  }
0xbb: {  	s0 =	sor.u32 s1, s0  }
0xbc: {  	s0 =	sadd.s32 $0x8F2B, s0  }
0xbd: {  	[sflag:s0] =	ssyncadd.remote.s32 $0x1  }
0xbe: {  	_ =	sfence.sel $0xFFFF  }
0xbf: {  	[dreg:$0x0] =	wrdreg $0xFFFFFFFF;
	(pc) =	sbr.abs _section_cstart, $3  }
0xc0: {  	[dreg:$0x1] =	wrdreg $0xFFFFFFFF  }
0xc1: {  	_ =	task.clear_ibuf [dreg:s7], $0x2FFFF;
	_ =	strace $0x9FFFFFFF  }
0xc2: {  	(tm) =	ssettm $0x7FFFFFFF  }
0xc3: {  	_ =	shalt  }
tec
execute0_lowered:
.L_overlay_start_1:
0x0: {  	(tag) =	ssettag $0x1  }
0x1: {  	s0 =	srdreg.scid;
	s4 =	rddreg [dreg:$0x0]  }
0x2: {  	s2 =	rddreg [dreg:$0x1];
	s1 =	stileid.u32  }
0x3: {  	s8 =	simm.s32 $0x1;
	s9 =	simm.s32 $0x14000;
	s10 =	simm.s32 $0x16000  }
0x4: {  	s11 =	simm.s32 $0x2;
	s12 =	simm.s32 $0xA000;
	s5 =	sand.u32 $0x1, s0  }
0x5: {  	s13 =	simm.s32 $0x3;
	s14 =	simm.s32 $0x4;
	s3 =	sshll.u32 s5, $0x4  }
0x6: {  	s0 =	rddreg [dreg:$0x2];
	s5 =	ssub.s32 $0x2, s5;
	s6 =	sor.u32 s1, s3  }
0x7: {  	s3 =	simm.s32 $0x0;
	s7 =	sshrl.u32 s5, $0x1;
	s6 =	smul.u32 $0x1400, s6  }
0x8: {  	s15 =	simm.s32 $0x0;
	[smem:$0x7FF] =	sst s3;
	s7 =	ssub.s32 s5, s7  }
0x9: {  	s5 =	sadd.s32 $0x400, s2;
	_ =	strace $0x8000004A;
	s6 =	sadd.s32 s6, s4  }
0xa: {  	v0 =	vimm.f32 $0.0e+00;
	s7 =	smax.u32 s7, $0x1;
	s4 =	sadd.s32 $0x1400, s6;
	s6 =	sadd.s32 $0x29400, s6  }
.LBB2_1:
0xb: {  	[tilespmem:s3], [sflag:$0x1] =	stream.linear.gather [hbm4b:s4+s3], $0xA000, $0x38;
	[tilespmem:$0x18000] =	vst v63  }
0xc: {  	_ =	swait.ge [sflag:s8], $0xA000  }
0xd: {  	[sflag:s8] =	ssyncset.done $0x0  }
0xe: {  	s16 =	simm.s32 $0x40;
	s17 =	simm.s32 $0x0;
	[sflag:s8] =	ssyncadd.s32 $0xFFFF6000  }
.LBB2_2:
0xf: {  	p0 =	sne.s32 s16, $0x27FC0;
	[tilespmem:s17+$0xA000] =	vst v0;
	s17 =	smov.u32 s16;
	s16 =	sadd.s32 $0x40, s16  }
.Ltmp0:
0x10: {  	(pc) =	sbr.rel @p0 .LBB2_2-.Ltmp0, $2  }
0x11: {  	_ =	sdelay $0x2  }
0x12: {  	s17 =	sshra.s32 s17, $0x2  }
0x13: {  	[tilespmem:s17+$0xA000] =	vst v0;
	s16 =	simm.s32 $0x0;
	s17 =	simm.s32 $0x0  }
.LBB2_4:
0x14: {  	s18 =	sshll.u32 s17, $0xB  }
0x15: {  	s19 =	sadd.s32 s2, s18  }
0x16: {  	[tilespmem:s9], [sflag:$0x2] =	stream.linear.gather [hbm4b:s19+s16], $0x2000, $0x38;
	[tilespmem:$0x18000] =	vst v63  }
0x17: {  	s18 =	sadd.s32 s18, s5  }
0x18: {  	[tilespmem:s10], [sflag:$0x3] =	stream.linear.gather [hbm4b:s18+s16], $0x2000, $0x38;
	[tilespmem:$0x18000] =	vst v63  }
0x19: {  	_ =	swait.ge [sflag:s11], $0x2000  }
0x1a: {  	[sflag:s11] =	ssyncset.done $0x0  }
0x1b: {  	s18 =	simm.s32 $0x0;
	[sflag:s11] =	ssyncadd.s32 $0xFFFFE000  }
.LBB2_5:
0x1c: {  	s19 =	sshra.s32 s18, $0x2  }
0x1d: {  	v1 =	vld [tilespmem:s19+$0x14000];
	_ =	sdelay $0x4  }
0x1e: {  	v2 =	vld [tilespmem:s19+$0x14080];
	v3 =	vadd.s32 $0x2800, v1  }
0x1f: {  	v4 =	vadd.s32 $0x5000, v1  }
0x20: {  	v5 =	vadd.s32 $0x7800, v1;
	_ =	sdelay $0x1  }
0x21: {  	v1 =	vld.idx.msk [tilespmem:v1+s3+$0x0], $0xffff  }
0x22: {  	v6 =	vadd.s32 $0x2800, v2;
	v3 =	vld.idx.msk [tilespmem:v3+s3+$0x0], $0xffff  }
0x23: {  	v7 =	vadd.s32 $0x5000, v2;
	v4 =	vld.idx.msk [tilespmem:v4+s3+$0x0], $0xffff  }
0x24: {  	v8 =	vadd.s32 $0x7800, v2;
	v5 =	vld.idx.msk [tilespmem:v5+s3+$0x0], $0xffff;
	_ =	sdelay $0x1  }
0x25: {  	[tilespmem:v2+s12+$0x0] =	vst.idx.add.f32.msk $0xffff, v1  }
0x26: {  	[tilespmem:v6+s12+$0x0] =	vst.idx.add.f32.msk $0xffff, v3  }
0x27: {  	[tilespmem:v7+s12+$0x0] =	vst.idx.add.f32.msk $0xffff, v4  }
0x28: {  	[tilespmem:v8+s12+$0x0] =	vst.idx.add.f32.msk $0xffff, v5  }
0x29: {  	v1 =	vld [tilespmem:s19+$0x14010];
	_ =	sdelay $0x4  }
0x2a: {  	v2 =	vld [tilespmem:s19+$0x14090];
	v3 =	vadd.s32 $0x2800, v1  }
0x2b: {  	v29 =	vadd.s32 $0x5000, v1  }
0x2c: {  	v30 =	vadd.s32 $0x7800, v1;
	_ =	sdelay $0x1  }
0x2d: {  	v1 =	vld.idx.msk [tilespmem:v1+s3+$0x0], $0xffff  }
0x2e: {  	v31 =	vadd.s32 $0x2800, v2;
	v3 =	vld.idx.msk [tilespmem:v3+s3+$0x0], $0xffff  }
0x2f: {  	v32 =	vadd.s32 $0x5000, v2;
	v4 =	vld.idx.msk [tilespmem:v29+s3+$0x0], $0xffff  }
0x30: {  	v33 =	vadd.s32 $0x7800, v2;
	v5 =	vld.idx.msk [tilespmem:v30+s3+$0x0], $0xffff;
	_ =	sdelay $0x1  }
0x31: {  	[tilespmem:v2+s12+$0x0] =	vst.idx.add.f32.msk $0xffff, v1  }
0x32: {  	[tilespmem:v31+s12+$0x0] =	vst.idx.add.f32.msk $0xffff, v3  }
0x33: {  	[tilespmem:v32+s12+$0x0] =	vst.idx.add.f32.msk $0xffff, v4  }
0x34: {  	[tilespmem:v33+s12+$0x0] =	vst.idx.add.f32.msk $0xffff, v5  }
0x35: {  	v1 =	vld [tilespmem:s19+$0x14020];
	_ =	sdelay $0x4  }
0x36: {  	v2 =	vld [tilespmem:s19+$0x140A0];
	v3 =	vadd.s32 $0x2800, v1  }
0x37: {  	v34 =	vadd.s32 $0x5000, v1  }
0x38: {  	v35 =	vadd.s32 $0x7800, v1;
	_ =	sdelay $0x1  }
0x39: {  	v1 =	vld.idx.msk [tilespmem:v1+s3+$0x0], $0xffff  }
0x3a: {  	v36 =	vadd.s32 $0x2800, v2;
	v3 =	vld.idx.msk [tilespmem:v3+s3+$0x0], $0xffff  }
0x3b: {  	v37 =	vadd.s32 $0x5000, v2;
	v4 =	vld.idx.msk [tilespmem:v34+s3+$0x0], $0xffff  }
0x3c: {  	v38 =	vadd.s32 $0x7800, v2;
	v5 =	vld.idx.msk [tilespmem:v35+s3+$0x0], $0xffff;
	_ =	sdelay $0x1  }
0x3d: {  	[tilespmem:v2+s12+$0x0] =	vst.idx.add.f32.msk $0xffff, v1  }
0x3e: {  	[tilespmem:v36+s12+$0x0] =	vst.idx.add.f32.msk $0xffff, v3  }
0x3f: {  	[tilespmem:v37+s12+$0x0] =	vst.idx.add.f32.msk $0xffff, v4  }
0x40: {  	[tilespmem:v38+s12+$0x0] =	vst.idx.add.f32.msk $0xffff, v5  }
0x41: {  	v1 =	vld [tilespmem:s19+$0x14030];
	_ =	sdelay $0x4  }
0x42: {  	v2 =	vld [tilespmem:s19+$0x140B0];
	v3 =	vadd.s32 $0x2800, v1  }
0x43: {  	v39 =	vadd.s32 $0x5000, v1  }
0x44: {  	v40 =	vadd.s32 $0x7800, v1;
	_ =	sdelay $0x1  }
0x45: {  	v1 =	vld.idx.msk [tilespmem:v1+s3+$0x0], $0xffff  }
0x46: {  	v41 =	vadd.s32 $0x2800, v2;
	v3 =	vld.idx.msk [tilespmem:v3+s3+$0x0], $0xffff  }
0x47: {  	v42 =	vadd.s32 $0x5000, v2;
	v4 =	vld.idx.msk [tilespmem:v39+s3+$0x0], $0xffff  }
0x48: {  	v43 =	vadd.s32 $0x7800, v2;
	v5 =	vld.idx.msk [tilespmem:v40+s3+$0x0], $0xffff;
	_ =	sdelay $0x1  }
0x49: {  	[tilespmem:v2+s12+$0x0] =	vst.idx.add.f32.msk $0xffff, v1  }
0x4a: {  	[tilespmem:v41+s12+$0x0] =	vst.idx.add.f32.msk $0xffff, v3  }
0x4b: {  	[tilespmem:v42+s12+$0x0] =	vst.idx.add.f32.msk $0xffff, v4  }
0x4c: {  	[tilespmem:v43+s12+$0x0] =	vst.idx.add.f32.msk $0xffff, v5  }
0x4d: {  	v1 =	vld [tilespmem:s19+$0x14040];
	_ =	sdelay $0x4  }
0x4e: {  	v2 =	vld [tilespmem:s19+$0x140C0];
	v3 =	vadd.s32 $0x2800, v1  }
0x4f: {  	v44 =	vadd.s32 $0x5000, v1  }
0x50: {  	v45 =	vadd.s32 $0x7800, v1;
	_ =	sdelay $0x1  }
0x51: {  	v1 =	vld.idx.msk [tilespmem:v1+s3+$0x0], $0xffff  }
0x52: {  	v46 =	vadd.s32 $0x2800, v2;
	v3 =	vld.idx.msk [tilespmem:v3+s3+$0x0], $0xffff  }
0x53: {  	v47 =	vadd.s32 $0x5000, v2;
	v4 =	vld.idx.msk [tilespmem:v44+s3+$0x0], $0xffff  }
0x54: {  	v48 =	vadd.s32 $0x7800, v2;
	v5 =	vld.idx.msk [tilespmem:v45+s3+$0x0], $0xffff;
	_ =	sdelay $0x1  }
0x55: {  	[tilespmem:v2+s12+$0x0] =	vst.idx.add.f32.msk $0xffff, v1  }
0x56: {  	[tilespmem:v46+s12+$0x0] =	vst.idx.add.f32.msk $0xffff, v3  }
0x57: {  	[tilespmem:v47+s12+$0x0] =	vst.idx.add.f32.msk $0xffff, v4  }
0x58: {  	[tilespmem:v48+s12+$0x0] =	vst.idx.add.f32.msk $0xffff, v5  }
0x59: {  	v1 =	vld [tilespmem:s19+$0x14050];
	_ =	sdelay $0x4  }
0x5a: {  	v2 =	vld [tilespmem:s19+$0x140D0];
	v3 =	vadd.s32 $0x2800, v1  }
0x5b: {  	v49 =	vadd.s32 $0x5000, v1  }
0x5c: {  	v50 =	vadd.s32 $0x7800, v1;
	_ =	sdelay $0x1  }
0x5d: {  	v1 =	vld.idx.msk [tilespmem:v1+s3+$0x0], $0xffff  }
0x5e: {  	v51 =	vadd.s32 $0x2800, v2;
	v3 =	vld.idx.msk [tilespmem:v3+s3+$0x0], $0xffff  }
0x5f: {  	v52 =	vadd.s32 $0x5000, v2;
	v4 =	vld.idx.msk [tilespmem:v49+s3+$0x0], $0xffff  }
0x60: {  	v53 =	vadd.s32 $0x7800, v2;
	v5 =	vld.idx.msk [tilespmem:v50+s3+$0x0], $0xffff;
	_ =	sdelay $0x1  }
0x61: {  	[tilespmem:v2+s12+$0x0] =	vst.idx.add.f32.msk $0xffff, v1  }
0x62: {  	[tilespmem:v51+s12+$0x0] =	vst.idx.add.f32.msk $0xffff, v3  }
0x63: {  	[tilespmem:v52+s12+$0x0] =	vst.idx.add.f32.msk $0xffff, v4  }
0x64: {  	[tilespmem:v53+s12+$0x0] =	vst.idx.add.f32.msk $0xffff, v5  }
0x65: {  	v1 =	vld [tilespmem:s19+$0x14060];
	_ =	sdelay $0x4  }
0x66: {  	v2 =	vld [tilespmem:s19+$0x140E0];
	v3 =	vadd.s32 $0x2800, v1  }
0x67: {  	v54 =	vadd.s32 $0x5000, v1  }
0x68: {  	v55 =	vadd.s32 $0x7800, v1;
	_ =	sdelay $0x1  }
0x69: {  	v1 =	vld.idx.msk [tilespmem:v1+s3+$0x0], $0xffff  }
0x6a: {  	v56 =	vadd.s32 $0x2800, v2;
	v3 =	vld.idx.msk [tilespmem:v3+s3+$0x0], $0xffff  }
0x6b: {  	v57 =	vadd.s32 $0x5000, v2;
	v4 =	vld.idx.msk [tilespmem:v54+s3+$0x0], $0xffff  }
0x6c: {  	v58 =	vadd.s32 $0x7800, v2;
	v5 =	vld.idx.msk [tilespmem:v55+s3+$0x0], $0xffff;
	_ =	sdelay $0x1  }
0x6d: {  	[tilespmem:v2+s12+$0x0] =	vst.idx.add.f32.msk $0xffff, v1  }
0x6e: {  	[tilespmem:v56+s12+$0x0] =	vst.idx.add.f32.msk $0xffff, v3  }
0x6f: {  	[tilespmem:v57+s12+$0x0] =	vst.idx.add.f32.msk $0xffff, v4  }
0x70: {  	[tilespmem:v58+s12+$0x0] =	vst.idx.add.f32.msk $0xffff, v5  }
0x71: {  	v1 =	vld [tilespmem:s19+$0x14070];
	_ =	sdelay $0x4  }
0x72: {  	v2 =	vld [tilespmem:s19+$0x140F0];
	v3 =	vadd.s32 $0x2800, v1  }
0x73: {  	v59 =	vadd.s32 $0x5000, v1  }
0x74: {  	v60 =	vadd.s32 $0x7800, v1;
	_ =	sdelay $0x1  }
0x75: {  	v1 =	vld.idx.msk [tilespmem:v1+s3+$0x0], $0xffff  }
0x76: {  	v61 =	vadd.s32 $0x2800, v2;
	v3 =	vld.idx.msk [tilespmem:v3+s3+$0x0], $0xffff  }
0x77: {  	v62 =	vadd.s32 $0x5000, v2;
	v4 =	vld.idx.msk [tilespmem:v59+s3+$0x0], $0xffff  }
0x78: {  	p0 =	sne.s32 s18, $0x7C00;
	v63 =	vadd.s32 $0x7800, v2;
	v5 =	vld.idx.msk [tilespmem:v60+s3+$0x0], $0xffff  }
.Ltmp1:
0x79: {  	_ = 	snop;
	(pc) =	sbr.rel @p0 .LBB2_5-.Ltmp1, $4  }
0x7a: {  	[tilespmem:v2+s12+$0x0] =	vst.idx.add.f32.msk $0xffff, v1  }
0x7b: {  	[tilespmem:v61+s12+$0x0] =	vst.idx.add.f32.msk $0xffff, v3  }
0x7c: {  	[tilespmem:v62+s12+$0x0] =	vst.idx.add.f32.msk $0xffff, v4  }
0x7d: {  	s18 =	sadd.s32 $0x400, s18;
	[tilespmem:v63+s12+$0x0] =	vst.idx.add.f32.msk $0xffff, v5  }
0x7e: {  	_ =	swait.ge [sflag:s13], $0x2000  }
0x7f: {  	[sflag:s13] =	ssyncset.done $0x0  }
0x80: {  	s18 =	simm.s32 $0x0;
	[sflag:s13] =	ssyncadd.s32 $0xFFFFE000  }
.LBB2_7:
0x81: {  	s19 =	sshra.s32 s18, $0x2  }
0x82: {  	v1 =	vld [tilespmem:s19+$0x16000];
	_ =	sdelay $0x4  }
0x83: {  	v2 =	vld [tilespmem:s19+$0x16080];
	v3 =	vadd.s32 $0x2800, v1  }
0x84: {  	v4 =	vadd.s32 $0x5000, v1  }
0x85: {  	v5 =	vadd.s32 $0x7800, v1;
	_ =	sdelay $0x1  }
0x86: {  	v1 =	vld.idx.msk [tilespmem:v1+s3+$0x0], $0xffff  }
0x87: {  	v6 =	vadd.s32 $0x2800, v2;
	v3 =	vld.idx.msk [tilespmem:v3+s3+$0x0], $0xffff  }
0x88: {  	v7 =	vadd.s32 $0x5000, v2;
	v4 =	vld.idx.msk [tilespmem:v4+s3+$0x0], $0xffff  }
0x89: {  	v8 =	vadd.s32 $0x7800, v2;
	v5 =	vld.idx.msk [tilespmem:v5+s3+$0x0], $0xffff;
	_ =	sdelay $0x1  }
0x8a: {  	[tilespmem:v2+s12+$0x0] =	vst.idx.add.f32.msk $0xffff, v1  }
0x8b: {  	[tilespmem:v6+s12+$0x0] =	vst.idx.add.f32.msk $0xffff, v3  }
0x8c: {  	[tilespmem:v7+s12+$0x0] =	vst.idx.add.f32.msk $0xffff, v4  }
0x8d: {  	[tilespmem:v8+s12+$0x0] =	vst.idx.add.f32.msk $0xffff, v5  }
0x8e: {  	v1 =	vld [tilespmem:s19+$0x16010];
	_ =	sdelay $0x4  }
0x8f: {  	v2 =	vld [tilespmem:s19+$0x16090];
	v3 =	vadd.s32 $0x2800, v1  }
0x90: {  	v29 =	vadd.s32 $0x5000, v1  }
0x91: {  	v30 =	vadd.s32 $0x7800, v1;
	_ =	sdelay $0x1  }
0x92: {  	v1 =	vld.idx.msk [tilespmem:v1+s3+$0x0], $0xffff  }
0x93: {  	v31 =	vadd.s32 $0x2800, v2;
	v3 =	vld.idx.msk [tilespmem:v3+s3+$0x0], $0xffff  }
0x94: {  	v32 =	vadd.s32 $0x5000, v2;
	v4 =	vld.idx.msk [tilespmem:v29+s3+$0x0], $0xffff  }
0x95: {  	v33 =	vadd.s32 $0x7800, v2;
	v5 =	vld.idx.msk [tilespmem:v30+s3+$0x0], $0xffff;
	_ =	sdelay $0x1  }
0x96: {  	[tilespmem:v2+s12+$0x0] =	vst.idx.add.f32.msk $0xffff, v1  }
0x97: {  	[tilespmem:v31+s12+$0x0] =	vst.idx.add.f32.msk $0xffff, v3  }
0x98: {  	[tilespmem:v32+s12+$0x0] =	vst.idx.add.f32.msk $0xffff, v4  }
0x99: {  	[tilespmem:v33+s12+$0x0] =	vst.idx.add.f32.msk $0xffff, v5  }
0x9a: {  	v1 =	vld [tilespmem:s19+$0x16020];
	_ =	sdelay $0x4  }
0x9b: {  	v2 =	vld [tilespmem:s19+$0x160A0];
	v3 =	vadd.s32 $0x2800, v1  }
0x9c: {  	v34 =	vadd.s32 $0x5000, v1  }
0x9d: {  	v35 =	vadd.s32 $0x7800, v1;
	_ =	sdelay $0x1  }
0x9e: {  	v1 =	vld.idx.msk [tilespmem:v1+s3+$0x0], $0xffff  }
0x9f: {  	v36 =	vadd.s32 $0x2800, v2;
	v3 =	vld.idx.msk [tilespmem:v3+s3+$0x0], $0xffff  }
0xa0: {  	v37 =	vadd.s32 $0x5000, v2;
	v4 =	vld.idx.msk [tilespmem:v34+s3+$0x0], $0xffff  }
0xa1: {  	v38 =	vadd.s32 $0x7800, v2;
	v5 =	vld.idx.msk [tilespmem:v35+s3+$0x0], $0xffff;
	_ =	sdelay $0x1  }
0xa2: {  	[tilespmem:v2+s12+$0x0] =	vst.idx.add.f32.msk $0xffff, v1  }
0xa3: {  	[tilespmem:v36+s12+$0x0] =	vst.idx.add.f32.msk $0xffff, v3  }
0xa4: {  	[tilespmem:v37+s12+$0x0] =	vst.idx.add.f32.msk $0xffff, v4  }
0xa5: {  	[tilespmem:v38+s12+$0x0] =	vst.idx.add.f32.msk $0xffff, v5  }
0xa6: {  	v1 =	vld [tilespmem:s19+$0x16030];
	_ =	sdelay $0x4  }
0xa7: {  	v2 =	vld [tilespmem:s19+$0x160B0];
	v3 =	vadd.s32 $0x2800, v1  }
0xa8: {  	v39 =	vadd.s32 $0x5000, v1  }
0xa9: {  	v40 =	vadd.s32 $0x7800, v1;
	_ =	sdelay $0x1  }
0xaa: {  	v1 =	vld.idx.msk [tilespmem:v1+s3+$0x0], $0xffff  }
0xab: {  	v41 =	vadd.s32 $0x2800, v2;
	v3 =	vld.idx.msk [tilespmem:v3+s3+$0x0], $0xffff  }
0xac: {  	v42 =	vadd.s32 $0x5000, v2;
	v4 =	vld.idx.msk [tilespmem:v39+s3+$0x0], $0xffff  }
0xad: {  	v43 =	vadd.s32 $0x7800, v2;
	v5 =	vld.idx.msk [tilespmem:v40+s3+$0x0], $0xffff;
	_ =	sdelay $0x1  }
0xae: {  	[tilespmem:v2+s12+$0x0] =	vst.idx.add.f32.msk $0xffff, v1  }
0xaf: {  	[tilespmem:v41+s12+$0x0] =	vst.idx.add.f32.msk $0xffff, v3  }
0xb0: {  	[tilespmem:v42+s12+$0x0] =	vst.idx.add.f32.msk $0xffff, v4  }
0xb1: {  	[tilespmem:v43+s12+$0x0] =	vst.idx.add.f32.msk $0xffff, v5  }
0xb2: {  	v1 =	vld [tilespmem:s19+$0x16040];
	_ =	sdelay $0x4  }
0xb3: {  	v2 =	vld [tilespmem:s19+$0x160C0];
	v3 =	vadd.s32 $0x2800, v1  }
0xb4: {  	v44 =	vadd.s32 $0x5000, v1  }
0xb5: {  	v45 =	vadd.s32 $0x7800, v1;
	_ =	sdelay $0x1  }
0xb6: {  	v1 =	vld.idx.msk [tilespmem:v1+s3+$0x0], $0xffff  }
0xb7: {  	v46 =	vadd.s32 $0x2800, v2;
	v3 =	vld.idx.msk [tilespmem:v3+s3+$0x0], $0xffff  }
0xb8: {  	v47 =	vadd.s32 $0x5000, v2;
	v4 =	vld.idx.msk [tilespmem:v44+s3+$0x0], $0xffff  }
0xb9: {  	v48 =	vadd.s32 $0x7800, v2;
	v5 =	vld.idx.msk [tilespmem:v45+s3+$0x0], $0xffff;
	_ =	sdelay $0x1  }
0xba: {  	[tilespmem:v2+s12+$0x0] =	vst.idx.add.f32.msk $0xffff, v1  }
0xbb: {  	[tilespmem:v46+s12+$0x0] =	vst.idx.add.f32.msk $0xffff, v3  }
0xbc: {  	[tilespmem:v47+s12+$0x0] =	vst.idx.add.f32.msk $0xffff, v4  }
0xbd: {  	[tilespmem:v48+s12+$0x0] =	vst.idx.add.f32.msk $0xffff, v5  }
0xbe: {  	v1 =	vld [tilespmem:s19+$0x16050];
	_ =	sdelay $0x4  }
0xbf: {  	v2 =	vld [tilespmem:s19+$0x160D0];
	v3 =	vadd.s32 $0x2800, v1  }
0xc0: {  	v49 =	vadd.s32 $0x5000, v1  }
0xc1: {  	v50 =	vadd.s32 $0x7800, v1;
	_ =	sdelay $0x1  }
0xc2: {  	v1 =	vld.idx.msk [tilespmem:v1+s3+$0x0], $0xffff  }
0xc3: {  	v51 =	vadd.s32 $0x2800, v2;
	v3 =	vld.idx.msk [tilespmem:v3+s3+$0x0], $0xffff  }
0xc4: {  	v52 =	vadd.s32 $0x5000, v2;
	v4 =	vld.idx.msk [tilespmem:v49+s3+$0x0], $0xffff  }
0xc5: {  	v53 =	vadd.s32 $0x7800, v2;
	v5 =	vld.idx.msk [tilespmem:v50+s3+$0x0], $0xffff;
	_ =	sdelay $0x1  }
0xc6: {  	[tilespmem:v2+s12+$0x0] =	vst.idx.add.f32.msk $0xffff, v1  }
0xc7: {  	[tilespmem:v51+s12+$0x0] =	vst.idx.add.f32.msk $0xffff, v3  }
0xc8: {  	[tilespmem:v52+s12+$0x0] =	vst.idx.add.f32.msk $0xffff, v4  }
0xc9: {  	[tilespmem:v53+s12+$0x0] =	vst.idx.add.f32.msk $0xffff, v5  }
0xca: {  	v1 =	vld [tilespmem:s19+$0x16060];
	_ =	sdelay $0x4  }
0xcb: {  	v2 =	vld [tilespmem:s19+$0x160E0];
	v3 =	vadd.s32 $0x2800, v1  }
0xcc: {  	v54 =	vadd.s32 $0x5000, v1  }
0xcd: {  	v55 =	vadd.s32 $0x7800, v1;
	_ =	sdelay $0x1  }
0xce: {  	v1 =	vld.idx.msk [tilespmem:v1+s3+$0x0], $0xffff  }
0xcf: {  	v56 =	vadd.s32 $0x2800, v2;
	v3 =	vld.idx.msk [tilespmem:v3+s3+$0x0], $0xffff  }
0xd0: {  	v57 =	vadd.s32 $0x5000, v2;
	v4 =	vld.idx.msk [tilespmem:v54+s3+$0x0], $0xffff  }
0xd1: {  	v58 =	vadd.s32 $0x7800, v2;
	v5 =	vld.idx.msk [tilespmem:v55+s3+$0x0], $0xffff;
	_ =	sdelay $0x1  }
0xd2: {  	[tilespmem:v2+s12+$0x0] =	vst.idx.add.f32.msk $0xffff, v1  }
0xd3: {  	[tilespmem:v56+s12+$0x0] =	vst.idx.add.f32.msk $0xffff, v3  }
0xd4: {  	[tilespmem:v57+s12+$0x0] =	vst.idx.add.f32.msk $0xffff, v4  }
0xd5: {  	[tilespmem:v58+s12+$0x0] =	vst.idx.add.f32.msk $0xffff, v5  }
0xd6: {  	v1 =	vld [tilespmem:s19+$0x16070];
	_ =	sdelay $0x4  }
0xd7: {  	v2 =	vld [tilespmem:s19+$0x160F0];
	v3 =	vadd.s32 $0x2800, v1  }
0xd8: {  	v59 =	vadd.s32 $0x5000, v1  }
0xd9: {  	v60 =	vadd.s32 $0x7800, v1;
	_ =	sdelay $0x1  }
0xda: {  	v1 =	vld.idx.msk [tilespmem:v1+s3+$0x0], $0xffff  }
0xdb: {  	v61 =	vadd.s32 $0x2800, v2;
	v3 =	vld.idx.msk [tilespmem:v3+s3+$0x0], $0xffff  }
0xdc: {  	v62 =	vadd.s32 $0x5000, v2;
	v4 =	vld.idx.msk [tilespmem:v59+s3+$0x0], $0xffff  }
0xdd: {  	p0 =	sne.s32 s18, $0x7C00;
	v63 =	vadd.s32 $0x7800, v2;
	v5 =	vld.idx.msk [tilespmem:v60+s3+$0x0], $0xffff  }
.Ltmp2:
0xde: {  	_ = 	snop;
	(pc) =	sbr.rel @p0 .LBB2_7-.Ltmp2, $4  }
0xdf: {  	[tilespmem:v2+s12+$0x0] =	vst.idx.add.f32.msk $0xffff, v1  }
0xe0: {  	[tilespmem:v61+s12+$0x0] =	vst.idx.add.f32.msk $0xffff, v3  }
0xe1: {  	[tilespmem:v62+s12+$0x0] =	vst.idx.add.f32.msk $0xffff, v4  }
0xe2: {  	s18 =	sadd.s32 $0x400, s18;
	[tilespmem:v63+s12+$0x0] =	vst.idx.add.f32.msk $0xffff, v5  }
0xe3: {  	s17 =	sadd.s32 $0x1, s17  }
0xe4: {  	p0 =	sne.s32 s17, $0x28  }
.Ltmp3:
0xe5: {  	_ = 	snop;
	(pc) =	sbr.rel @p0 .LBB2_4-.Ltmp3, $1  }
0xe6: {  	_ =	sdelay $0x3  }
0xe7: {  	s15 =	sadd.s32 $0x1, s15  }
0xe8: {  	p0 =	sne.s32 s15, s7  }
.Ltmp4:
0xe9: {  	_ = 	snop;
	(pc) =	sbr.rel @p0 .LBB2_1-.Ltmp4, $4  }
0xea: {  	[hbm4b:s6+s3] =	stream.linear.scatter [tilespmem:s12], [sflag:$0x4], $0xA000, $0x38;
	[tilespmem:$0x18000] =	vst v63  }
0xeb: {  	_ =	swait.ge [sflag:s14], $0xA000  }
0xec: {  	[sflag:s14] =	ssyncset.done $0x0  }
0xed: {  	[sflag:s14] =	ssyncadd.s32 $0xFFFF6000  }
0xee: {  	_ =	sfence.sel $0x180000  }
0xef: {  	[bflag:$0x0] =	sbarrier.arrive $0xFFFF  }
0xf0: {  	p0 =	sne.s32 s1, $0x0;
	_ =	strace $0x9000004A  }
0xf1: {  	s0 =	sadd.s32 @!p0 $0x100000, s0;
	[bflag:$0x2] =	sbarrier.arrive $0xFFFF  }
0xf2: {  	[sflag:s0] =	ssyncadd.tile.s32 @!p0 $0x1;
	_ =	shalt  }
.Lfunc_end2:
_tile_overlayer_lowered:
.L_overlay_start_2:
0xf3: {  	(tag) =	ssettag $0x2  }
0xf4: {  	s0 =	rddreg [dreg:$0x0];
	s2 =	stileid.u32  }
0xf5: {  	s1 =	rddreg [dreg:$0x1];
	p0 =	sne.s32 s2, $0x0  }
0xf6: {  	s3 =	rddreg [dreg:$0x2];
	[bflag:$0x3] =	sbarrier.arrive $0xFFFF;
	s2 =	simm.s32 @!p0 $0x1C04  }
0xf7: {  	[timem:s3], [sflag:s2] =	dma.local @!p0 [hbm:s0], s1  }
0xf8: {  	s0 =	simm.s32 @!p0 $0x4  }
0xf9: {  	_ =	swait.ge @!p0 [sflag:s0], s1  }
0xfa: {  	s1 =	ssub.s32 @!p0 $0x0, s1;
	[sflag:s0] =	ssyncset.done @!p0 $0x0  }
0xfb: {  	[sflag:s0] =	ssyncadd.s32 @!p0 s1  }
0xfc: {  	[bflag:$0x3] =	sbarrier.arrive $0xFFFF  }
0xfd: {  	_ =	shalt  }

// kernel: kernel.14.cloned.1.call-start
scs
__scs_entry_jumppad:
0x0: {  	(pc) =	sbr.rel $0x88, $3  }
0x1: {  	(tag) =	ssettag $0x0;
	lr =	simm.s32 $0x1  }
0x2: {  	[smem:$0x3F9B] =	sst lr;
	_ =	strace $0xD0000000  }
0x3: {  	_ = 	snop  }
0x4: {  	_ = 	snop  }
0x5: {  	_ = 	snop  }
0x6: {  	_ = 	snop  }
0x7: {  	_ = 	snop  }
__scs_overlays_trampoline_lowered:
0x8: {  	[smem:$0x3FAA] =	sst s0  }
0x9: {  	[smem:$0x3FAB] =	sst s1  }
0xa: {  	[smem:$0x3FAC] =	sst s2  }
0xb: {  	[smem:$0x3FAD] =	sst s3  }
0xc: {  	[smem:$0x3FAE] =	sst s4  }
0xd: {  	[smem:$0x3FAF] =	sst s5  }
0xe: {  	[smem:$0x3FB0] =	sst s6  }
0xf: {  	[smem:$0x3FB1] =	sst s7  }
0x10: {  	[smem:$0x3FB2] =	sst s8  }
0x11: {  	[smem:$0x3FB3] =	sst s9;
	s0 =	simm.s32 @!p0 $0x0  }
0x12: {  	s1 =	sld [smem:$0x3F99];
	s0 =	simm.s32 @p0 $0x1  }
0x13: {  	[smem:$0x3FB4] =	sst s0;
	s0 =	simm.s32 @!p1 $0x0  }
0x14: {  	s2 =	sld [smem:$0x3F98];
	s0 =	simm.s32 @p1 $0x1  }
0x15: {  	[smem:$0x3FB5] =	sst s0;
	s0 =	simm.s32 @!p2 $0x0  }
0x16: {  	s3 =	sld [smem:$0x3FDB];
	s0 =	simm.s32 @p2 $0x1  }
0x17: {  	s4 =	simm.s32 $0x1BF5;
	[smem:$0x3FB7] =	sst s0  }
0x18: {  	s0 =	sld [smem:$0x3F9A];
	_ =	swait.ge [sflag:s4], $0x0  }
0x19: {  	s7 =	sld [smem:$0x3F9B]  }
0x1a: {  	s8 =	sadd.s32 $0xFFFFE003, lr  }
0x1b: {  	s9 =	sadd.s32 $0xFFFFFEF7, lr;
	s5 =	simm.s32 $0xFFFFFFFF;
	p2 =	slt.u32 s8, $0xFFFFF086  }
0x1c: {  	p1 =	slt.u32 s9, $0xF7A;
	s5 =	simm.s32 @!p2 $0x0  }
0x1d: {  	s5 =	simm.s32 @p1 $0x1;
	p0 =	seq.s32 s7, s2  }
0x1e: {  	s7 =	smul.u32 @!p0 $0xF7A, s2;
	p2 =	seq.s32 @!p0 s5, $0x0  }
0x1f: {  	s9 =	smul.u32 $0xF7A, s1;
	s8 =	simm.s32 @!p0 $0x1BF5;
	p2 =	por !p2, p0  }
0x20: {  	[sflag:s8] =	ssyncset.s32 @!p0 $0xFFFFF086;
	s6 =	sadd.s32 @!p0 s3, s7;
	s7 =	simm.s32 @!p0 $0x108  }
0x21: {  	s3 =	sadd.s32 s3, s9;
	s6 =	sadd.s32 @!p0 $0x88, s6;
	s7 =	simm.s32 @p2 $0x1082  }
0x22: {  	[simem:s7], [sflag:s8] =	dma.local @!p0 [hbm:s6], $0xF7A  }
0x23: {  	s9 =	sor.u32 $0xD0000000, s2;
	s6 =	simm.s32 $0x108;
	_ =	swait.ge @!p0 [sflag:s8], $0x0  }
0x24: {  	s3 =	sadd.s32 $0x88, s3;
	s6 =	simm.s32 @!p1 $0x1082;
	[sflag:s4] =	ssyncset.s32 $0xFFFFF086  }
0x25: {  	[simem:s6], [sflag:s4] =	dma.local [hbm:s3], $0xF7A  }
0x26: {  	[smem:$0x3F9B] =	sst s1;
	(tag) =	ssettag s2;
	_ =	strace s9  }
0x27: {  	s1 =	sld [smem:$0x3FAB]  }
0x28: {  	s2 =	sld [smem:$0x3FAC]  }
0x29: {  	s4 =	sld [smem:$0x3FAE]  }
0x2a: {  	p0 =	seq.s32 s5, $0x0;
	s5 =	sld [smem:$0x3FAF]  }
0x2b: {  	s6 =	sld [smem:$0x3FB0]  }
0x2c: {  	s7 =	sld [smem:$0x3FB1]  }
0x2d: {  	s3 =	simm.s32 $0x108;
	s8 =	sld [smem:$0x3FB2]  }
0x2e: {  	s3 =	simm.s32 @!p0 $0x1082;
	s9 =	sld [smem:$0x3FB3]  }
0x2f: {  	lr =	sadd.s32 s0, s3;
	s0 =	sld [smem:$0x3FAA]  }
0x30: {  	s3 =	sld [smem:$0x3FAD]  }
0x31: {  	[smem:$0x3FB6] =	sst s10  }
0x32: {  	s10 =	sld [smem:$0x3FB4];
	_ =	sdelay $0x3  }
0x33: {  	p0 =	seq.s32 s10, $0x1;
	s10 =	sld [smem:$0x3FB6];
	_ =	sdelay $0x3  }
0x34: {  	[smem:$0x3FB6] =	sst s10  }
0x35: {  	s10 =	sld [smem:$0x3FB5];
	_ =	sdelay $0x3  }
0x36: {  	p1 =	seq.s32 s10, $0x1;
	s10 =	sld [smem:$0x3FB6];
	_ =	sdelay $0x3  }
0x37: {  	[smem:$0x3FB6] =	sst s10  }
0x38: {  	s10 =	sld [smem:$0x3FB7]  }
0x39: {  	_ = 	snop;
	(pc) =	sbr.ind lr, $3  }
0x3a: {  	_ = 	snop  }
0x3b: {  	_ = 	snop  }
0x3c: {  	p2 =	seq.s32 s10, $0x1;
	s10 =	sld [smem:$0x3FB6]  }
0x3d: {  	_ =	shalt  }
0x3e: {  	_ =	shalt  }
0x3f: {  	_ =	shalt  }
0x40: {  	_ =	shalt  }
0x41: {  	_ =	shalt  }
0x42: {  	_ =	shalt  }
0x43: {  	_ =	shalt  }
0x44: {  	_ =	shalt  }
0x45: {  	_ =	shalt  }
0x46: {  	_ =	shalt  }
0x47: {  	_ =	shalt  }
0x48: {  	_ =	shalt  }
0x49: {  	_ =	shalt  }
0x4a: {  	_ =	shalt  }
0x4b: {  	_ =	shalt  }
0x4c: {  	_ =	shalt  }
0x4d: {  	_ =	shalt  }
0x4e: {  	_ =	shalt  }
0x4f: {  	_ =	shalt  }
0x50: {  	_ =	shalt  }
0x51: {  	_ =	shalt  }
0x52: {  	_ =	shalt  }
0x53: {  	_ =	shalt  }
0x54: {  	_ =	shalt  }
0x55: {  	_ =	shalt  }
0x56: {  	_ =	shalt  }
0x57: {  	_ =	shalt  }
0x58: {  	_ =	shalt  }
0x59: {  	_ =	shalt  }
0x5a: {  	_ =	shalt  }
0x5b: {  	_ =	shalt  }
0x5c: {  	_ =	shalt  }
0x5d: {  	_ =	shalt  }
0x5e: {  	_ =	shalt  }
0x5f: {  	_ =	shalt  }
0x60: {  	_ =	shalt  }
0x61: {  	_ =	shalt  }
0x62: {  	_ =	shalt  }
0x63: {  	_ =	shalt  }
0x64: {  	_ =	shalt  }
0x65: {  	_ =	shalt  }
0x66: {  	_ =	shalt  }
0x67: {  	_ =	shalt  }
0x68: {  	_ =	shalt  }
0x69: {  	_ =	shalt  }
0x6a: {  	_ =	shalt  }
0x6b: {  	_ =	shalt  }
0x6c: {  	_ =	shalt  }
0x6d: {  	_ =	shalt  }
0x6e: {  	_ =	shalt  }
0x6f: {  	_ =	shalt  }
0x70: {  	_ =	shalt  }
0x71: {  	_ =	shalt  }
0x72: {  	_ =	shalt  }
0x73: {  	_ =	shalt  }
0x74: {  	_ =	shalt  }
0x75: {  	_ =	shalt  }
0x76: {  	_ =	shalt  }
0x77: {  	_ =	shalt  }
0x78: {  	_ =	shalt  }
0x79: {  	_ =	shalt  }
0x7a: {  	_ =	shalt  }
0x7b: {  	_ =	shalt  }
0x7c: {  	_ =	shalt  }
0x7d: {  	_ =	shalt  }
0x7e: {  	_ =	shalt  }
0x7f: {  	_ =	shalt  }
0x80: {  	_ =	shalt  }
0x81: {  	_ =	shalt  }
0x82: {  	_ =	shalt  }
0x83: {  	_ =	shalt  }
0x84: {  	_ =	shalt  }
0x85: {  	_ =	shalt  }
0x86: {  	_ =	shalt  }
0x87: {  	_ =	shalt  }
.Lfunc_end0:
.L_simem_size_0:
called_computation.2_lowered:
.L_overlay_start_0:
0x88: {  	s2 =	sld [smem:$0x3FD9]  }
0x89: {  	s3 =	sld [smem:$0x3FFE];
	_ =	sdelay $0x1  }
0x8a: {  	s1 =	srdreg.scid  }
0x8b: {  	s0 =	sand.u32 $0x1, s1  }
0x8c: {  	s17 =	sshll.u32 s0, $0xA;
	s2 =	sadd.s32 s3, s2  }
0x8d: {  	s2 =	sadd.s32 s2, s17  }
0x8e: {  	[smem:$0x3FC2] =	sst s2  }
0x8f: {  	_ = 	snop  }
0x90: {  	s2 =	sld [smem:$0x3FD0];
	(tm) =	ssettm $0x1  }
0x91: {  	s18 =	sld [smem:$0x3FFB];
	_ =	sdelay $0x3  }
0x92: {  	_ =	strace s18  }
0x93: {  	s3 =	sld [smem:$0x3FFC];
	_ =	sdelay $0x3  }
0x94: {  	_ =	strace s3  }
0x95: {  	s3 =	sld [smem:$0x3FFD];
	_ =	sdelay $0x3  }
0x96: {  	_ =	strace s3  }
0x97: {  	_ =	strace $0x8FFFFFFF  }
0x98: {  	s19 =	sld [smem:$0x3FDB];
	_ =	sdelay $0x1  }
0x99: {  	s4 =	simm.s32 $_scs_section_size  }
0x9a: {  	s5 =	simm.s32 $_size__tile_overlayer_lowered;
	s6 =	simm.s32 $_tile_overlayer_lowered  }
0x9b: {  	s22 =	simm.s32 $0x1BFF;
	s21 =	sshll.u32 s6, $0x1;
	s3 =	sadd.s32 s4, s19  }
0x9c: {  	s7 =	simm.s32 $0x0;
	s20 =	sshll.u32 s5, $0x1;
	s5 =	sadd.s32 s21, s3  }
0x9d: {  	[timem:s7], [sflag:s22] =	dma.local [hbm:s5], s20  }
0x9e: {  	_ =	swait.ge [sflag:s22], s20  }
0x9f: {  	s4 =	ssub.s32 $0x0, s20;
	[sflag:s22] =	ssyncset.done $0x0  }
0xa0: {  	[sflag:s22] =	ssyncadd.s32 s4;
	_ =	sdelay $0x1  }
0xa1: {  	s23 =	simm.s32 $0x1B8B  }
0xa2: {  	_ =	swait.ge [sflag:s23], $0x1  }
0xa3: {  	[sflag:s23] =	ssyncset.done $0x0  }
0xa4: {  	s25 =	simm.s32 $0x1B8E;
	s24 =	sld [smem:$0x3FFE];
	[sflag:s23] =	ssyncadd.s32 $0xFFFFFFFF  }
0xa5: {  	s26 =	simm.s32 $execute0_lowered;
	[smem:$0x3FD2] =	sst s25  }
0xa6: {  	s5 =	sshll.u32 s26, $0x1;
	_ =	strace $0x8000004C;
	[dreg:$0x1] =	wrdreg $0xFFFFFFFF  }
0xa7: {  	s28 =	simm.s32 $_size_execute0_lowered;
	s3 =	sadd.s32 s3, s5;
	[dreg:$0x0] =	wrdreg $0x0  }
0xa8: {  	s5 =	sshll.u32 s28, $0x1;
	[dreg:$0x2] =	wrdreg s3  }
0xa9: {  	[dreg:$0x3] =	wrdreg s5  }
0xaa: {  	[dreg:$0x4] =	wrdreg $0xC0  }
0xab: {  	_ =	task [dreg:s7], $0x5FFFF  }
0xac: {  	[dreg:$0x1] =	wrdreg $0xFFFFFFFF  }
0xad: {  	[dreg:$0x0] =	wrdreg $0x60  }
0xae: {  	[dreg:$0x2] =	wrdreg s24  }
0xaf: {  	[dreg:$0x3] =	wrdreg s2  }
0xb0: {  	[dreg:$0x4] =	wrdreg $0x9  }
0xb1: {  	_ =	task.clear_ibuf [dreg:s7], $0x5FFFF;
	_ =	strace $0x9000004C  }
0xb2: {  	s29 =	simm.s32 $0x9;
	_ =	strace $0x8000004E  }
0xb3: {  	_ =	swait.ge [sflag:s29], $0x1  }
0xb4: {  	[sflag:s29] =	ssyncadd.s32 $0xFFFFFFFF  }
0xb5: {  	_ =	strace $0x9000004E  }
0xb6: {  	_ =	sfence  }
0xb7: {  	s30 =	sld [smem:$0x0];
	_ =	sdelay $0x2  }
0xb8: {  	s31 =	sshll.u32 s1, $0xD;
	s1 =	sshrl.u32 s1, $0x2  }
0xb9: {  	s3 =	sand.u32 $0x4000, s31;
	s1 =	sadd.s32 s1, s30  }
0xba: {  	s0 =	sor.u32 s3, s0;
	s1 =	sshll.u32 s1, $0x11  }
0xbb: {  	s0 =	sor.u32 s1, s0  }
0xbc: {  	s0 =	sadd.s32 $0x8F2B, s0  }
0xbd: {  	[sflag:s0] =	ssyncadd.remote.s32 $0x1  }
0xbe: {  	_ =	sfence.sel $0xFFFF  }
0xbf: {  	[dreg:$0x0] =	wrdreg $0xFFFFFFFF;
	(pc) =	sbr.abs _section_cstart, $3  }
0xc0: {  	[dreg:$0x1] =	wrdreg $0xFFFFFFFF  }
0xc1: {  	_ =	task.clear_ibuf [dreg:s7], $0x2FFFF;
	_ =	strace $0x9FFFFFFF  }
0xc2: {  	(tm) =	ssettm $0x7FFFFFFF  }
0xc3: {  	_ =	shalt  }
tec
execute0_lowered:
.L_overlay_start_1:
0x0: {  	(tag) =	ssettag $0x1  }
0x1: {  	s0 =	srdreg.scid;
	s4 =	rddreg [dreg:$0x0]  }
0x2: {  	s2 =	rddreg [dreg:$0x1];
	s1 =	stileid.u32  }
0x3: {  	s8 =	simm.s32 $0x1;
	s9 =	simm.s32 $0x14000;
	s10 =	simm.s32 $0x16000  }
0x4: {  	s11 =	simm.s32 $0x2;
	s12 =	simm.s32 $0xA000;
	s5 =	sand.u32 $0x1, s0  }
0x5: {  	s13 =	simm.s32 $0x3;
	s14 =	simm.s32 $0x4;
	s3 =	sshll.u32 s5, $0x4  }
0x6: {  	s0 =	rddreg [dreg:$0x2];
	s5 =	ssub.s32 $0x2, s5;
	s6 =	sor.u32 s1, s3  }
0x7: {  	s3 =	simm.s32 $0x0;
	s7 =	sshrl.u32 s5, $0x1;
	s6 =	smul.u32 $0x1400, s6  }
0x8: {  	s15 =	simm.s32 $0x0;
	[smem:$0x7FF] =	sst s3;
	s7 =	ssub.s32 s5, s7  }
0x9: {  	s5 =	sadd.s32 $0x400, s2;
	_ =	strace $0x8000004D;
	s6 =	sadd.s32 s6, s4  }
0xa: {  	v0 =	vimm.f32 $0.0e+00;
	s7 =	smax.u32 s7, $0x1;
	s4 =	sadd.s32 $0x1400, s6;
	s6 =	sadd.s32 $0x29400, s6  }
.LBB2_1:
0xb: {  	[tilespmem:s3], [sflag:$0x1] =	stream.linear.gather [hbm4b:s4+s3], $0xA000, $0x38;
	[tilespmem:$0x18000] =	vst v63  }
0xc: {  	_ =	swait.ge [sflag:s8], $0xA000  }
0xd: {  	[sflag:s8] =	ssyncset.done $0x0  }
0xe: {  	s16 =	simm.s32 $0x40;
	s17 =	simm.s32 $0x0;
	[sflag:s8] =	ssyncadd.s32 $0xFFFF6000  }
.LBB2_2:
0xf: {  	p0 =	sne.s32 s16, $0x27FC0;
	[tilespmem:s17+$0xA000] =	vst v0;
	s17 =	smov.u32 s16;
	s16 =	sadd.s32 $0x40, s16  }
.Ltmp0:
0x10: {  	(pc) =	sbr.rel @p0 .LBB2_2-.Ltmp0, $2  }
0x11: {  	_ =	sdelay $0x2  }
0x12: {  	s17 =	sshra.s32 s17, $0x2  }
0x13: {  	[tilespmem:s17+$0xA000] =	vst v0;
	s16 =	simm.s32 $0x0;
	s17 =	simm.s32 $0x0  }
.LBB2_4:
0x14: {  	s18 =	sshll.u32 s17, $0xB  }
0x15: {  	s19 =	sadd.s32 s2, s18  }
0x16: {  	[tilespmem:s9], [sflag:$0x2] =	stream.linear.gather [hbm4b:s19+s16], $0x2000, $0x38;
	[tilespmem:$0x18000] =	vst v63  }
0x17: {  	s18 =	sadd.s32 s18, s5  }
0x18: {  	[tilespmem:s10], [sflag:$0x3] =	stream.linear.gather [hbm4b:s18+s16], $0x2000, $0x38;
	[tilespmem:$0x18000] =	vst v63  }
0x19: {  	_ =	swait.ge [sflag:s11], $0x2000  }
0x1a: {  	[sflag:s11] =	ssyncset.done $0x0  }
0x1b: {  	s18 =	simm.s32 $0x0;
	[sflag:s11] =	ssyncadd.s32 $0xFFFFE000  }
.LBB2_5:
0x1c: {  	s19 =	sshra.s32 s18, $0x2  }
0x1d: {  	v1 =	vld [tilespmem:s19+$0x14000];
	_ =	sdelay $0x4  }
0x1e: {  	v2 =	vld [tilespmem:s19+$0x14080];
	v3 =	vadd.s32 $0x2800, v1  }
0x1f: {  	v4 =	vadd.s32 $0x5000, v1  }
0x20: {  	v5 =	vadd.s32 $0x7800, v1;
	_ =	sdelay $0x1  }
0x21: {  	v1 =	vld.idx.msk [tilespmem:v1+s3+$0x0], $0xffff  }
0x22: {  	v6 =	vadd.s32 $0x2800, v2;
	v3 =	vld.idx.msk [tilespmem:v3+s3+$0x0], $0xffff  }
0x23: {  	v7 =	vadd.s32 $0x5000, v2;
	v4 =	vld.idx.msk [tilespmem:v4+s3+$0x0], $0xffff  }
0x24: {  	v8 =	vadd.s32 $0x7800, v2;
	v5 =	vld.idx.msk [tilespmem:v5+s3+$0x0], $0xffff;
	_ =	sdelay $0x1  }
0x25: {  	[tilespmem:v2+s12+$0x0] =	vst.idx.add.f32.msk $0xffff, v1  }
0x26: {  	[tilespmem:v6+s12+$0x0] =	vst.idx.add.f32.msk $0xffff, v3  }
0x27: {  	[tilespmem:v7+s12+$0x0] =	vst.idx.add.f32.msk $0xffff, v4  }
0x28: {  	[tilespmem:v8+s12+$0x0] =	vst.idx.add.f32.msk $0xffff, v5  }
0x29: {  	v1 =	vld [tilespmem:s19+$0x14010];
	_ =	sdelay $0x4  }
0x2a: {  	v2 =	vld [tilespmem:s19+$0x14090];
	v3 =	vadd.s32 $0x2800, v1  }
0x2b: {  	v29 =	vadd.s32 $0x5000, v1  }
0x2c: {  	v30 =	vadd.s32 $0x7800, v1;
	_ =	sdelay $0x1  }
0x2d: {  	v1 =	vld.idx.msk [tilespmem:v1+s3+$0x0], $0xffff  }
0x2e: {  	v31 =	vadd.s32 $0x2800, v2;
	v3 =	vld.idx.msk [tilespmem:v3+s3+$0x0], $0xffff  }
0x2f: {  	v32 =	vadd.s32 $0x5000, v2;
	v4 =	vld.idx.msk [tilespmem:v29+s3+$0x0], $0xffff  }
0x30: {  	v33 =	vadd.s32 $0x7800, v2;
	v5 =	vld.idx.msk [tilespmem:v30+s3+$0x0], $0xffff;
	_ =	sdelay $0x1  }
0x31: {  	[tilespmem:v2+s12+$0x0] =	vst.idx.add.f32.msk $0xffff, v1  }
0x32: {  	[tilespmem:v31+s12+$0x0] =	vst.idx.add.f32.msk $0xffff, v3  }
0x33: {  	[tilespmem:v32+s12+$0x0] =	vst.idx.add.f32.msk $0xffff, v4  }
0x34: {  	[tilespmem:v33+s12+$0x0] =	vst.idx.add.f32.msk $0xffff, v5  }
0x35: {  	v1 =	vld [tilespmem:s19+$0x14020];
	_ =	sdelay $0x4  }
0x36: {  	v2 =	vld [tilespmem:s19+$0x140A0];
	v3 =	vadd.s32 $0x2800, v1  }
0x37: {  	v34 =	vadd.s32 $0x5000, v1  }
0x38: {  	v35 =	vadd.s32 $0x7800, v1;
	_ =	sdelay $0x1  }
0x39: {  	v1 =	vld.idx.msk [tilespmem:v1+s3+$0x0], $0xffff  }
0x3a: {  	v36 =	vadd.s32 $0x2800, v2;
	v3 =	vld.idx.msk [tilespmem:v3+s3+$0x0], $0xffff  }
0x3b: {  	v37 =	vadd.s32 $0x5000, v2;
	v4 =	vld.idx.msk [tilespmem:v34+s3+$0x0], $0xffff  }
0x3c: {  	v38 =	vadd.s32 $0x7800, v2;
	v5 =	vld.idx.msk [tilespmem:v35+s3+$0x0], $0xffff;
	_ =	sdelay $0x1  }
0x3d: {  	[tilespmem:v2+s12+$0x0] =	vst.idx.add.f32.msk $0xffff, v1  }
0x3e: {  	[tilespmem:v36+s12+$0x0] =	vst.idx.add.f32.msk $0xffff, v3  }
0x3f: {  	[tilespmem:v37+s12+$0x0] =	vst.idx.add.f32.msk $0xffff, v4  }
0x40: {  	[tilespmem:v38+s12+$0x0] =	vst.idx.add.f32.msk $0xffff, v5  }
0x41: {  	v1 =	vld [tilespmem:s19+$0x14030];
	_ =	sdelay $0x4  }
0x42: {  	v2 =	vld [tilespmem:s19+$0x140B0];
	v3 =	vadd.s32 $0x2800, v1  }
0x43: {  	v39 =	vadd.s32 $0x5000, v1  }
0x44: {  	v40 =	vadd.s32 $0x7800, v1;
	_ =	sdelay $0x1  }
0x45: {  	v1 =	vld.idx.msk [tilespmem:v1+s3+$0x0], $0xffff  }
0x46: {  	v41 =	vadd.s32 $0x2800, v2;
	v3 =	vld.idx.msk [tilespmem:v3+s3+$0x0], $0xffff  }
0x47: {  	v42 =	vadd.s32 $0x5000, v2;
	v4 =	vld.idx.msk [tilespmem:v39+s3+$0x0], $0xffff  }
0x48: {  	v43 =	vadd.s32 $0x7800, v2;
	v5 =	vld.idx.msk [tilespmem:v40+s3+$0x0], $0xffff;
	_ =	sdelay $0x1  }
0x49: {  	[tilespmem:v2+s12+$0x0] =	vst.idx.add.f32.msk $0xffff, v1  }
0x4a: {  	[tilespmem:v41+s12+$0x0] =	vst.idx.add.f32.msk $0xffff, v3  }
0x4b: {  	[tilespmem:v42+s12+$0x0] =	vst.idx.add.f32.msk $0xffff, v4  }
0x4c: {  	[tilespmem:v43+s12+$0x0] =	vst.idx.add.f32.msk $0xffff, v5  }
0x4d: {  	v1 =	vld [tilespmem:s19+$0x14040];
	_ =	sdelay $0x4  }
0x4e: {  	v2 =	vld [tilespmem:s19+$0x140C0];
	v3 =	vadd.s32 $0x2800, v1  }
0x4f: {  	v44 =	vadd.s32 $0x5000, v1  }
0x50: {  	v45 =	vadd.s32 $0x7800, v1;
	_ =	sdelay $0x1  }
0x51: {  	v1 =	vld.idx.msk [tilespmem:v1+s3+$0x0], $0xffff  }
0x52: {  	v46 =	vadd.s32 $0x2800, v2;
	v3 =	vld.idx.msk [tilespmem:v3+s3+$0x0], $0xffff  }
0x53: {  	v47 =	vadd.s32 $0x5000, v2;
	v4 =	vld.idx.msk [tilespmem:v44+s3+$0x0], $0xffff  }
0x54: {  	v48 =	vadd.s32 $0x7800, v2;
	v5 =	vld.idx.msk [tilespmem:v45+s3+$0x0], $0xffff;
	_ =	sdelay $0x1  }
0x55: {  	[tilespmem:v2+s12+$0x0] =	vst.idx.add.f32.msk $0xffff, v1  }
0x56: {  	[tilespmem:v46+s12+$0x0] =	vst.idx.add.f32.msk $0xffff, v3  }
0x57: {  	[tilespmem:v47+s12+$0x0] =	vst.idx.add.f32.msk $0xffff, v4  }
0x58: {  	[tilespmem:v48+s12+$0x0] =	vst.idx.add.f32.msk $0xffff, v5  }
0x59: {  	v1 =	vld [tilespmem:s19+$0x14050];
	_ =	sdelay $0x4  }
0x5a: {  	v2 =	vld [tilespmem:s19+$0x140D0];
	v3 =	vadd.s32 $0x2800, v1  }
0x5b: {  	v49 =	vadd.s32 $0x5000, v1  }
0x5c: {  	v50 =	vadd.s32 $0x7800, v1;
	_ =	sdelay $0x1  }
0x5d: {  	v1 =	vld.idx.msk [tilespmem:v1+s3+$0x0], $0xffff  }
0x5e: {  	v51 =	vadd.s32 $0x2800, v2;
	v3 =	vld.idx.msk [tilespmem:v3+s3+$0x0], $0xffff  }
0x5f: {  	v52 =	vadd.s32 $0x5000, v2;
	v4 =	vld.idx.msk [tilespmem:v49+s3+$0x0], $0xffff  }
0x60: {  	v53 =	vadd.s32 $0x7800, v2;
	v5 =	vld.idx.msk [tilespmem:v50+s3+$0x0], $0xffff;
	_ =	sdelay $0x1  }
0x61: {  	[tilespmem:v2+s12+$0x0] =	vst.idx.add.f32.msk $0xffff, v1  }
0x62: {  	[tilespmem:v51+s12+$0x0] =	vst.idx.add.f32.msk $0xffff, v3  }
0x63: {  	[tilespmem:v52+s12+$0x0] =	vst.idx.add.f32.msk $0xffff, v4  }
0x64: {  	[tilespmem:v53+s12+$0x0] =	vst.idx.add.f32.msk $0xffff, v5  }
0x65: {  	v1 =	vld [tilespmem:s19+$0x14060];
	_ =	sdelay $0x4  }
0x66: {  	v2 =	vld [tilespmem:s19+$0x140E0];
	v3 =	vadd.s32 $0x2800, v1  }
0x67: {  	v54 =	vadd.s32 $0x5000, v1  }
0x68: {  	v55 =	vadd.s32 $0x7800, v1;
	_ =	sdelay $0x1  }
0x69: {  	v1 =	vld.idx.msk [tilespmem:v1+s3+$0x0], $0xffff  }
0x6a: {  	v56 =	vadd.s32 $0x2800, v2;
	v3 =	vld.idx.msk [tilespmem:v3+s3+$0x0], $0xffff  }
0x6b: {  	v57 =	vadd.s32 $0x5000, v2;
	v4 =	vld.idx.msk [tilespmem:v54+s3+$0x0], $0xffff  }
0x6c: {  	v58 =	vadd.s32 $0x7800, v2;
	v5 =	vld.idx.msk [tilespmem:v55+s3+$0x0], $0xffff;
	_ =	sdelay $0x1  }
0x6d: {  	[tilespmem:v2+s12+$0x0] =	vst.idx.add.f32.msk $0xffff, v1  }
0x6e: {  	[tilespmem:v56+s12+$0x0] =	vst.idx.add.f32.msk $0xffff, v3  }
0x6f: {  	[tilespmem:v57+s12+$0x0] =	vst.idx.add.f32.msk $0xffff, v4  }
0x70: {  	[tilespmem:v58+s12+$0x0] =	vst.idx.add.f32.msk $0xffff, v5  }
0x71: {  	v1 =	vld [tilespmem:s19+$0x14070];
	_ =	sdelay $0x4  }
0x72: {  	v2 =	vld [tilespmem:s19+$0x140F0];
	v3 =	vadd.s32 $0x2800, v1  }
0x73: {  	v59 =	vadd.s32 $0x5000, v1  }
0x74: {  	v60 =	vadd.s32 $0x7800, v1;
	_ =	sdelay $0x1  }
0x75: {  	v1 =	vld.idx.msk [tilespmem:v1+s3+$0x0], $0xffff  }
0x76: {  	v61 =	vadd.s32 $0x2800, v2;
	v3 =	vld.idx.msk [tilespmem:v3+s3+$0x0], $0xffff  }
0x77: {  	v62 =	vadd.s32 $0x5000, v2;
	v4 =	vld.idx.msk [tilespmem:v59+s3+$0x0], $0xffff  }
0x78: {  	p0 =	sne.s32 s18, $0x7C00;
	v63 =	vadd.s32 $0x7800, v2;
	v5 =	vld.idx.msk [tilespmem:v60+s3+$0x0], $0xffff  }
.Ltmp1:
0x79: {  	_ = 	snop;
	(pc) =	sbr.rel @p0 .LBB2_5-.Ltmp1, $4  }
0x7a: {  	[tilespmem:v2+s12+$0x0] =	vst.idx.add.f32.msk $0xffff, v1  }
0x7b: {  	[tilespmem:v61+s12+$0x0] =	vst.idx.add.f32.msk $0xffff, v3  }
0x7c: {  	[tilespmem:v62+s12+$0x0] =	vst.idx.add.f32.msk $0xffff, v4  }
0x7d: {  	s18 =	sadd.s32 $0x400, s18;
	[tilespmem:v63+s12+$0x0] =	vst.idx.add.f32.msk $0xffff, v5  }
0x7e: {  	_ =	swait.ge [sflag:s13], $0x2000  }
0x7f: {  	[sflag:s13] =	ssyncset.done $0x0  }
0x80: {  	s18 =	simm.s32 $0x0;
	[sflag:s13] =	ssyncadd.s32 $0xFFFFE000  }
.LBB2_7:
0x81: {  	s19 =	sshra.s32 s18, $0x2  }
0x82: {  	v1 =	vld [tilespmem:s19+$0x16000];
	_ =	sdelay $0x4  }
0x83: {  	v2 =	vld [tilespmem:s19+$0x16080];
	v3 =	vadd.s32 $0x2800, v1  }
0x84: {  	v4 =	vadd.s32 $0x5000, v1  }
0x85: {  	v5 =	vadd.s32 $0x7800, v1;
	_ =	sdelay $0x1  }
0x86: {  	v1 =	vld.idx.msk [tilespmem:v1+s3+$0x0], $0xffff  }
0x87: {  	v6 =	vadd.s32 $0x2800, v2;
	v3 =	vld.idx.msk [tilespmem:v3+s3+$0x0], $0xffff  }
0x88: {  	v7 =	vadd.s32 $0x5000, v2;
	v4 =	vld.idx.msk [tilespmem:v4+s3+$0x0], $0xffff  }
0x89: {  	v8 =	vadd.s32 $0x7800, v2;
	v5 =	vld.idx.msk [tilespmem:v5+s3+$0x0], $0xffff;
	_ =	sdelay $0x1  }
0x8a: {  	[tilespmem:v2+s12+$0x0] =	vst.idx.add.f32.msk $0xffff, v1  }
0x8b: {  	[tilespmem:v6+s12+$0x0] =	vst.idx.add.f32.msk $0xffff, v3  }
0x8c: {  	[tilespmem:v7+s12+$0x0] =	vst.idx.add.f32.msk $0xffff, v4  }
0x8d: {  	[tilespmem:v8+s12+$0x0] =	vst.idx.add.f32.msk $0xffff, v5  }
0x8e: {  	v1 =	vld [tilespmem:s19+$0x16010];
	_ =	sdelay $0x4  }
0x8f: {  	v2 =	vld [tilespmem:s19+$0x16090];
	v3 =	vadd.s32 $0x2800, v1  }
0x90: {  	v29 =	vadd.s32 $0x5000, v1  }
0x91: {  	v30 =	vadd.s32 $0x7800, v1;
	_ =	sdelay $0x1  }
0x92: {  	v1 =	vld.idx.msk [tilespmem:v1+s3+$0x0], $0xffff  }
0x93: {  	v31 =	vadd.s32 $0x2800, v2;
	v3 =	vld.idx.msk [tilespmem:v3+s3+$0x0], $0xffff  }
0x94: {  	v32 =	vadd.s32 $0x5000, v2;
	v4 =	vld.idx.msk [tilespmem:v29+s3+$0x0], $0xffff  }
0x95: {  	v33 =	vadd.s32 $0x7800, v2;
	v5 =	vld.idx.msk [tilespmem:v30+s3+$0x0], $0xffff;
	_ =	sdelay $0x1  }
0x96: {  	[tilespmem:v2+s12+$0x0] =	vst.idx.add.f32.msk $0xffff, v1  }
0x97: {  	[tilespmem:v31+s12+$0x0] =	vst.idx.add.f32.msk $0xffff, v3  }
0x98: {  	[tilespmem:v32+s12+$0x0] =	vst.idx.add.f32.msk $0xffff, v4  }
0x99: {  	[tilespmem:v33+s12+$0x0] =	vst.idx.add.f32.msk $0xffff, v5  }
0x9a: {  	v1 =	vld [tilespmem:s19+$0x16020];
	_ =	sdelay $0x4  }
0x9b: {  	v2 =	vld [tilespmem:s19+$0x160A0];
	v3 =	vadd.s32 $0x2800, v1  }
0x9c: {  	v34 =	vadd.s32 $0x5000, v1  }
0x9d: {  	v35 =	vadd.s32 $0x7800, v1;
	_ =	sdelay $0x1  }
0x9e: {  	v1 =	vld.idx.msk [tilespmem:v1+s3+$0x0], $0xffff  }
0x9f: {  	v36 =	vadd.s32 $0x2800, v2;
	v3 =	vld.idx.msk [tilespmem:v3+s3+$0x0], $0xffff  }
0xa0: {  	v37 =	vadd.s32 $0x5000, v2;
	v4 =	vld.idx.msk [tilespmem:v34+s3+$0x0], $0xffff  }
0xa1: {  	v38 =	vadd.s32 $0x7800, v2;
	v5 =	vld.idx.msk [tilespmem:v35+s3+$0x0], $0xffff;
	_ =	sdelay $0x1  }
0xa2: {  	[tilespmem:v2+s12+$0x0] =	vst.idx.add.f32.msk $0xffff, v1  }
0xa3: {  	[tilespmem:v36+s12+$0x0] =	vst.idx.add.f32.msk $0xffff, v3  }
0xa4: {  	[tilespmem:v37+s12+$0x0] =	vst.idx.add.f32.msk $0xffff, v4  }
0xa5: {  	[tilespmem:v38+s12+$0x0] =	vst.idx.add.f32.msk $0xffff, v5  }
0xa6: {  	v1 =	vld [tilespmem:s19+$0x16030];
	_ =	sdelay $0x4  }
0xa7: {  	v2 =	vld [tilespmem:s19+$0x160B0];
	v3 =	vadd.s32 $0x2800, v1  }
0xa8: {  	v39 =	vadd.s32 $0x5000, v1  }
0xa9: {  	v40 =	vadd.s32 $0x7800, v1;
	_ =	sdelay $0x1  }
0xaa: {  	v1 =	vld.idx.msk [tilespmem:v1+s3+$0x0], $0xffff  }
0xab: {  	v41 =	vadd.s32 $0x2800, v2;
	v3 =	vld.idx.msk [tilespmem:v3+s3+$0x0], $0xffff  }
0xac: {  	v42 =	vadd.s32 $0x5000, v2;
	v4 =	vld.idx.msk [tilespmem:v39+s3+$0x0], $0xffff  }
0xad: {  	v43 =	vadd.s32 $0x7800, v2;
	v5 =	vld.idx.msk [tilespmem:v40+s3+$0x0], $0xffff;
	_ =	sdelay $0x1  }
0xae: {  	[tilespmem:v2+s12+$0x0] =	vst.idx.add.f32.msk $0xffff, v1  }
0xaf: {  	[tilespmem:v41+s12+$0x0] =	vst.idx.add.f32.msk $0xffff, v3  }
0xb0: {  	[tilespmem:v42+s12+$0x0] =	vst.idx.add.f32.msk $0xffff, v4  }
0xb1: {  	[tilespmem:v43+s12+$0x0] =	vst.idx.add.f32.msk $0xffff, v5  }
0xb2: {  	v1 =	vld [tilespmem:s19+$0x16040];
	_ =	sdelay $0x4  }
0xb3: {  	v2 =	vld [tilespmem:s19+$0x160C0];
	v3 =	vadd.s32 $0x2800, v1  }
0xb4: {  	v44 =	vadd.s32 $0x5000, v1  }
0xb5: {  	v45 =	vadd.s32 $0x7800, v1;
	_ =	sdelay $0x1  }
0xb6: {  	v1 =	vld.idx.msk [tilespmem:v1+s3+$0x0], $0xffff  }
0xb7: {  	v46 =	vadd.s32 $0x2800, v2;
	v3 =	vld.idx.msk [tilespmem:v3+s3+$0x0], $0xffff  }
0xb8: {  	v47 =	vadd.s32 $0x5000, v2;
	v4 =	vld.idx.msk [tilespmem:v44+s3+$0x0], $0xffff  }
0xb9: {  	v48 =	vadd.s32 $0x7800, v2;
	v5 =	vld.idx.msk [tilespmem:v45+s3+$0x0], $0xffff;
	_ =	sdelay $0x1  }
0xba: {  	[tilespmem:v2+s12+$0x0] =	vst.idx.add.f32.msk $0xffff, v1  }
0xbb: {  	[tilespmem:v46+s12+$0x0] =	vst.idx.add.f32.msk $0xffff, v3  }
0xbc: {  	[tilespmem:v47+s12+$0x0] =	vst.idx.add.f32.msk $0xffff, v4  }
0xbd: {  	[tilespmem:v48+s12+$0x0] =	vst.idx.add.f32.msk $0xffff, v5  }
0xbe: {  	v1 =	vld [tilespmem:s19+$0x16050];
	_ =	sdelay $0x4  }
0xbf: {  	v2 =	vld [tilespmem:s19+$0x160D0];
	v3 =	vadd.s32 $0x2800, v1  }
0xc0: {  	v49 =	vadd.s32 $0x5000, v1  }
0xc1: {  	v50 =	vadd.s32 $0x7800, v1;
	_ =	sdelay $0x1  }
0xc2: {  	v1 =	vld.idx.msk [tilespmem:v1+s3+$0x0], $0xffff  }
0xc3: {  	v51 =	vadd.s32 $0x2800, v2;
	v3 =	vld.idx.msk [tilespmem:v3+s3+$0x0], $0xffff  }
0xc4: {  	v52 =	vadd.s32 $0x5000, v2;
	v4 =	vld.idx.msk [tilespmem:v49+s3+$0x0], $0xffff  }
0xc5: {  	v53 =	vadd.s32 $0x7800, v2;
	v5 =	vld.idx.msk [tilespmem:v50+s3+$0x0], $0xffff;
	_ =	sdelay $0x1  }
0xc6: {  	[tilespmem:v2+s12+$0x0] =	vst.idx.add.f32.msk $0xffff, v1  }
0xc7: {  	[tilespmem:v51+s12+$0x0] =	vst.idx.add.f32.msk $0xffff, v3  }
0xc8: {  	[tilespmem:v52+s12+$0x0] =	vst.idx.add.f32.msk $0xffff, v4  }
0xc9: {  	[tilespmem:v53+s12+$0x0] =	vst.idx.add.f32.msk $0xffff, v5  }
0xca: {  	v1 =	vld [tilespmem:s19+$0x16060];
	_ =	sdelay $0x4  }
0xcb: {  	v2 =	vld [tilespmem:s19+$0x160E0];
	v3 =	vadd.s32 $0x2800, v1  }
0xcc: {  	v54 =	vadd.s32 $0x5000, v1  }
0xcd: {  	v55 =	vadd.s32 $0x7800, v1;
	_ =	sdelay $0x1  }
0xce: {  	v1 =	vld.idx.msk [tilespmem:v1+s3+$0x0], $0xffff  }
0xcf: {  	v56 =	vadd.s32 $0x2800, v2;
	v3 =	vld.idx.msk [tilespmem:v3+s3+$0x0], $0xffff  }
0xd0: {  	v57 =	vadd.s32 $0x5000, v2;
	v4 =	vld.idx.msk [tilespmem:v54+s3+$0x0], $0xffff  }
0xd1: {  	v58 =	vadd.s32 $0x7800, v2;
	v5 =	vld.idx.msk [tilespmem:v55+s3+$0x0], $0xffff;
	_ =	sdelay $0x1  }
0xd2: {  	[tilespmem:v2+s12+$0x0] =	vst.idx.add.f32.msk $0xffff, v1  }
0xd3: {  	[tilespmem:v56+s12+$0x0] =	vst.idx.add.f32.msk $0xffff, v3  }
0xd4: {  	[tilespmem:v57+s12+$0x0] =	vst.idx.add.f32.msk $0xffff, v4  }
0xd5: {  	[tilespmem:v58+s12+$0x0] =	vst.idx.add.f32.msk $0xffff, v5  }
0xd6: {  	v1 =	vld [tilespmem:s19+$0x16070];
	_ =	sdelay $0x4  }
0xd7: {  	v2 =	vld [tilespmem:s19+$0x160F0];
	v3 =	vadd.s32 $0x2800, v1  }
0xd8: {  	v59 =	vadd.s32 $0x5000, v1  }
0xd9: {  	v60 =	vadd.s32 $0x7800, v1;
	_ =	sdelay $0x1  }
0xda: {  	v1 =	vld.idx.msk [tilespmem:v1+s3+$0x0], $0xffff  }
0xdb: {  	v61 =	vadd.s32 $0x2800, v2;
	v3 =	vld.idx.msk [tilespmem:v3+s3+$0x0], $0xffff  }
0xdc: {  	v62 =	vadd.s32 $0x5000, v2;
	v4 =	vld.idx.msk [tilespmem:v59+s3+$0x0], $0xffff  }
0xdd: {  	p0 =	sne.s32 s18, $0x7C00;
	v63 =	vadd.s32 $0x7800, v2;
	v5 =	vld.idx.msk [tilespmem:v60+s3+$0x0], $0xffff  }
.Ltmp2:
0xde: {  	_ = 	snop;
	(pc) =	sbr.rel @p0 .LBB2_7-.Ltmp2, $4  }
0xdf: {  	[tilespmem:v2+s12+$0x0] =	vst.idx.add.f32.msk $0xffff, v1  }
0xe0: {  	[tilespmem:v61+s12+$0x0] =	vst.idx.add.f32.msk $0xffff, v3  }
0xe1: {  	[tilespmem:v62+s12+$0x0] =	vst.idx.add.f32.msk $0xffff, v4  }
0xe2: {  	s18 =	sadd.s32 $0x400, s18;
	[tilespmem:v63+s12+$0x0] =	vst.idx.add.f32.msk $0xffff, v5  }
0xe3: {  	s17 =	sadd.s32 $0x1, s17  }
0xe4: {  	p0 =	sne.s32 s17, $0x28  }
.Ltmp3:
0xe5: {  	_ = 	snop;
	(pc) =	sbr.rel @p0 .LBB2_4-.Ltmp3, $1  }
0xe6: {  	_ =	sdelay $0x3  }
0xe7: {  	s15 =	sadd.s32 $0x1, s15  }
0xe8: {  	p0 =	sne.s32 s15, s7  }
.Ltmp4:
0xe9: {  	_ = 	snop;
	(pc) =	sbr.rel @p0 .LBB2_1-.Ltmp4, $4  }
0xea: {  	[hbm4b:s6+s3] =	stream.linear.scatter [tilespmem:s12], [sflag:$0x4], $0xA000, $0x38;
	[tilespmem:$0x18000] =	vst v63  }
0xeb: {  	_ =	swait.ge [sflag:s14], $0xA000  }
0xec: {  	[sflag:s14] =	ssyncset.done $0x0  }
0xed: {  	[sflag:s14] =	ssyncadd.s32 $0xFFFF6000  }
0xee: {  	_ =	sfence.sel $0x180000  }
0xef: {  	[bflag:$0x0] =	sbarrier.arrive $0xFFFF  }
0xf0: {  	p0 =	sne.s32 s1, $0x0;
	_ =	strace $0x9000004D  }
0xf1: {  	s0 =	sadd.s32 @!p0 $0x100000, s0;
	[bflag:$0x2] =	sbarrier.arrive $0xFFFF  }
0xf2: {  	[sflag:s0] =	ssyncadd.tile.s32 @!p0 $0x1;
	_ =	shalt  }
.Lfunc_end2:
_tile_overlayer_lowered:
.L_overlay_start_2:
0xf3: {  	(tag) =	ssettag $0x2  }
0xf4: {  	s0 =	rddreg [dreg:$0x0];
	s2 =	stileid.u32  }
0xf5: {  	s1 =	rddreg [dreg:$0x1];
	p0 =	sne.s32 s2, $0x0  }
0xf6: {  	s3 =	rddreg [dreg:$0x2];
	[bflag:$0x3] =	sbarrier.arrive $0xFFFF;
	s2 =	simm.s32 @!p0 $0x1C04  }
0xf7: {  	[timem:s3], [sflag:s2] =	dma.local @!p0 [hbm:s0], s1  }
0xf8: {  	s0 =	simm.s32 @!p0 $0x4  }
0xf9: {  	_ =	swait.ge @!p0 [sflag:s0], s1  }
0xfa: {  	s1 =	ssub.s32 @!p0 $0x0, s1;
	[sflag:s0] =	ssyncset.done @!p0 $0x0  }
0xfb: {  	[sflag:s0] =	ssyncadd.s32 @!p0 s1  }
0xfc: {  	[bflag:$0x3] =	sbarrier.arrive $0xFFFF  }
0xfd: {  	_ =	shalt  }

// kernel: kernel.8.cloned.1.call-start
scs
__scs_entry_jumppad:
0x0: {  	(pc) =	sbr.rel $0x88, $3  }
0x1: {  	(tag) =	ssettag $0x0;
	lr =	simm.s32 $0x1  }
0x2: {  	[smem:$0x3F9B] =	sst lr;
	_ =	strace $0xD0000000  }
0x3: {  	_ = 	snop  }
0x4: {  	_ = 	snop  }
0x5: {  	_ = 	snop  }
0x6: {  	_ = 	snop  }
0x7: {  	_ = 	snop  }
__scs_overlays_trampoline_lowered:
0x8: {  	[smem:$0x3FAA] =	sst s0  }
0x9: {  	[smem:$0x3FAB] =	sst s1  }
0xa: {  	[smem:$0x3FAC] =	sst s2  }
0xb: {  	[smem:$0x3FAD] =	sst s3  }
0xc: {  	[smem:$0x3FAE] =	sst s4  }
0xd: {  	[smem:$0x3FAF] =	sst s5  }
0xe: {  	[smem:$0x3FB0] =	sst s6  }
0xf: {  	[smem:$0x3FB1] =	sst s7  }
0x10: {  	[smem:$0x3FB2] =	sst s8  }
0x11: {  	[smem:$0x3FB3] =	sst s9;
	s0 =	simm.s32 @!p0 $0x0  }
0x12: {  	s1 =	sld [smem:$0x3F99];
	s0 =	simm.s32 @p0 $0x1  }
0x13: {  	[smem:$0x3FB4] =	sst s0;
	s0 =	simm.s32 @!p1 $0x0  }
0x14: {  	s2 =	sld [smem:$0x3F98];
	s0 =	simm.s32 @p1 $0x1  }
0x15: {  	[smem:$0x3FB5] =	sst s0;
	s0 =	simm.s32 @!p2 $0x0  }
0x16: {  	s3 =	sld [smem:$0x3FDB];
	s0 =	simm.s32 @p2 $0x1  }
0x17: {  	s4 =	simm.s32 $0x1BF5;
	[smem:$0x3FB7] =	sst s0  }
0x18: {  	s0 =	sld [smem:$0x3F9A];
	_ =	swait.ge [sflag:s4], $0x0  }
0x19: {  	s7 =	sld [smem:$0x3F9B]  }
0x1a: {  	s8 =	sadd.s32 $0xFFFFE003, lr  }
0x1b: {  	s9 =	sadd.s32 $0xFFFFFEF7, lr;
	s5 =	simm.s32 $0xFFFFFFFF;
	p2 =	slt.u32 s8, $0xFFFFF086  }
0x1c: {  	p1 =	slt.u32 s9, $0xF7A;
	s5 =	simm.s32 @!p2 $0x0  }
0x1d: {  	s5 =	simm.s32 @p1 $0x1;
	p0 =	seq.s32 s7, s2  }
0x1e: {  	s7 =	smul.u32 @!p0 $0xF7A, s2;
	p2 =	seq.s32 @!p0 s5, $0x0  }
0x1f: {  	s9 =	smul.u32 $0xF7A, s1;
	s8 =	simm.s32 @!p0 $0x1BF5;
	p2 =	por !p2, p0  }
0x20: {  	[sflag:s8] =	ssyncset.s32 @!p0 $0xFFFFF086;
	s6 =	sadd.s32 @!p0 s3, s7;
	s7 =	simm.s32 @!p0 $0x108  }
0x21: {  	s3 =	sadd.s32 s3, s9;
	s6 =	sadd.s32 @!p0 $0x88, s6;
	s7 =	simm.s32 @p2 $0x1082  }
0x22: {  	[simem:s7], [sflag:s8] =	dma.local @!p0 [hbm:s6], $0xF7A  }
0x23: {  	s9 =	sor.u32 $0xD0000000, s2;
	s6 =	simm.s32 $0x108;
	_ =	swait.ge @!p0 [sflag:s8], $0x0  }
0x24: {  	s3 =	sadd.s32 $0x88, s3;
	s6 =	simm.s32 @!p1 $0x1082;
	[sflag:s4] =	ssyncset.s32 $0xFFFFF086  }
0x25: {  	[simem:s6], [sflag:s4] =	dma.local [hbm:s3], $0xF7A  }
0x26: {  	[smem:$0x3F9B] =	sst s1;
	(tag) =	ssettag s2;
	_ =	strace s9  }
0x27: {  	s1 =	sld [smem:$0x3FAB]  }
0x28: {  	s2 =	sld [smem:$0x3FAC]  }
0x29: {  	s4 =	sld [smem:$0x3FAE]  }
0x2a: {  	p0 =	seq.s32 s5, $0x0;
	s5 =	sld [smem:$0x3FAF]  }
0x2b: {  	s6 =	sld [smem:$0x3FB0]  }
0x2c: {  	s7 =	sld [smem:$0x3FB1]  }
0x2d: {  	s3 =	simm.s32 $0x108;
	s8 =	sld [smem:$0x3FB2]  }
0x2e: {  	s3 =	simm.s32 @!p0 $0x1082;
	s9 =	sld [smem:$0x3FB3]  }
0x2f: {  	lr =	sadd.s32 s0, s3;
	s0 =	sld [smem:$0x3FAA]  }
0x30: {  	s3 =	sld [smem:$0x3FAD]  }
0x31: {  	[smem:$0x3FB6] =	sst s10  }
0x32: {  	s10 =	sld [smem:$0x3FB4];
	_ =	sdelay $0x3  }
0x33: {  	p0 =	seq.s32 s10, $0x1;
	s10 =	sld [smem:$0x3FB6];
	_ =	sdelay $0x3  }
0x34: {  	[smem:$0x3FB6] =	sst s10  }
0x35: {  	s10 =	sld [smem:$0x3FB5];
	_ =	sdelay $0x3  }
0x36: {  	p1 =	seq.s32 s10, $0x1;
	s10 =	sld [smem:$0x3FB6];
	_ =	sdelay $0x3  }
0x37: {  	[smem:$0x3FB6] =	sst s10  }
0x38: {  	s10 =	sld [smem:$0x3FB7]  }
0x39: {  	_ = 	snop;
	(pc) =	sbr.ind lr, $3  }
0x3a: {  	_ = 	snop  }
0x3b: {  	_ = 	snop  }
0x3c: {  	p2 =	seq.s32 s10, $0x1;
	s10 =	sld [smem:$0x3FB6]  }
0x3d: {  	_ =	shalt  }
0x3e: {  	_ =	shalt  }
0x3f: {  	_ =	shalt  }
0x40: {  	_ =	shalt  }
0x41: {  	_ =	shalt  }
0x42: {  	_ =	shalt  }
0x43: {  	_ =	shalt  }
0x44: {  	_ =	shalt  }
0x45: {  	_ =	shalt  }
0x46: {  	_ =	shalt  }
0x47: {  	_ =	shalt  }
0x48: {  	_ =	shalt  }
0x49: {  	_ =	shalt  }
0x4a: {  	_ =	shalt  }
0x4b: {  	_ =	shalt  }
0x4c: {  	_ =	shalt  }
0x4d: {  	_ =	shalt  }
0x4e: {  	_ =	shalt  }
0x4f: {  	_ =	shalt  }
0x50: {  	_ =	shalt  }
0x51: {  	_ =	shalt  }
0x52: {  	_ =	shalt  }
0x53: {  	_ =	shalt  }
0x54: {  	_ =	shalt  }
0x55: {  	_ =	shalt  }
0x56: {  	_ =	shalt  }
0x57: {  	_ =	shalt  }
0x58: {  	_ =	shalt  }
0x59: {  	_ =	shalt  }
0x5a: {  	_ =	shalt  }
0x5b: {  	_ =	shalt  }
0x5c: {  	_ =	shalt  }
0x5d: {  	_ =	shalt  }
0x5e: {  	_ =	shalt  }
0x5f: {  	_ =	shalt  }
0x60: {  	_ =	shalt  }
0x61: {  	_ =	shalt  }
0x62: {  	_ =	shalt  }
0x63: {  	_ =	shalt  }
0x64: {  	_ =	shalt  }
0x65: {  	_ =	shalt  }
0x66: {  	_ =	shalt  }
0x67: {  	_ =	shalt  }
0x68: {  	_ =	shalt  }
0x69: {  	_ =	shalt  }
0x6a: {  	_ =	shalt  }
0x6b: {  	_ =	shalt  }
0x6c: {  	_ =	shalt  }
0x6d: {  	_ =	shalt  }
0x6e: {  	_ =	shalt  }
0x6f: {  	_ =	shalt  }
0x70: {  	_ =	shalt  }
0x71: {  	_ =	shalt  }
0x72: {  	_ =	shalt  }
0x73: {  	_ =	shalt  }
0x74: {  	_ =	shalt  }
0x75: {  	_ =	shalt  }
0x76: {  	_ =	shalt  }
0x77: {  	_ =	shalt  }
0x78: {  	_ =	shalt  }
0x79: {  	_ =	shalt  }
0x7a: {  	_ =	shalt  }
0x7b: {  	_ =	shalt  }
0x7c: {  	_ =	shalt  }
0x7d: {  	_ =	shalt  }
0x7e: {  	_ =	shalt  }
0x7f: {  	_ =	shalt  }
0x80: {  	_ =	shalt  }
0x81: {  	_ =	shalt  }
0x82: {  	_ =	shalt  }
0x83: {  	_ =	shalt  }
0x84: {  	_ =	shalt  }
0x85: {  	_ =	shalt  }
0x86: {  	_ =	shalt  }
0x87: {  	_ =	shalt  }
.Lfunc_end0:
.L_simem_size_0:
called_computation_lowered:
.L_overlay_start_0:
0x88: {  	s2 =	sld [smem:$0x3FD9]  }
0x89: {  	s3 =	sld [smem:$0x3FFE];
	_ =	sdelay $0x1  }
0x8a: {  	s1 =	srdreg.scid  }
0x8b: {  	s0 =	sand.u32 $0x1, s1  }
0x8c: {  	s16 =	sshll.u32 s0, $0xA;
	s2 =	sadd.s32 s3, s2  }
0x8d: {  	s2 =	sadd.s32 s2, s16  }
0x8e: {  	[smem:$0x3FC2] =	sst s2  }
0x8f: {  	_ = 	snop  }
0x90: {  	(tm) =	ssettm $0x1  }
0x91: {  	s17 =	sld [smem:$0x3FFB];
	_ =	sdelay $0x3  }
0x92: {  	_ =	strace s17  }
0x93: {  	s2 =	sld [smem:$0x3FFC];
	_ =	sdelay $0x3  }
0x94: {  	_ =	strace s2  }
0x95: {  	s2 =	sld [smem:$0x3FFD];
	_ =	sdelay $0x3  }
0x96: {  	_ =	strace s2  }
0x97: {  	_ =	strace $0x8FFFFFFF  }
0x98: {  	s18 =	sld [smem:$0x3FDB];
	_ =	sdelay $0x1  }
0x99: {  	s19 =	simm.s32 $_scs_section_size  }
0x9a: {  	s4 =	simm.s32 $_size__tile_overlayer_lowered;
	s5 =	simm.s32 $_tile_overlayer_lowered  }
0x9b: {  	s22 =	simm.s32 $0x1BFF;
	s21 =	sshll.u32 s5, $0x1;
	s2 =	sadd.s32 s19, s18  }
0x9c: {  	s6 =	simm.s32 $0x0;
	s20 =	sshll.u32 s4, $0x1;
	s4 =	sadd.s32 s21, s2  }
0x9d: {  	[timem:s6], [sflag:s22] =	dma.local [hbm:s4], s20  }
0x9e: {  	_ =	swait.ge [sflag:s22], s20  }
0x9f: {  	s3 =	ssub.s32 $0x0, s20;
	[sflag:s22] =	ssyncset.done $0x0  }
0xa0: {  	[sflag:s22] =	ssyncadd.s32 s3;
	_ =	sdelay $0x1  }
0xa1: {  	s23 =	simm.s32 $0x1B8B  }
0xa2: {  	_ =	swait.ge [sflag:s23], $0x1  }
0xa3: {  	[sflag:s23] =	ssyncset.done $0x0  }
0xa4: {  	s25 =	simm.s32 $0x1B8E;
	s24 =	sld [smem:$0x3FFE];
	[sflag:s23] =	ssyncadd.s32 $0xFFFFFFFF  }
0xa5: {  	s26 =	simm.s32 $execute0_lowered;
	[smem:$0x3FD2] =	sst s25  }
0xa6: {  	s4 =	sshll.u32 s26, $0x1;
	_ =	strace $0x80000046;
	[dreg:$0x1] =	wrdreg $0xFFFFFFFF  }
0xa7: {  	s28 =	simm.s32 $_size_execute0_lowered;
	s2 =	sadd.s32 s2, s4;
	[dreg:$0x0] =	wrdreg $0x0  }
0xa8: {  	s4 =	sshll.u32 s28, $0x1;
	[dreg:$0x2] =	wrdreg s2  }
0xa9: {  	[dreg:$0x3] =	wrdreg s4  }
0xaa: {  	[dreg:$0x4] =	wrdreg $0xC0  }
0xab: {  	_ =	task [dreg:s6], $0x5FFFF  }
0xac: {  	[dreg:$0x1] =	wrdreg $0xFFFFFFFF  }
0xad: {  	[dreg:$0x0] =	wrdreg $0x60  }
0xae: {  	[dreg:$0x2] =	wrdreg s24  }
0xaf: {  	[dreg:$0x3] =	wrdreg $0x78000  }
0xb0: {  	[dreg:$0x4] =	wrdreg $0x9  }
0xb1: {  	_ =	task.clear_ibuf [dreg:s6], $0x5FFFF;
	_ =	strace $0x90000046  }
0xb2: {  	s29 =	simm.s32 $0x9;
	_ =	strace $0x80000048  }
0xb3: {  	_ =	swait.ge [sflag:s29], $0x1  }
0xb4: {  	[sflag:s29] =	ssyncadd.s32 $0xFFFFFFFF  }
0xb5: {  	_ =	strace $0x90000048  }
0xb6: {  	_ =	sfence  }
0xb7: {  	s30 =	sld [smem:$0x0];
	_ =	sdelay $0x2  }
0xb8: {  	s31 =	sshll.u32 s1, $0xD;
	s1 =	sshrl.u32 s1, $0x2  }
0xb9: {  	s3 =	sand.u32 $0x4000, s31;
	s1 =	sadd.s32 s1, s30  }
0xba: {  	s0 =	sor.u32 s3, s0;
	s1 =	sshll.u32 s1, $0x11  }
0xbb: {  	s0 =	sor.u32 s1, s0  }
0xbc: {  	s0 =	sadd.s32 $0x8F2B, s0  }
0xbd: {  	[sflag:s0] =	ssyncadd.remote.s32 $0x1  }
0xbe: {  	_ =	sfence.sel $0xFFFF  }
0xbf: {  	[dreg:$0x0] =	wrdreg $0xFFFFFFFF;
	(pc) =	sbr.abs _section_cstart, $3  }
0xc0: {  	[dreg:$0x1] =	wrdreg $0xFFFFFFFF  }
0xc1: {  	_ =	task.clear_ibuf [dreg:s6], $0x2FFFF;
	_ =	strace $0x9FFFFFFF  }
0xc2: {  	(tm) =	ssettm $0x7FFFFFFF  }
0xc3: {  	_ =	shalt  }
tec
execute0_lowered:
.L_overlay_start_1:
0x0: {  	(tag) =	ssettag $0x1  }
0x1: {  	s0 =	srdreg.scid  }
0x2: {  	s1 =	rddreg [dreg:$0x0];
	s7 =	stileid.u32  }
0x3: {  	s3 =	rddreg [dreg:$0x1];
	s4 =	simm.s32 $0x0;
	s0 =	sand.u32 $0x1, s0  }
0x4: {  	[smem:$0x7FF] =	sst s4;
	s11 =	smul.u32 $0x500, s7;
	s12 =	sshrl.u32 s7, $0x3  }
0x5: {  	s6 =	smul.u32 $0x5000, s7;
	s14 =	sshll.u32 s7, $0x7;
	s2 =	sshll.u32 s0, $0x4  }
0x6: {  	s5 =	sshll.u32 s0, $0x7;
	s0 =	ssub.s32 $0x2, s0;
	s2 =	sor.u32 s7, s2  }
0x7: {  	s4 =	sor.u32 s5, s11;
	s5 =	smul.u32 $0x50000, s12;
	s13 =	sshrl.u32 s0, $0x1  }
0x8: {  	_ =	strace $0x80000047;
	s2 =	smul.u32 $0x500, s2;
	s0 =	ssub.s32 s0, s13  }
0x9: {  	s4 =	sshrl.u32 s4, $0x3;
	s5 =	sshrl.u32 s5, $0x2;
	s0 =	smax.u32 s0, $0x1  }
0xa: {  	s2 =	sadd.s32 s2, s1;
	s1 =	sadd.s32 s4, s1;
	s4 =	sand.u32 $0x380, s14  }
0xb: {  	s5 =	sadd.s32 s5, s3;
	[dreg:$0x15] =	wrdreg s0;
	s2 =	sadd.s32 $0x1400, s2  }
0xc: {  	s6 =	sshrl.u32 s6, $0x2;
	s15 =	sadd.s32 s4, s5;
	[dreg:$0x3] =	wrdreg s2  }
0xd: {  	s5 =	sadd.s32 s6, s3;
	s1 =	sadd.s32 $0xB400, s1;
	[dreg:$0x4] =	wrdreg s15  }
0xe: {  	s16 =	sadd.s32 $0x80, s5;
	[dreg:$0x14] =	wrdreg s1  }
0xf: {  	s17 =	sadd.s32 $0x100, s5;
	[dreg:$0x5] =	wrdreg s16  }
0x10: {  	s18 =	sadd.s32 $0x180, s5;
	[dreg:$0x6] =	wrdreg s17  }
0x11: {  	s19 =	sadd.s32 $0x200, s5;
	[dreg:$0x7] =	wrdreg s18  }
0x12: {  	s20 =	sadd.s32 $0x280, s5;
	[dreg:$0x8] =	wrdreg s19  }
0x13: {  	s21 =	sadd.s32 $0x300, s5;
	[dreg:$0x9] =	wrdreg s20  }
0x14: {  	s22 =	sadd.s32 $0x380, s5;
	[dreg:$0xa] =	wrdreg s21  }
0x15: {  	s23 =	sadd.s32 $0x14000, s5;
	[dreg:$0xb] =	wrdreg s22  }
0x16: {  	s24 =	sadd.s32 $0x14080, s5;
	[dreg:$0xc] =	wrdreg s23  }
0x17: {  	s25 =	sadd.s32 $0x14100, s5;
	[dreg:$0xd] =	wrdreg s24  }
0x18: {  	s26 =	sadd.s32 $0x14180, s5;
	[dreg:$0xe] =	wrdreg s25  }
0x19: {  	s3 =	sadd.s32 $0x14200, s5;
	[dreg:$0xf] =	wrdreg s26  }
0x1a: {  	s4 =	sadd.s32 $0x14280, s5;
	[dreg:$0x10] =	wrdreg s3  }
0x1b: {  	s6 =	sadd.s32 $0x14300, s5;
	[dreg:$0x11] =	wrdreg s4  }
0x1c: {  	s7 =	sadd.s32 $0x14380, s5;
	[dreg:$0x12] =	wrdreg s6  }
0x1d: {  	s8 =	sadd.s32 $0x400, s5;
	[dreg:$0x13] =	wrdreg s7  }
0x1e: {  	s9 =	sadd.s32 $0x800, s5;
	[dreg:$0x16] =	wrdreg s8  }
0x1f: {  	s10 =	sadd.s32 $0xC00, s5;
	[dreg:$0x17] =	wrdreg s9  }
0x20: {  	s11 =	sadd.s32 $0x1000, s5;
	[dreg:$0x18] =	wrdreg s10  }
0x21: {  	s12 =	sadd.s32 $0x480, s5;
	[dreg:$0x19] =	wrdreg s11  }
0x22: {  	s13 =	sadd.s32 $0x880, s5;
	[dreg:$0x1a] =	wrdreg s12  }
0x23: {  	s14 =	sadd.s32 $0xC80, s5;
	[dreg:$0x1b] =	wrdreg s13  }
0x24: {  	s15 =	sadd.s32 $0x1080, s5;
	[dreg:$0x1c] =	wrdreg s14  }
0x25: {  	s1 =	sadd.s32 $0x1200, s5;
	[dreg:$0x1d] =	wrdreg s15  }
0x26: {  	s2 =	sadd.s32 $0x680, s5;
	[smem:$0x7E5] =	sst s1  }
0x27: {  	s16 =	sadd.s32 $0x500, s5;
	[smem:$0x7E6] =	sst s2  }
0x28: {  	s17 =	sadd.s32 $0x900, s5;
	[dreg:$0x1e] =	wrdreg s16  }
0x29: {  	s18 =	sadd.s32 $0xD00, s5;
	[dreg:$0x1f] =	wrdreg s17  }
0x2a: {  	s19 =	sadd.s32 $0x1100, s5;
	[smem:$0x7DC] =	sst s18  }
0x2b: {  	s20 =	sadd.s32 $0x580, s5;
	[smem:$0x7DD] =	sst s19  }
0x2c: {  	s21 =	sadd.s32 $0x980, s5;
	[smem:$0x7DE] =	sst s20  }
0x2d: {  	s22 =	sadd.s32 $0xD80, s5;
	[smem:$0x7DF] =	sst s21  }
0x2e: {  	s23 =	sadd.s32 $0x1180, s5;
	[smem:$0x7E0] =	sst s22  }
0x2f: {  	s24 =	sadd.s32 $0x600, s5;
	[smem:$0x7E1] =	sst s23  }
0x30: {  	s25 =	sadd.s32 $0xA00, s5;
	[smem:$0x7E2] =	sst s24  }
0x31: {  	s26 =	sadd.s32 $0xE00, s5;
	[smem:$0x7E3] =	sst s25  }
0x32: {  	s3 =	sadd.s32 $0xA80, s5;
	[smem:$0x7E4] =	sst s26  }
0x33: {  	s4 =	sadd.s32 $0xE80, s5;
	[smem:$0x7E7] =	sst s3  }
0x34: {  	s6 =	sadd.s32 $0x1280, s5;
	[smem:$0x7E8] =	sst s4  }
0x35: {  	s7 =	sadd.s32 $0x700, s5;
	[smem:$0x7E9] =	sst s6  }
0x36: {  	s8 =	sadd.s32 $0xB00, s5;
	[smem:$0x7EA] =	sst s7  }
0x37: {  	s9 =	sadd.s32 $0xF00, s5;
	[smem:$0x7EB] =	sst s8  }
0x38: {  	s10 =	sadd.s32 $0x1300, s5;
	[smem:$0x7EC] =	sst s9  }
0x39: {  	s11 =	sadd.s32 $0x780, s5;
	[smem:$0x7ED] =	sst s10  }
0x3a: {  	s12 =	sadd.s32 $0xB80, s5;
	[smem:$0x7EE] =	sst s11  }
0x3b: {  	s28 =	simm.s32 $0x1;
	s13 =	sadd.s32 $0xF80, s5;
	[smem:$0x7EF] =	sst s12  }
0x3c: {  	s29 =	simm.s32 $0x2800;
	s14 =	sadd.s32 $0x1380, s5;
	[smem:$0x7F0] =	sst s13  }
0x3d: {  	s30 =	simm.s32 $0x80;
	s15 =	sadd.s32 $0x14400, s5;
	[smem:$0x7F1] =	sst s14  }
0x3e: {  	s31 =	simm.s32 $0x2;
	[smem:$0x7F2] =	sst s15;
	s16 =	sadd.s32 $0x14800, s5  }
0x3f: {  	s1 =	simm.s32 $0x0;
	s17 =	sadd.s32 $0x14C00, s5;
	[smem:$0x7F3] =	sst s16  }
0x40: {  	s18 =	sadd.s32 $0x15000, s5;
	s19 =	sadd.s32 $0x14480, s5;
	[smem:$0x7F4] =	sst s17  }
0x41: {  	s20 =	sadd.s32 $0x14880, s5;
	s21 =	sadd.s32 $0x14C80, s5;
	[smem:$0x7F5] =	sst s18  }
0x42: {  	s22 =	sadd.s32 $0x15080, s5;
	s23 =	sadd.s32 $0x14500, s5;
	[smem:$0x7F6] =	sst s19  }
0x43: {  	s24 =	sadd.s32 $0x14900, s5;
	s25 =	sadd.s32 $0x14D00, s5;
	[smem:$0x7F7] =	sst s20  }
0x44: {  	s26 =	sadd.s32 $0x15100, s5;
	s7 =	sadd.s32 $0x14580, s5;
	[smem:$0x7F8] =	sst s21  }
0x45: {  	s8 =	sadd.s32 $0x14980, s5;
	s9 =	sadd.s32 $0x14D80, s5;
	[smem:$0x7F9] =	sst s22  }
0x46: {  	s10 =	sadd.s32 $0x15180, s5;
	s11 =	sadd.s32 $0x14600, s5;
	[smem:$0x7FA] =	sst s23  }
0x47: {  	s12 =	sadd.s32 $0x14A00, s5;
	s13 =	sadd.s32 $0x14E00, s5;
	[smem:$0x7FB] =	sst s24  }
0x48: {  	s14 =	sadd.s32 $0x15200, s5;
	s15 =	sadd.s32 $0x14680, s5;
	[smem:$0x7FC] =	sst s25  }
0x49: {  	[smem:$0x7FD] =	sst s26;
	s16 =	sadd.s32 $0x14A80, s5;
	s17 =	sadd.s32 $0x14E80, s5  }
0x4a: {  	s18 =	sadd.s32 $0x15280, s5;
	s19 =	sadd.s32 $0x14700, s5;
	s20 =	sadd.s32 $0x14B00, s5  }
0x4b: {  	s21 =	sadd.s32 $0x14F00, s5;
	s22 =	sadd.s32 $0x15300, s5;
	s23 =	sadd.s32 $0x14780, s5  }
0x4c: {  	v0 =	vimm.f32 $0.0e+00;
	v1 =	vimm.f32 $1.000000000e+00;
	s24 =	sadd.s32 $0x14B80, s5;
	s25 =	sadd.s32 $0x14F80, s5;
	s26 =	sadd.s32 $0x15380, s5  }
.LBB2_1:
0x4d: {  	s0 =	simm.s32 $0x0;
	s2 =	rddreg [dreg:$0x3]  }
0x4e: {  	[tilespmem:s0], [sflag:$0x1] =	stream.linear.gather [hbm4b:s2+s0], $0x2800, $0x38;
	[tilespmem:$0xA000] =	vst v63  }
0x4f: {  	_ =	swait.ge [sflag:s28], $0x2800  }
0x50: {  	[sflag:s28] =	ssyncset.done $0x0  }
0x51: {  	s0 =	simm.s32 $0x0;
	[sflag:s28] =	ssyncadd.s32 $0xFFFFD800  }
.LBB2_2:
0x52: {  	p0 =	sne.s32 s0, $0x9FC0  }
.Ltmp0:
0x53: {  	_ = 	snop;
	(pc) =	sbr.rel @p0 .LBB2_2-.Ltmp0, $3  }
0x54: {  	_ =	sdelay $0x1  }
0x55: {  	s2 =	sshra.s32 s0, $0x2  }
0x56: {  	s0 =	sadd.s32 $0x40, s0;
	[tilespmem:s2+$0x2800] =	vst v0  }
0x57: {  	s0 =	simm.s32 $0x0  }
.LBB2_4:
0x58: {  	s2 =	sshra.s32 s0, $0x2  }
0x59: {  	v2 =	vld [tilespmem:s2+$0x0];
	_ =	sdelay $0x7  }
0x5a: {  	[tilespmem:v2+s29+$0x0] =	vst.idx.add.f32.msk $0xffff, v1  }
0x5b: {  	v2 =	vld [tilespmem:s2+$0x10];
	_ =	sdelay $0x7  }
0x5c: {  	[tilespmem:v2+s29+$0x0] =	vst.idx.add.f32.msk $0xffff, v1  }
0x5d: {  	v2 =	vld [tilespmem:s2+$0x20];
	_ =	sdelay $0x7  }
0x5e: {  	[tilespmem:v2+s29+$0x0] =	vst.idx.add.f32.msk $0xffff, v1  }
0x5f: {  	v2 =	vld [tilespmem:s2+$0x30];
	_ =	sdelay $0x7  }
0x60: {  	[tilespmem:v2+s29+$0x0] =	vst.idx.add.f32.msk $0xffff, v1  }
0x61: {  	v2 =	vld [tilespmem:s2+$0x40];
	_ =	sdelay $0x7  }
0x62: {  	[tilespmem:v2+s29+$0x0] =	vst.idx.add.f32.msk $0xffff, v1  }
0x63: {  	v2 =	vld [tilespmem:s2+$0x50];
	_ =	sdelay $0x7  }
0x64: {  	[tilespmem:v2+s29+$0x0] =	vst.idx.add.f32.msk $0xffff, v1  }
0x65: {  	v2 =	vld [tilespmem:s2+$0x60];
	_ =	sdelay $0x7  }
0x66: {  	[tilespmem:v2+s29+$0x0] =	vst.idx.add.f32.msk $0xffff, v1  }
0x67: {  	v2 =	vld [tilespmem:s2+$0x70];
	_ =	sdelay $0x2  }
0x68: {  	p0 =	sne.s32 s0, $0x9E00  }
.Ltmp1:
0x69: {  	_ = 	snop;
	(pc) =	sbr.rel @p0 .LBB2_4-.Ltmp1, $2  }
0x6a: {  	_ =	sdelay $0x2  }
0x6b: {  	s0 =	sadd.s32 $0x200, s0;
	[tilespmem:v2+s29+$0x0] =	vst.idx.add.f32.msk $0xffff, v1  }
0x6c: {  	s0 =	simm.s32 $0x2800;
	s2 =	rddreg [dreg:$0x4];
	s3 =	simm.s32 $0x400  }
0x6d: {  	[spmem:s2] =	stream.strided.scatter [tilespmem:s0], [sflag:$0x2], $0x2800, s3, s30, $0x38;
	[tilespmem:$0xA000] =	vst v63  }
0x6e: {  	_ =	swait.ge [sflag:s31], $0x2800  }
0x6f: {  	[sflag:s31] =	ssyncset.done $0x0  }
0x70: {  	[sflag:s31] =	ssyncadd.s32 $0xFFFFD800  }
0x71: {  	s3 =	simm.s32 $0x5000;
	[bflag:$0x0] =	sbarrier.arrive $0xFFFF  }
0x72: {  	[tilespmem:s3], [sflag:$0x2] =	stream.linear.gather [spmem:s5], $0x80, $0x38;
	[tilespmem:$0xA000] =	vst v63  }
0x73: {  	s6 =	simm.s32 $0x5400;
	s4 =	rddreg [dreg:$0x16]  }
0x74: {  	[tilespmem:s6], [sflag:$0x2] =	stream.linear.gather [spmem:s4], $0x80, $0x38;
	[tilespmem:$0xA000] =	vst v63  }
0x75: {  	s4 =	rddreg [dreg:$0x17];
	s6 =	simm.s32 $0x5800  }
0x76: {  	[tilespmem:s6], [sflag:$0x2] =	stream.linear.gather [spmem:s4], $0x80, $0x38;
	[tilespmem:$0xA000] =	vst v63  }
0x77: {  	s4 =	rddreg [dreg:$0x18];
	s6 =	simm.s32 $0x5C00  }
0x78: {  	[tilespmem:s6], [sflag:$0x2] =	stream.linear.gather [spmem:s4], $0x80, $0x38;
	[tilespmem:$0xA000] =	vst v63  }
0x79: {  	s4 =	rddreg [dreg:$0x19];
	s6 =	simm.s32 $0x6000  }
0x7a: {  	[tilespmem:s6], [sflag:$0x2] =	stream.linear.gather [spmem:s4], $0x80, $0x38;
	[tilespmem:$0xA000] =	vst v63  }
0x7b: {  	_ =	swait.ge [sflag:s31], $0x280  }
0x7c: {  	[sflag:s31] =	ssyncset.done $0x0  }
0x7d: {  	s6 =	simm.s32 $0x5080;
	s4 =	rddreg [dreg:$0x5];
	[sflag:s31] =	ssyncadd.s32 $0xFFFFFD80  }
0x7e: {  	[tilespmem:s6], [sflag:$0x2] =	stream.linear.gather [spmem:s4], $0x80, $0x38;
	[tilespmem:$0xA000] =	vst v63  }
0x7f: {  	s4 =	rddreg [dreg:$0x1a];
	s6 =	simm.s32 $0x5480  }
0x80: {  	[tilespmem:s6], [sflag:$0x2] =	stream.linear.gather [spmem:s4], $0x80, $0x38;
	[tilespmem:$0xA000] =	vst v63  }
0x81: {  	s4 =	rddreg [dreg:$0x1b];
	s6 =	simm.s32 $0x5880  }
0x82: {  	[tilespmem:s6], [sflag:$0x2] =	stream.linear.gather [spmem:s4], $0x80, $0x38;
	[tilespmem:$0xA000] =	vst v63  }
0x83: {  	s4 =	rddreg [dreg:$0x1c];
	s6 =	simm.s32 $0x5C80  }
0x84: {  	[tilespmem:s6], [sflag:$0x2] =	stream.linear.gather [spmem:s4], $0x80, $0x38;
	[tilespmem:$0xA000] =	vst v63  }
0x85: {  	s4 =	rddreg [dreg:$0x1d];
	s6 =	simm.s32 $0x6080  }
0x86: {  	[tilespmem:s6], [sflag:$0x2] =	stream.linear.gather [spmem:s4], $0x80, $0x38;
	[tilespmem:$0xA000] =	vst v63  }
0x87: {  	_ =	swait.ge [sflag:s31], $0x280  }
0x88: {  	[sflag:s31] =	ssyncset.done $0x0  }
0x89: {  	s6 =	simm.s32 $0x5100;
	s4 =	rddreg [dreg:$0x6];
	[sflag:s31] =	ssyncadd.s32 $0xFFFFFD80  }
0x8a: {  	[tilespmem:s6], [sflag:$0x2] =	stream.linear.gather [spmem:s4], $0x80, $0x38;
	[tilespmem:$0xA000] =	vst v63  }
0x8b: {  	s4 =	rddreg [dreg:$0x1e];
	s6 =	simm.s32 $0x5500  }
0x8c: {  	[tilespmem:s6], [sflag:$0x2] =	stream.linear.gather [spmem:s4], $0x80, $0x38;
	[tilespmem:$0xA000] =	vst v63  }
0x8d: {  	s4 =	rddreg [dreg:$0x1f];
	s6 =	simm.s32 $0x5900  }
0x8e: {  	[tilespmem:s6], [sflag:$0x2] =	stream.linear.gather [spmem:s4], $0x80, $0x38;
	[tilespmem:$0xA000] =	vst v63  }
0x8f: {  	s4 =	sld [smem:$0x7DC];
	_ =	sdelay $0x1  }
0x90: {  	s6 =	simm.s32 $0x5D00  }
0x91: {  	[tilespmem:s6], [sflag:$0x2] =	stream.linear.gather [spmem:s4], $0x80, $0x38;
	[tilespmem:$0xA000] =	vst v63  }
0x92: {  	s4 =	sld [smem:$0x7DD];
	_ =	sdelay $0x1  }
0x93: {  	s6 =	simm.s32 $0x6100  }
0x94: {  	[tilespmem:s6], [sflag:$0x2] =	stream.linear.gather [spmem:s4], $0x80, $0x38;
	[tilespmem:$0xA000] =	vst v63  }
0x95: {  	_ =	swait.ge [sflag:s31], $0x280  }
0x96: {  	[sflag:s31] =	ssyncset.done $0x0  }
0x97: {  	s6 =	simm.s32 $0x5180;
	s4 =	rddreg [dreg:$0x7];
	[sflag:s31] =	ssyncadd.s32 $0xFFFFFD80  }
0x98: {  	[tilespmem:s6], [sflag:$0x2] =	stream.linear.gather [spmem:s4], $0x80, $0x38;
	[tilespmem:$0xA000] =	vst v63  }
0x99: {  	s4 =	sld [smem:$0x7DE];
	_ =	sdelay $0x1  }
0x9a: {  	s6 =	simm.s32 $0x5580  }
0x9b: {  	[tilespmem:s6], [sflag:$0x2] =	stream.linear.gather [spmem:s4], $0x80, $0x38;
	[tilespmem:$0xA000] =	vst v63  }
0x9c: {  	s4 =	sld [smem:$0x7DF];
	_ =	sdelay $0x1  }
0x9d: {  	s6 =	simm.s32 $0x5980  }
0x9e: {  	[tilespmem:s6], [sflag:$0x2] =	stream.linear.gather [spmem:s4], $0x80, $0x38;
	[tilespmem:$0xA000] =	vst v63  }
0x9f: {  	s4 =	sld [smem:$0x7E0];
	_ =	sdelay $0x1  }
0xa0: {  	s6 =	simm.s32 $0x5D80  }
0xa1: {  	[tilespmem:s6], [sflag:$0x2] =	stream.linear.gather [spmem:s4], $0x80, $0x38;
	[tilespmem:$0xA000] =	vst v63  }
0xa2: {  	s4 =	sld [smem:$0x7E1];
	_ =	sdelay $0x1  }
0xa3: {  	s6 =	simm.s32 $0x6180  }
0xa4: {  	[tilespmem:s6], [sflag:$0x2] =	stream.linear.gather [spmem:s4], $0x80, $0x38;
	[tilespmem:$0xA000] =	vst v63  }
0xa5: {  	_ =	swait.ge [sflag:s31], $0x280  }
0xa6: {  	[sflag:s31] =	ssyncset.done $0x0  }
0xa7: {  	s6 =	simm.s32 $0x5200;
	s4 =	rddreg [dreg:$0x8];
	[sflag:s31] =	ssyncadd.s32 $0xFFFFFD80  }
0xa8: {  	[tilespmem:s6], [sflag:$0x2] =	stream.linear.gather [spmem:s4], $0x80, $0x38;
	[tilespmem:$0xA000] =	vst v63  }
0xa9: {  	s4 =	sld [smem:$0x7E2];
	_ =	sdelay $0x1  }
0xaa: {  	s6 =	simm.s32 $0x5600  }
0xab: {  	[tilespmem:s6], [sflag:$0x2] =	stream.linear.gather [spmem:s4], $0x80, $0x38;
	[tilespmem:$0xA000] =	vst v63  }
0xac: {  	s4 =	sld [smem:$0x7E3];
	_ =	sdelay $0x1  }
0xad: {  	s6 =	simm.s32 $0x5A00  }
0xae: {  	[tilespmem:s6], [sflag:$0x2] =	stream.linear.gather [spmem:s4], $0x80, $0x38;
	[tilespmem:$0xA000] =	vst v63  }
0xaf: {  	s4 =	sld [smem:$0x7E4];
	_ =	sdelay $0x1  }
0xb0: {  	s6 =	simm.s32 $0x5E00  }
0xb1: {  	[tilespmem:s6], [sflag:$0x2] =	stream.linear.gather [spmem:s4], $0x80, $0x38;
	[tilespmem:$0xA000] =	vst v63  }
0xb2: {  	s4 =	sld [smem:$0x7E5];
	_ =	sdelay $0x1  }
0xb3: {  	s6 =	simm.s32 $0x6200  }
0xb4: {  	[tilespmem:s6], [sflag:$0x2] =	stream.linear.gather [spmem:s4], $0x80, $0x38;
	[tilespmem:$0xA000] =	vst v63  }
0xb5: {  	_ =	swait.ge [sflag:s31], $0x280  }
0xb6: {  	[sflag:s31] =	ssyncset.done $0x0  }
0xb7: {  	s6 =	simm.s32 $0x5280;
	s4 =	rddreg [dreg:$0x9];
	[sflag:s31] =	ssyncadd.s32 $0xFFFFFD80  }
0xb8: {  	[tilespmem:s6], [sflag:$0x2] =	stream.linear.gather [spmem:s4], $0x80, $0x38;
	[tilespmem:$0xA000] =	vst v63  }
0xb9: {  	s4 =	sld [smem:$0x7E6];
	_ =	sdelay $0x1  }
0xba: {  	s6 =	simm.s32 $0x5680  }
0xbb: {  	[tilespmem:s6], [sflag:$0x2] =	stream.linear.gather [spmem:s4], $0x80, $0x38;
	[tilespmem:$0xA000] =	vst v63  }
0xbc: {  	s4 =	sld [smem:$0x7E7];
	_ =	sdelay $0x1  }
0xbd: {  	s6 =	simm.s32 $0x5A80  }
0xbe: {  	[tilespmem:s6], [sflag:$0x2] =	stream.linear.gather [spmem:s4], $0x80, $0x38;
	[tilespmem:$0xA000] =	vst v63  }
0xbf: {  	s4 =	sld [smem:$0x7E8];
	_ =	sdelay $0x1  }
0xc0: {  	s6 =	simm.s32 $0x5E80  }
0xc1: {  	[tilespmem:s6], [sflag:$0x2] =	stream.linear.gather [spmem:s4], $0x80, $0x38;
	[tilespmem:$0xA000] =	vst v63  }
0xc2: {  	s4 =	sld [smem:$0x7E9];
	_ =	sdelay $0x1  }
0xc3: {  	s6 =	simm.s32 $0x6280  }
0xc4: {  	[tilespmem:s6], [sflag:$0x2] =	stream.linear.gather [spmem:s4], $0x80, $0x38;
	[tilespmem:$0xA000] =	vst v63  }
0xc5: {  	_ =	swait.ge [sflag:s31], $0x280  }
0xc6: {  	[sflag:s31] =	ssyncset.done $0x0  }
0xc7: {  	s6 =	simm.s32 $0x5300;
	s4 =	rddreg [dreg:$0xa];
	[sflag:s31] =	ssyncadd.s32 $0xFFFFFD80  }
0xc8: {  	[tilespmem:s6], [sflag:$0x2] =	stream.linear.gather [spmem:s4], $0x80, $0x38;
	[tilespmem:$0xA000] =	vst v63  }
0xc9: {  	s4 =	sld [smem:$0x7EA];
	_ =	sdelay $0x1  }
0xca: {  	s6 =	simm.s32 $0x5700  }
0xcb: {  	[tilespmem:s6], [sflag:$0x2] =	stream.linear.gather [spmem:s4], $0x80, $0x38;
	[tilespmem:$0xA000] =	vst v63  }
0xcc: {  	s4 =	sld [smem:$0x7EB];
	_ =	sdelay $0x1  }
0xcd: {  	s6 =	simm.s32 $0x5B00  }
0xce: {  	[tilespmem:s6], [sflag:$0x2] =	stream.linear.gather [spmem:s4], $0x80, $0x38;
	[tilespmem:$0xA000] =	vst v63  }
0xcf: {  	s4 =	sld [smem:$0x7EC];
	_ =	sdelay $0x1  }
0xd0: {  	s6 =	simm.s32 $0x5F00  }
0xd1: {  	[tilespmem:s6], [sflag:$0x2] =	stream.linear.gather [spmem:s4], $0x80, $0x38;
	[tilespmem:$0xA000] =	vst v63  }
0xd2: {  	s4 =	sld [smem:$0x7ED];
	_ =	sdelay $0x1  }
0xd3: {  	s6 =	simm.s32 $0x6300  }
0xd4: {  	[tilespmem:s6], [sflag:$0x2] =	stream.linear.gather [spmem:s4], $0x80, $0x38;
	[tilespmem:$0xA000] =	vst v63  }
0xd5: {  	_ =	swait.ge [sflag:s31], $0x280  }
0xd6: {  	[sflag:s31] =	ssyncset.done $0x0  }
0xd7: {  	s6 =	simm.s32 $0x5380;
	s4 =	rddreg [dreg:$0xb];
	[sflag:s31] =	ssyncadd.s32 $0xFFFFFD80  }
0xd8: {  	[tilespmem:s6], [sflag:$0x2] =	stream.linear.gather [spmem:s4], $0x80, $0x38;
	[tilespmem:$0xA000] =	vst v63  }
0xd9: {  	s4 =	sld [smem:$0x7EE];
	_ =	sdelay $0x1  }
0xda: {  	s6 =	simm.s32 $0x5780  }
0xdb: {  	[tilespmem:s6], [sflag:$0x2] =	stream.linear.gather [spmem:s4], $0x80, $0x38;
	[tilespmem:$0xA000] =	vst v63  }
0xdc: {  	s4 =	sld [smem:$0x7EF];
	_ =	sdelay $0x1  }
0xdd: {  	s6 =	simm.s32 $0x5B80  }
0xde: {  	[tilespmem:s6], [sflag:$0x2] =	stream.linear.gather [spmem:s4], $0x80, $0x38;
	[tilespmem:$0xA000] =	vst v63  }
0xdf: {  	s4 =	sld [smem:$0x7F0];
	_ =	sdelay $0x1  }
0xe0: {  	s6 =	simm.s32 $0x5F80  }
0xe1: {  	[tilespmem:s6], [sflag:$0x2] =	stream.linear.gather [spmem:s4], $0x80, $0x38;
	[tilespmem:$0xA000] =	vst v63  }
0xe2: {  	s4 =	sld [smem:$0x7F1];
	_ =	sdelay $0x1  }
0xe3: {  	s6 =	simm.s32 $0x6380  }
0xe4: {  	[tilespmem:s6], [sflag:$0x2] =	stream.linear.gather [spmem:s4], $0x80, $0x38;
	[tilespmem:$0xA000] =	vst v63  }
0xe5: {  	_ =	swait.ge [sflag:s31], $0x280  }
0xe6: {  	[sflag:s31] =	ssyncset.done $0x0  }
0xe7: {  	s6 =	simm.s32 $0x6400;
	s4 =	rddreg [dreg:$0xc];
	[sflag:s31] =	ssyncadd.s32 $0xFFFFFD80  }
0xe8: {  	[tilespmem:s6], [sflag:$0x2] =	stream.linear.gather [spmem:s4], $0x80, $0x38;
	[tilespmem:$0xA000] =	vst v63  }
0xe9: {  	s4 =	sld [smem:$0x7F2];
	_ =	sdelay $0x1  }
0xea: {  	s6 =	simm.s32 $0x6800  }
0xeb: {  	[tilespmem:s6], [sflag:$0x2] =	stream.linear.gather [spmem:s4], $0x80, $0x38;
	[tilespmem:$0xA000] =	vst v63  }
0xec: {  	s4 =	sld [smem:$0x7F3];
	_ =	sdelay $0x1  }
0xed: {  	s6 =	simm.s32 $0x6C00  }
0xee: {  	[tilespmem:s6], [sflag:$0x2] =	stream.linear.gather [spmem:s4], $0x80, $0x38;
	[tilespmem:$0xA000] =	vst v63  }
0xef: {  	s4 =	sld [smem:$0x7F4];
	_ =	sdelay $0x1  }
0xf0: {  	s6 =	simm.s32 $0x7000  }
0xf1: {  	[tilespmem:s6], [sflag:$0x2] =	stream.linear.gather [spmem:s4], $0x80, $0x38;
	[tilespmem:$0xA000] =	vst v63  }
0xf2: {  	s4 =	sld [smem:$0x7F5];
	_ =	sdelay $0x1  }
0xf3: {  	s6 =	simm.s32 $0x7400  }
0xf4: {  	[tilespmem:s6], [sflag:$0x2] =	stream.linear.gather [spmem:s4], $0x80, $0x38;
	[tilespmem:$0xA000] =	vst v63  }
0xf5: {  	_ =	swait.ge [sflag:s31], $0x280  }
0xf6: {  	[sflag:s31] =	ssyncset.done $0x0  }
0xf7: {  	s6 =	simm.s32 $0x6480;
	s4 =	rddreg [dreg:$0xd];
	[sflag:s31] =	ssyncadd.s32 $0xFFFFFD80  }
0xf8: {  	[tilespmem:s6], [sflag:$0x2] =	stream.linear.gather [spmem:s4], $0x80, $0x38;
	[tilespmem:$0xA000] =	vst v63  }
0xf9: {  	s4 =	sld [smem:$0x7F6];
	_ =	sdelay $0x1  }
0xfa: {  	s6 =	simm.s32 $0x6880  }
0xfb: {  	[tilespmem:s6], [sflag:$0x2] =	stream.linear.gather [spmem:s4], $0x80, $0x38;
	[tilespmem:$0xA000] =	vst v63  }
0xfc: {  	s4 =	sld [smem:$0x7F7];
	_ =	sdelay $0x1  }
0xfd: {  	s6 =	simm.s32 $0x6C80  }
0xfe: {  	[tilespmem:s6], [sflag:$0x2] =	stream.linear.gather [spmem:s4], $0x80, $0x38;
	[tilespmem:$0xA000] =	vst v63  }
0xff: {  	s4 =	sld [smem:$0x7F8];
	_ =	sdelay $0x1  }
0x100: {  	s6 =	simm.s32 $0x7080  }
0x101: {  	[tilespmem:s6], [sflag:$0x2] =	stream.linear.gather [spmem:s4], $0x80, $0x38;
	[tilespmem:$0xA000] =	vst v63  }
0x102: {  	s4 =	sld [smem:$0x7F9];
	_ =	sdelay $0x1  }
0x103: {  	s6 =	simm.s32 $0x7480  }
0x104: {  	[tilespmem:s6], [sflag:$0x2] =	stream.linear.gather [spmem:s4], $0x80, $0x38;
	[tilespmem:$0xA000] =	vst v63  }
0x105: {  	_ =	swait.ge [sflag:s31], $0x280  }
0x106: {  	[sflag:s31] =	ssyncset.done $0x0  }
0x107: {  	s6 =	simm.s32 $0x6500;
	s4 =	rddreg [dreg:$0xe];
	[sflag:s31] =	ssyncadd.s32 $0xFFFFFD80  }
0x108: {  	[tilespmem:s6], [sflag:$0x2] =	stream.linear.gather [spmem:s4], $0x80, $0x38;
	[tilespmem:$0xA000] =	vst v63  }
0x109: {  	s4 =	sld [smem:$0x7FA];
	_ =	sdelay $0x1  }
0x10a: {  	s6 =	simm.s32 $0x6900  }
0x10b: {  	[tilespmem:s6], [sflag:$0x2] =	stream.linear.gather [spmem:s4], $0x80, $0x38;
	[tilespmem:$0xA000] =	vst v63  }
0x10c: {  	s4 =	sld [smem:$0x7FB];
	_ =	sdelay $0x1  }
0x10d: {  	s6 =	simm.s32 $0x6D00  }
0x10e: {  	[tilespmem:s6], [sflag:$0x2] =	stream.linear.gather [spmem:s4], $0x80, $0x38;
	[tilespmem:$0xA000] =	vst v63  }
0x10f: {  	s4 =	sld [smem:$0x7FC];
	_ =	sdelay $0x1  }
0x110: {  	s6 =	simm.s32 $0x7100  }
0x111: {  	[tilespmem:s6], [sflag:$0x2] =	stream.linear.gather [spmem:s4], $0x80, $0x38;
	[tilespmem:$0xA000] =	vst v63  }
0x112: {  	s4 =	sld [smem:$0x7FD];
	_ =	sdelay $0x1  }
0x113: {  	s6 =	simm.s32 $0x7500  }
0x114: {  	[tilespmem:s6], [sflag:$0x2] =	stream.linear.gather [spmem:s4], $0x80, $0x38;
	[tilespmem:$0xA000] =	vst v63  }
0x115: {  	_ =	swait.ge [sflag:s31], $0x280  }
0x116: {  	[sflag:s31] =	ssyncset.done $0x0  }
0x117: {  	s4 =	simm.s32 $0x6580;
	s3 =	rddreg [dreg:$0xf];
	[sflag:s31] =	ssyncadd.s32 $0xFFFFFD80  }
0x118: {  	[tilespmem:s4], [sflag:$0x2] =	stream.linear.gather [spmem:s3], $0x80, $0x38;
	[tilespmem:$0xA000] =	vst v63  }
0x119: {  	s6 =	simm.s32 $0x6980  }
0x11a: {  	[tilespmem:s6], [sflag:$0x2] =	stream.linear.gather [spmem:s7], $0x80, $0x38;
	[tilespmem:$0xA000] =	vst v63  }
0x11b: {  	s3 =	simm.s32 $0x6D80  }
0x11c: {  	[tilespmem:s3], [sflag:$0x2] =	stream.linear.gather [spmem:s8], $0x80, $0x38;
	[tilespmem:$0xA000] =	vst v63  }
0x11d: {  	s4 =	simm.s32 $0x7180  }
0x11e: {  	[tilespmem:s4], [sflag:$0x2] =	stream.linear.gather [spmem:s9], $0x80, $0x38;
	[tilespmem:$0xA000] =	vst v63  }
0x11f: {  	s6 =	simm.s32 $0x7580  }
0x120: {  	[tilespmem:s6], [sflag:$0x2] =	stream.linear.gather [spmem:s10], $0x80, $0x38;
	[tilespmem:$0xA000] =	vst v63  }
0x121: {  	_ =	swait.ge [sflag:s31], $0x280  }
0x122: {  	[sflag:s31] =	ssyncset.done $0x0  }
0x123: {  	s4 =	simm.s32 $0x6600;
	s3 =	rddreg [dreg:$0x10];
	[sflag:s31] =	ssyncadd.s32 $0xFFFFFD80  }
0x124: {  	[tilespmem:s4], [sflag:$0x2] =	stream.linear.gather [spmem:s3], $0x80, $0x38;
	[tilespmem:$0xA000] =	vst v63  }
0x125: {  	s6 =	simm.s32 $0x6A00  }
0x126: {  	[tilespmem:s6], [sflag:$0x2] =	stream.linear.gather [spmem:s11], $0x80, $0x38;
	[tilespmem:$0xA000] =	vst v63  }
0x127: {  	s3 =	simm.s32 $0x6E00  }
0x128: {  	[tilespmem:s3], [sflag:$0x2] =	stream.linear.gather [spmem:s12], $0x80, $0x38;
	[tilespmem:$0xA000] =	vst v63  }
0x129: {  	s4 =	simm.s32 $0x7200  }
0x12a: {  	[tilespmem:s4], [sflag:$0x2] =	stream.linear.gather [spmem:s13], $0x80, $0x38;
	[tilespmem:$0xA000] =	vst v63  }
0x12b: {  	s6 =	simm.s32 $0x7600  }
0x12c: {  	[tilespmem:s6], [sflag:$0x2] =	stream.linear.gather [spmem:s14], $0x80, $0x38;
	[tilespmem:$0xA000] =	vst v63  }
0x12d: {  	_ =	swait.ge [sflag:s31], $0x280  }
0x12e: {  	[sflag:s31] =	ssyncset.done $0x0  }
0x12f: {  	s4 =	simm.s32 $0x6680;
	s3 =	rddreg [dreg:$0x11];
	[sflag:s31] =	ssyncadd.s32 $0xFFFFFD80  }
0x130: {  	[tilespmem:s4], [sflag:$0x2] =	stream.linear.gather [spmem:s3], $0x80, $0x38;
	[tilespmem:$0xA000] =	vst v63  }
0x131: {  	s6 =	simm.s32 $0x6A80  }
0x132: {  	[tilespmem:s6], [sflag:$0x2] =	stream.linear.gather [spmem:s15], $0x80, $0x38;
	[tilespmem:$0xA000] =	vst v63  }
0x133: {  	s3 =	simm.s32 $0x6E80  }
0x134: {  	[tilespmem:s3], [sflag:$0x2] =	stream.linear.gather [spmem:s16], $0x80, $0x38;
	[tilespmem:$0xA000] =	vst v63  }
0x135: {  	s4 =	simm.s32 $0x7280  }
0x136: {  	[tilespmem:s4], [sflag:$0x2] =	stream.linear.gather [spmem:s17], $0x80, $0x38;
	[tilespmem:$0xA000] =	vst v63  }
0x137: {  	s6 =	simm.s32 $0x7680  }
0x138: {  	[tilespmem:s6], [sflag:$0x2] =	stream.linear.gather [spmem:s18], $0x80, $0x38;
	[tilespmem:$0xA000] =	vst v63  }
0x139: {  	_ =	swait.ge [sflag:s31], $0x280  }
0x13a: {  	[sflag:s31] =	ssyncset.done $0x0  }
0x13b: {  	s4 =	simm.s32 $0x6700;
	s3 =	rddreg [dreg:$0x12];
	[sflag:s31] =	ssyncadd.s32 $0xFFFFFD80  }
0x13c: {  	[tilespmem:s4], [sflag:$0x2] =	stream.linear.gather [spmem:s3], $0x80, $0x38;
	[tilespmem:$0xA000] =	vst v63  }
0x13d: {  	s6 =	simm.s32 $0x6B00  }
0x13e: {  	[tilespmem:s6], [sflag:$0x2] =	stream.linear.gather [spmem:s19], $0x80, $0x38;
	[tilespmem:$0xA000] =	vst v63  }
0x13f: {  	s3 =	simm.s32 $0x6F00  }
0x140: {  	[tilespmem:s3], [sflag:$0x2] =	stream.linear.gather [spmem:s20], $0x80, $0x38;
	[tilespmem:$0xA000] =	vst v63  }
0x141: {  	s4 =	simm.s32 $0x7300  }
0x142: {  	[tilespmem:s4], [sflag:$0x2] =	stream.linear.gather [spmem:s21], $0x80, $0x38;
	[tilespmem:$0xA000] =	vst v63  }
0x143: {  	s6 =	simm.s32 $0x7700  }
0x144: {  	[tilespmem:s6], [sflag:$0x2] =	stream.linear.gather [spmem:s22], $0x80, $0x38;
	[tilespmem:$0xA000] =	vst v63  }
0x145: {  	_ =	swait.ge [sflag:s31], $0x280  }
0x146: {  	[sflag:s31] =	ssyncset.done $0x0  }
0x147: {  	s4 =	simm.s32 $0x6780;
	s3 =	rddreg [dreg:$0x13];
	[sflag:s31] =	ssyncadd.s32 $0xFFFFFD80  }
0x148: {  	[tilespmem:s4], [sflag:$0x2] =	stream.linear.gather [spmem:s3], $0x80, $0x38;
	[tilespmem:$0xA000] =	vst v63  }
0x149: {  	s6 =	simm.s32 $0x6B80  }
0x14a: {  	[tilespmem:s6], [sflag:$0x2] =	stream.linear.gather [spmem:s23], $0x80, $0x38;
	[tilespmem:$0xA000] =	vst v63  }
0x14b: {  	s3 =	simm.s32 $0x6F80  }
0x14c: {  	[tilespmem:s3], [sflag:$0x2] =	stream.linear.gather [spmem:s24], $0x80, $0x38;
	[tilespmem:$0xA000] =	vst v63  }
0x14d: {  	s4 =	simm.s32 $0x7380  }
0x14e: {  	[tilespmem:s4], [sflag:$0x2] =	stream.linear.gather [spmem:s25], $0x80, $0x38;
	[tilespmem:$0xA000] =	vst v63  }
0x14f: {  	s6 =	simm.s32 $0x7780  }
0x150: {  	[tilespmem:s6], [sflag:$0x2] =	stream.linear.gather [spmem:s26], $0x80, $0x38;
	[tilespmem:$0xA000] =	vst v63  }
0x151: {  	s3 =	simm.s32 $0x0;
	_ =	swait.ge [sflag:s31], $0x280  }
0x152: {  	s2 =	sand.u32 $0x1C00, s3;
	s4 =	sand.u32 $0x70, s3;
	[sflag:s31] =	ssyncset.done $0x0  }
0x153: {  	s2 =	sor.u32 s4, s2;
	[sflag:s31] =	ssyncadd.s32 $0xFFFFFD80  }
0x154: {  	v2 =	vld [tilespmem:s2+$0x5080]  }
0x155: {  	v3 =	vld [tilespmem:s2+$0x5000];
	_ =	sdelay $0x1  }
0x156: {  	v4 =	vld [tilespmem:s2+$0x5100];
	_ =	sdelay $0x1  }
0x157: {  	v5 =	vld [tilespmem:s2+$0x5180]  }
0x158: {  	v2 =	vadd.f32 v2, v3  }
0x159: {  	v3 =	vld [tilespmem:s2+$0x5200]  }
0x15a: {  	v2 =	vadd.f32 v4, v2  }
0x15b: {  	v56 =	vld [tilespmem:s2+$0x5280]  }
0x15c: {  	v2 =	vadd.f32 v5, v2  }
0x15d: {  	v57 =	vld [tilespmem:s2+$0x5300]  }
0x15e: {  	v2 =	vadd.f32 v3, v2  }
0x15f: {  	v3 =	vld [tilespmem:s2+$0x5380]  }
0x160: {  	v2 =	vadd.f32 v56, v2  }
0x161: {  	v58 =	vld [tilespmem:s2+$0x6400]  }
0x162: {  	v2 =	vadd.f32 v57, v2  }
0x163: {  	v59 =	vld [tilespmem:s2+$0x6480]  }
0x164: {  	v2 =	vadd.f32 v3, v2  }
0x165: {  	v3 =	vld [tilespmem:s2+$0x6500]  }
0x166: {  	v2 =	vadd.f32 v58, v2  }
0x167: {  	v60 =	vld [tilespmem:s2+$0x6580]  }
0x168: {  	v2 =	vadd.f32 v59, v2  }
0x169: {  	v61 =	vld [tilespmem:s2+$0x6600]  }
0x16a: {  	v2 =	vadd.f32 v3, v2  }
0x16b: {  	v3 =	vld [tilespmem:s2+$0x6680]  }
0x16c: {  	v2 =	vadd.f32 v60, v2  }
0x16d: {  	v62 =	vld [tilespmem:s2+$0x6700]  }
0x16e: {  	v2 =	vadd.f32 v61, v2  }
0x16f: {  	v63 =	vld [tilespmem:s2+$0x6780]  }
0x170: {  	v2 =	vadd.f32 v3, v2;
	_ =	sdelay $0x1  }
0x171: {  	v2 =	vadd.f32 v62, v2;
	_ =	sdelay $0x1  }
0x172: {  	s3 =	simm.s32 $0x80;
	s6 =	simm.s32 $0x10;
	v2 =	vadd.f32 v63, v2  }
0x173: {  	s4 =	sand.u32 $0x1C00, s3;
	s2 =	sand.u32 $0x70, s6  }
0x174: {  	s2 =	sor.u32 s2, s4;
	s4 =	simm.s32 $0x20;
	[tilespmem:s0+$0x0] =	vst v2  }
.LBB2_6:
0x175: {  	p0 =	sne.s32 s4, $0x270;
	v2 =	vld [tilespmem:s2+$0x5080]  }
0x176: {  	v3 =	vld [tilespmem:s2+$0x5000];
	_ =	sdelay $0x1  }
0x177: {  	v4 =	vld [tilespmem:s2+$0x5100];
	_ =	sdelay $0x1  }
0x178: {  	v5 =	vld [tilespmem:s2+$0x5180]  }
0x179: {  	v2 =	vadd.f32 v2, v3  }
0x17a: {  	v3 =	vld [tilespmem:s2+$0x5200]  }
0x17b: {  	v2 =	vadd.f32 v4, v2  }
0x17c: {  	v4 =	vld [tilespmem:s2+$0x5280]  }
0x17d: {  	v2 =	vadd.f32 v5, v2  }
0x17e: {  	v5 =	vld [tilespmem:s2+$0x5300]  }
0x17f: {  	v2 =	vadd.f32 v3, v2  }
0x180: {  	v3 =	vld [tilespmem:s2+$0x5380]  }
0x181: {  	v2 =	vadd.f32 v4, v2  }
0x182: {  	v4 =	vld [tilespmem:s2+$0x6400]  }
0x183: {  	v2 =	vadd.f32 v5, v2  }
0x184: {  	v5 =	vld [tilespmem:s2+$0x6480]  }
0x185: {  	v2 =	vadd.f32 v3, v2  }
0x186: {  	v3 =	vld [tilespmem:s2+$0x6500]  }
0x187: {  	v2 =	vadd.f32 v4, v2  }
0x188: {  	v4 =	vld [tilespmem:s2+$0x6580]  }
0x189: {  	v2 =	vadd.f32 v5, v2  }
0x18a: {  	v5 =	vld [tilespmem:s2+$0x6600]  }
0x18b: {  	v2 =	vadd.f32 v3, v2  }
0x18c: {  	v3 =	vld [tilespmem:s2+$0x6680]  }
0x18d: {  	v2 =	vadd.f32 v4, v2  }
0x18e: {  	v4 =	vld [tilespmem:s2+$0x6700]  }
0x18f: {  	v2 =	vadd.f32 v5, v2  }
0x190: {  	v5 =	vld [tilespmem:s2+$0x6780]  }
0x191: {  	v2 =	vadd.f32 v3, v2;
	_ =	sdelay $0x1  }
.Ltmp2:
0x192: {  	v2 =	vadd.f32 v4, v2;
	(pc) =	sbr.rel @p0 .LBB2_6-.Ltmp2, $4  }
0x193: {  	_ = 	snop  }
0x194: {  	s3 =	sadd.s32 $0x80, s3;
	v2 =	vadd.f32 v5, v2  }
0x195: {  	s0 =	sadd.s32 $0x10, s0;
	s6 =	sand.u32 $0x1C00, s3;
	s2 =	sand.u32 $0x70, s4  }
0x196: {  	s4 =	sadd.s32 $0x10, s4;
	s2 =	sor.u32 s2, s6;
	[tilespmem:s0+$0x0] =	vst v2  }
0x197: {  	v2 =	vld [tilespmem:s2+$0x5080]  }
0x198: {  	v3 =	vld [tilespmem:s2+$0x5000];
	_ =	sdelay $0x1  }
0x199: {  	v4 =	vld [tilespmem:s2+$0x5100];
	_ =	sdelay $0x1  }
0x19a: {  	v5 =	vld [tilespmem:s2+$0x5180]  }
0x19b: {  	v2 =	vadd.f32 v2, v3  }
0x19c: {  	v3 =	vld [tilespmem:s2+$0x5200]  }
0x19d: {  	v2 =	vadd.f32 v4, v2  }
0x19e: {  	v56 =	vld [tilespmem:s2+$0x5280]  }
0x19f: {  	v2 =	vadd.f32 v5, v2  }
0x1a0: {  	v57 =	vld [tilespmem:s2+$0x5300]  }
0x1a1: {  	v2 =	vadd.f32 v3, v2  }
0x1a2: {  	v3 =	vld [tilespmem:s2+$0x5380]  }
0x1a3: {  	v2 =	vadd.f32 v56, v2  }
0x1a4: {  	v58 =	vld [tilespmem:s2+$0x6400]  }
0x1a5: {  	v2 =	vadd.f32 v57, v2  }
0x1a6: {  	v59 =	vld [tilespmem:s2+$0x6480]  }
0x1a7: {  	v2 =	vadd.f32 v3, v2  }
0x1a8: {  	v3 =	vld [tilespmem:s2+$0x6500]  }
0x1a9: {  	v2 =	vadd.f32 v58, v2  }
0x1aa: {  	v60 =	vld [tilespmem:s2+$0x6580]  }
0x1ab: {  	v2 =	vadd.f32 v59, v2  }
0x1ac: {  	v61 =	vld [tilespmem:s2+$0x6600]  }
0x1ad: {  	v2 =	vadd.f32 v3, v2  }
0x1ae: {  	v3 =	vld [tilespmem:s2+$0x6680]  }
0x1af: {  	v2 =	vadd.f32 v60, v2  }
0x1b0: {  	v62 =	vld [tilespmem:s2+$0x6700]  }
0x1b1: {  	v2 =	vadd.f32 v61, v2  }
0x1b2: {  	v63 =	vld [tilespmem:s2+$0x6780]  }
0x1b3: {  	v2 =	vadd.f32 v3, v2;
	_ =	sdelay $0x1  }
0x1b4: {  	v2 =	vadd.f32 v62, v2;
	_ =	sdelay $0x1  }
0x1b5: {  	v2 =	vadd.f32 v63, v2  }
0x1b6: {  	s0 =	sadd.s32 $0x10, s0  }
0x1b7: {  	s3 =	rddreg [dreg:$0x14];
	s4 =	simm.s32 $0x100;
	[tilespmem:s0+$0x0] =	vst v2  }
0x1b8: {  	[hbm4b:s3+s30] =	stream.strided.scatter [tilespmem:s29], [sflag:$0x2], $0x280, s4, s30, $0x38;
	[tilespmem:$0xA000] =	vst v63  }
0x1b9: {  	_ =	swait.ge [sflag:s31], $0x280  }
0x1ba: {  	s1 =	sadd.s32 $0x1, s1;
	s6 =	rddreg [dreg:$0x15]  }
0x1bb: {  	p0 =	sne.s32 s1, s6  }
.Ltmp3:
0x1bc: {  	_ = 	snop;
	(pc) =	sbr.rel @p0 .LBB2_1-.Ltmp3, $3  }
0x1bd: {  	_ =	sdelay $0x1  }
0x1be: {  	[sflag:s31] =	ssyncset.done $0x0  }
0x1bf: {  	[sflag:s31] =	ssyncadd.s32 $0xFFFFFD80  }
0x1c0: {  	_ =	sfence.sel $0x180000  }
0x1c1: {  	[bflag:$0x0] =	sbarrier.arrive $0xFFFF  }
0x1c2: {  	_ =	strace $0x90000047  }
0x1c3: {  	s0 =	stileid.u32;
	[bflag:$0x2] =	sbarrier.arrive $0xFFFF  }
0x1c4: {  	p0 =	sne.s32 s0, $0x0;
	s0 =	rddreg [dreg:$0x2]  }
0x1c5: {  	s0 =	sadd.s32 @!p0 $0x100000, s0  }
0x1c6: {  	[sflag:s0] =	ssyncadd.tile.s32 @!p0 $0x1;
	_ =	shalt  }
.Lfunc_end2:
_tile_overlayer_lowered:
.L_overlay_start_2:
0x1c7: {  	(tag) =	ssettag $0x2  }
0x1c8: {  	s0 =	rddreg [dreg:$0x0];
	s2 =	stileid.u32  }
0x1c9: {  	s1 =	rddreg [dreg:$0x1];
	p0 =	sne.s32 s2, $0x0  }
0x1ca: {  	s3 =	rddreg [dreg:$0x2];
	[bflag:$0x3] =	sbarrier.arrive $0xFFFF;
	s2 =	simm.s32 @!p0 $0x1C02  }
0x1cb: {  	[timem:s3], [sflag:s2] =	dma.local @!p0 [hbm:s0], s1  }
0x1cc: {  	s0 =	simm.s32 @!p0 $0x2  }
0x1cd: {  	_ =	swait.ge @!p0 [sflag:s0], s1  }
0x1ce: {  	s1 =	ssub.s32 @!p0 $0x0, s1;
	[sflag:s0] =	ssyncset.done @!p0 $0x0  }
0x1cf: {  	[sflag:s0] =	ssyncadd.s32 @!p0 s1  }
0x1d0: {  	[bflag:$0x3] =	sbarrier.arrive $0xFFFF  }
0x1d1: {  	_ =	shalt  }

</sc_bundles>
